<compile_context>
chip_gen: v7x
topology: tpu7x:2x2x1
jax: 0.10.2.dev20260603
libtpu: 0.0.44.dev20260713+nightly
codegen_flags: <defaults>
</compile_context>

<pallas_src>
import functools
import jax
import jax.numpy as jnp
from jax import lax
from jax.experimental import pallas as pl
from jax.experimental.pallas import tpu as pltpu
from jax.experimental.pallas import tpu_sc as plsc

B, N, F, H = 4, 10000, 128, 128
E = 320000
E2 = 2 * E
NC, NS = 2, 16
CH = 80
CH_S = 80
EPT = E2 // NS
RPT = 640
RPT_LAST = N - (NS - 1) * RPT

_mesh = plsc.VectorSubcoreMesh(
    core_axis_name="c", subcore_axis_name="s", num_cores=NC, num_subcores=NS)


def _ranged_copy(s, make_src, make_dst):
    r0 = s * RPT

    @pl.when(s < NS - 1)
    def _():
        pltpu.sync_copy(make_src(r0, RPT), make_dst(r0, RPT))

    @pl.when(s == NS - 1)
    def _():
        pltpu.sync_copy(make_src(r0, RPT_LAST), make_dst(r0, RPT_LAST))



@functools.partial(
    pl.kernel,
    out_type=jax.ShapeDtypeStruct((2 * N, 128), jnp.float32),
    mesh=_mesh,
    scratch_types=[
        pltpu.VMEM((CH,), jnp.int32),
        pltpu.VMEM((CH, 128), jnp.float32),
        pltpu.VMEM_SHARED((N, 128), jnp.float32),
    ],
)
def _deg_kernel(ei_hbm, zeros_hbm, ones_hbm, out_hbm, idx_v, ones_v, deg_sp):
    c = lax.axis_index("c")
    s = lax.axis_index("s")
    _ranged_copy(s, lambda r, n: zeros_hbm.at[pl.ds(r, n)],
                 lambda r, n: deg_sp.at[pl.ds(r, n)])
    pltpu.sync_copy(ones_hbm, ones_v)
    plsc.subcore_barrier()
    ipt = E // NS
    base = c * E + s * ipt

    def body(i, carry):
        pltpu.sync_copy(ei_hbm.at[pl.ds(base + i * CH, CH)], idx_v)
        pltpu.sync_copy(ones_v, deg_sp.at[idx_v], add=True)
        return carry

    lax.fori_loop(0, ipt // CH, body, 0)
    plsc.subcore_barrier()
    _ranged_copy(s, lambda r, n: deg_sp.at[pl.ds(r, n)],
                 lambda r, n: out_hbm.at[pl.ds(c * N + r, n)])


@functools.partial(
    pl.kernel,
    out_type=jax.ShapeDtypeStruct((B * N, H), jnp.float32),
    mesh=_mesh,
    scratch_types=[
        pltpu.VMEM((CH_S,), jnp.int32),
        pltpu.VMEM((CH_S,), jnp.int32),
        pltpu.VMEM((CH_S, H), jnp.float32),
        pltpu.VMEM_SHARED((N, H), jnp.float32),
        pltpu.SemaphoreType.DMA,
    ],
)
def _spmm_kernel(g_hbm, src_hbm, dst_hbm, zeros_hbm, out_hbm,
                 src_v, dst_v, rows_v, acc_sp, sem):
    c = lax.axis_index("c")
    s = lax.axis_index("s")
    ebase = s * EPT

    for bph in range(B // NC):
        b = c * (B // NC) + bph
        off = b * N
        _ranged_copy(s, lambda r, n: zeros_hbm.at[pl.ds(r, n)],
                     lambda r, n: acc_sp.at[pl.ds(r, n)])
        plsc.subcore_barrier()

        def body(i, carry):
            e0 = ebase + i * CH_S
            pltpu.sync_copy(src_hbm.at[pl.ds(b * E2 + e0, CH_S)], src_v)
            pltpu.sync_copy(dst_hbm.at[pl.ds(e0, CH_S)], dst_v)
            pltpu.async_copy(g_hbm.at[src_v], rows_v, sem).wait()
            pltpu.sync_copy(rows_v, acc_sp.at[dst_v], add=True)
            return carry

        lax.fori_loop(0, EPT // CH_S, body, 0)
        plsc.subcore_barrier()
        _ranged_copy(s, lambda r, n: acc_sp.at[pl.ds(r, n)],
                     lambda r, n: out_hbm.at[pl.ds(off + r, n)])



_BN = 2000
_GRID = (B * N) // _BN
_NB = N // _BN


def _dis_of(degA_ref, degB_ref):
    deg = degA_ref[:, :1] + degB_ref[:, :1] + 1.0
    return lax.rsqrt(deg)


def _tc1_body(x_ref, degA_ref, degB_ref, We_ref, be_ref, W1_ref, b1_ref, g_ref):
    dis = _dis_of(degA_ref, degB_ref)
    x0 = jnp.dot(x_ref[...], We_ref[...],
                 preferred_element_type=jnp.float32) + be_ref[...]
    pre = jnp.dot(x0, W1_ref[...],
                  preferred_element_type=jnp.float32) + b1_ref[...]
    g_ref[...] = dis * pre


def _tcm_body(scat_ref, g_ref, degA_ref, degB_ref, W_ref, b_ref, out_ref):
    dis = _dis_of(degA_ref, degB_ref)
    h = jnp.maximum(dis * (scat_ref[...] + g_ref[...]), 0.0)
    out_ref[...] = dis * (jnp.dot(h, W_ref[...],
                                  preferred_element_type=jnp.float32) + b_ref[...])


def _tcd_body(scat_ref, g_ref, degA_ref, degB_ref, Wd_ref, bd_ref, out_ref):
    dis = _dis_of(degA_ref, degB_ref)
    h = jnp.maximum(dis * (scat_ref[...] + g_ref[...]), 0.0)
    out_ref[...] = jnp.dot(h, Wd_ref[...],
                           preferred_element_type=jnp.float32) + bd_ref[...]


def _row_spec(w):
    return pl.BlockSpec((_BN, w), lambda i: (i, 0))


def _deg_specA():
    return pl.BlockSpec((_BN, 128), lambda i: (i % _NB, 0))


def _deg_specB():
    return pl.BlockSpec((_BN, 128), lambda i: (_NB + (i % _NB), 0))


def _full_spec(r, c):
    return pl.BlockSpec((r, c), lambda i: (0, 0))


def _tc1(x, deg2, W_enc, b_enc, W1, b1):
    return pl.pallas_call(
        _tc1_body,
        grid=(_GRID,),
        in_specs=[_row_spec(F), _deg_specA(), _deg_specB(),
                  _full_spec(F, H), _full_spec(1, H),
                  _full_spec(H, H), _full_spec(1, H)],
        out_specs=_row_spec(H),
        out_shape=jax.ShapeDtypeStruct((B * N, H), jnp.float32),
    )(x, deg2, deg2, W_enc, b_enc, W1, b1)


def _tcm(scat, g, deg2, W, b):
    return pl.pallas_call(
        _tcm_body,
        grid=(_GRID,),
        in_specs=[_row_spec(H), _row_spec(H), _deg_specA(), _deg_specB(),
                  _full_spec(H, H), _full_spec(1, H)],
        out_specs=_row_spec(H),
        out_shape=jax.ShapeDtypeStruct((B * N, H), jnp.float32),
    )(scat, g, deg2, deg2, W, b)


def _tcd(scat, g, deg2, Wd8, bd8):
    return pl.pallas_call(
        _tcd_body,
        grid=(_GRID,),
        in_specs=[_row_spec(H), _row_spec(H), _deg_specA(), _deg_specB(),
                  _full_spec(H, 8), _full_spec(1, 8)],
        out_specs=_row_spec(8),
        out_shape=jax.ShapeDtypeStruct((B * N, 8), jnp.float32),
    )(scat, g, deg2, deg2, Wd8, bd8)



def kernel(x, edge_index, W_enc, b_enc, W1, b1, W2, b2, W3, b3, W_dec, b_dec):
    xb = x.reshape(B * N, F)
    ei = edge_index.astype(jnp.int32)
    ei_flat = ei.reshape(-1)
    src_dir = jnp.concatenate([ei[0], ei[1]])
    dst_all = jnp.concatenate([ei[1], ei[0]])
    offs = (jnp.arange(B, dtype=jnp.int32) * N)[:, None]
    src_all = (src_dir[None, :] + offs).reshape(-1)

    zeros16 = jnp.zeros((N, 128), jnp.float32)
    ones16 = jnp.ones((CH, 128), jnp.float32)
    zerosH = jnp.zeros((N, H), jnp.float32)

    be = b_enc.reshape(1, H)
    b1r = b1.reshape(1, H)
    b2r = b2.reshape(1, H)
    b3r = b3.reshape(1, H)
    Wd8 = jnp.zeros((H, 8), jnp.float32).at[:, :1].set(W_dec)
    bd8 = jnp.zeros((1, 8), jnp.float32).at[0, 0].set(b_dec[0])

    deg2 = _deg_kernel(ei_flat, zeros16, ones16)

    g1 = _tc1(xb, deg2, W_enc, be, W1, b1r)
    scat1 = _spmm_kernel(g1, src_all, dst_all, zerosH)
    g2 = _tcm(scat1, g1, deg2, W2, b2r)
    scat2 = _spmm_kernel(g2, src_all, dst_all, zerosH)
    g3 = _tcm(scat2, g2, deg2, W3, b3r)
    scat3 = _spmm_kernel(g3, src_all, dst_all, zerosH)
    out8 = _tcd(scat3, g3, deg2, Wd8, bd8)

    return out8[:, :1].reshape(B, N, 1)

# --- scband reference (transcript-rebuilt; emitter-appended) ---
"""Pipeline reference for scband-gnnbase-model-70635032150769 (READ-ONLY COPY).

The authoritative reference and input builder live on the scoring server;
editing this copy changes nothing except your own understanding.
"""

import jax, jax.numpy as jnp
import numpy as np

B, N, Wn, F = 4, 10000, 1, 128
H = 128
L = 3
E = 320000

def setup_inputs(seed: int = 0) -> dict:
    key = jax.random.key(seed)
    ks = jax.random.split(key, 12)
    x = jax.random.normal(ks[0], (B, N, Wn, F), dtype=jnp.float32)
    edge_index = jax.random.randint(ks[1], (2, E), 0, N, dtype=jnp.int32)
    s = 0.05
    inp = {
        'x': x,
        'edge_index': edge_index,
        'W_enc': jax.random.normal(ks[2], (Wn * F, H), dtype=jnp.float32) * s,
        'b_enc': jnp.zeros((H,), dtype=jnp.float32),
        'W1': jax.random.normal(ks[3], (H, H), dtype=jnp.float32) * s,
        'b1': jnp.zeros((H,), dtype=jnp.float32),
        'W2': jax.random.normal(ks[4], (H, H), dtype=jnp.float32) * s,
        'b2': jnp.zeros((H,), dtype=jnp.float32),
        'W3': jax.random.normal(ks[5], (H, H), dtype=jnp.float32) * s,
        'b3': jnp.zeros((H,), dtype=jnp.float32),
        'W_dec': jax.random.normal(ks[6], (H, 1), dtype=jnp.float32) * s,
        'b_dec': jnp.zeros((1,), dtype=jnp.float32),
    }
    return inp

def _build_graph(edge_index):
    # batch offsets (batch>1, edge_index.dim()==2 path)
    offsets = (jnp.arange(B, dtype=jnp.int32) * N)
    ei = edge_index[None, :, :] + offsets[:, None, None]   # [B, 2, E]
    ei = jnp.transpose(ei, (1, 0, 2)).reshape(2, -1)       # [2, B*E]
    ew = jnp.ones((B * E,), dtype=jnp.float32)
    # bidirectional
    ei = jnp.concatenate([ei, ei[jnp.array([1, 0])]], axis=1)
    ew = jnp.concatenate([ew, ew], axis=0)
    # add self loops, fill_value = 1.0
    n_total = B * N
    loop = jnp.arange(n_total, dtype=jnp.int32)
    ei = jnp.concatenate([ei, jnp.stack([loop, loop])], axis=1)
    ew = jnp.concatenate([ew, jnp.ones((n_total,), dtype=jnp.float32)], axis=0)
    return ei, ew, n_total

def _gcn_layer(h, Wl, bl, src, dst, norm, n_total):
    h = h @ Wl + bl
    msg = h[src] * norm[:, None]
    out = jax.ops.segment_sum(msg, dst, num_segments=n_total)
    return jax.nn.relu(out)

def reference(x, edge_index, W_enc, b_enc, W1, b1, W2, b2, W3, b3, W_dec, b_dec):
    xb = x.reshape(B * N, Wn * F)
    ei, ew, n_total = _build_graph(edge_index.astype(jnp.int32))
    src, dst = ei[0], ei[1]
    # symmetric GCN normalization
    deg = jax.ops.segment_sum(ew, dst, num_segments=n_total)
    dis = jnp.where(deg > 0, jax.lax.rsqrt(deg), 0.0)
    norm = dis[src] * ew * dis[dst]
    x0 = xb @ W_enc + b_enc
    h = x0
    for (Wl, bl) in ((W1, b1), (W2, b2), (W3, b3)):
        h = _gcn_layer(h, Wl, bl, src, dst, norm, n_total)
    out = h @ W_dec + b_dec
    return out.reshape(B, N, 1)

if __name__ == "__main__":
    import jax
    _d = setup_inputs()
    print(jax.jit(kernel)(*tuple(_d.values())))

</pallas_src>

<mosaic_0001>
#map = affine_map<(d0, d1) -> (0)>
#map1 = affine_map<(d0, d1) -> (0, 0)>
module attributes {stable_mosaic.version = 14 : i64} {
  func.func @_deg_kernel(%arg0: i32, %arg1: i32, %arg2: memref<640000xi32, #tpu.memory_space<hbm>>, %arg3: memref<10000x128xf32, #tpu.memory_space<hbm>>, %arg4: memref<80x128xf32, #tpu.memory_space<hbm>>, %arg5: memref<20000x128xf32, #tpu.memory_space<hbm>>, %arg6: memref<80xi32, #tpu.memory_space<vmem>>, %arg7: memref<80x128xf32, #tpu.memory_space<vmem>>, %arg8: memref<10000x128xf32, #tpu.memory_space<vmem_shared>>) attributes {dimension_semantics = [#tpu.dimension_semantics<core_parallel>, #tpu.dimension_semantics<subcore_parallel>], iteration_bounds = array<i64: 2, 16>, scalar_prefetch = 0 : i64, scratch_operands = 3 : i64, tpu.core_type = #tpu.core_type<sc_vector_subcore>, window_params = [{transform_indices = #map}, {transform_indices = #map1}, {transform_indices = #map1}, {transform_indices = #map1}]} {
    %mul3A = arith.constant 640 : i32
    %mul3A_0 = arith.muli %arg1, %mul3A : i32
    %lt3A = arith.constant 15 : i32
    %lt3A_1 = arith.cmpi slt, %arg1, %lt3A : i32
    %convert_element_type3A = arith.extui %lt3A_1 : i1 to i32
    %cond3A = arith.constant 0 : i32
    %cond3A_2 = arith.cmpi ne, %convert_element_type3A, %cond3A : i32
    scf.if %cond3A_2 {
      "tpu.region"() ({
        %run_scoped3A = tpu.sem_alloc : memref<!tpu.dma_semaphore, #tpu.memory_space<semaphore_mem>>
        %dma_start3A = arith.constant 0 : i32
        %dma_start3A_29 = tpu.memref_slice %arg8[%mul3A_0, %dma_start3A] : memref<10000x128xf32, #tpu.memory_space<vmem_shared>> -> memref<640x128xf32, #tpu.memory_space<vmem_shared>>
        %dma_start3A_30 = arith.constant 0 : i32
        %dma_start3A_31 = tpu.memref_slice %arg3[%mul3A_0, %dma_start3A_30] : memref<10000x128xf32, #tpu.memory_space<hbm>> -> memref<640x128xf32, #tpu.memory_space<hbm>>
        tpu.enqueue_dma source(%dma_start3A_31 : memref<640x128xf32, #tpu.memory_space<hbm>>) target(%dma_start3A_29 : memref<640x128xf32, #tpu.memory_space<vmem_shared>>) target_semaphore(%run_scoped3A : memref<!tpu.dma_semaphore, #tpu.memory_space<semaphore_mem>>)
        %dma_wait3A = arith.constant 0 : i32
        %dma_wait3A_32 = tpu.memref_slice %arg8[%mul3A_0, %dma_wait3A] : memref<10000x128xf32, #tpu.memory_space<vmem_shared>> -> memref<640x128xf32, #tpu.memory_space<vmem_shared>>
        %dma_wait3A_33 = arith.constant 0 : i32
        %dma_wait3A_34 = tpu.memref_slice %arg3[%mul3A_0, %dma_wait3A_33] : memref<10000x128xf32, #tpu.memory_space<hbm>> -> memref<640x128xf32, #tpu.memory_space<hbm>>
        tpu.wait_dma2 semaphore(%run_scoped3A : memref<!tpu.dma_semaphore, #tpu.memory_space<semaphore_mem>>) src(%dma_wait3A_34 : memref<640x128xf32, #tpu.memory_space<hbm>>) dst(%dma_wait3A_32 : memref<640x128xf32, #tpu.memory_space<vmem_shared>>)
        tpu.yield
      }) : () -> ()
    } else {
    }
    %eq3A = arith.constant 15 : i32
    %eq3A_3 = arith.cmpi eq, %arg1, %eq3A : i32
    %convert_element_type3A_4 = arith.extui %eq3A_3 : i1 to i32
    %cond3A_5 = arith.constant 0 : i32
    %cond3A_6 = arith.cmpi ne, %convert_element_type3A_4, %cond3A_5 : i32
    scf.if %cond3A_6 {
      "tpu.region"() ({
        %run_scoped3A = tpu.sem_alloc : memref<!tpu.dma_semaphore, #tpu.memory_space<semaphore_mem>>
        %dma_start3A = arith.constant 0 : i32
        %dma_start3A_29 = tpu.memref_slice %arg8[%mul3A_0, %dma_start3A] : memref<10000x128xf32, #tpu.memory_space<vmem_shared>> -> memref<400x128xf32, #tpu.memory_space<vmem_shared>>
        %dma_start3A_30 = arith.constant 0 : i32
        %dma_start3A_31 = tpu.memref_slice %arg3[%mul3A_0, %dma_start3A_30] : memref<10000x128xf32, #tpu.memory_space<hbm>> -> memref<400x128xf32, #tpu.memory_space<hbm>>
        tpu.enqueue_dma source(%dma_start3A_31 : memref<400x128xf32, #tpu.memory_space<hbm>>) target(%dma_start3A_29 : memref<400x128xf32, #tpu.memory_space<vmem_shared>>) target_semaphore(%run_scoped3A : memref<!tpu.dma_semaphore, #tpu.memory_space<semaphore_mem>>)
        %dma_wait3A = arith.constant 0 : i32
        %dma_wait3A_32 = tpu.memref_slice %arg8[%mul3A_0, %dma_wait3A] : memref<10000x128xf32, #tpu.memory_space<vmem_shared>> -> memref<400x128xf32, #tpu.memory_space<vmem_shared>>
        %dma_wait3A_33 = arith.constant 0 : i32
        %dma_wait3A_34 = tpu.memref_slice %arg3[%mul3A_0, %dma_wait3A_33] : memref<10000x128xf32, #tpu.memory_space<hbm>> -> memref<400x128xf32, #tpu.memory_space<hbm>>
        tpu.wait_dma2 semaphore(%run_scoped3A : memref<!tpu.dma_semaphore, #tpu.memory_space<semaphore_mem>>) src(%dma_wait3A_34 : memref<400x128xf32, #tpu.memory_space<hbm>>) dst(%dma_wait3A_32 : memref<400x128xf32, #tpu.memory_space<vmem_shared>>)
        tpu.yield
      }) : () -> ()
    } else {
    }
    "tpu.region"() ({
      %run_scoped3A = tpu.sem_alloc : memref<!tpu.dma_semaphore, #tpu.memory_space<semaphore_mem>>
      tpu.enqueue_dma source(%arg4 : memref<80x128xf32, #tpu.memory_space<hbm>>) target(%arg7 : memref<80x128xf32, #tpu.memory_space<vmem>>) target_semaphore(%run_scoped3A : memref<!tpu.dma_semaphore, #tpu.memory_space<semaphore_mem>>)
      tpu.wait_dma2 semaphore(%run_scoped3A : memref<!tpu.dma_semaphore, #tpu.memory_space<semaphore_mem>>) src(%arg4 : memref<80x128xf32, #tpu.memory_space<hbm>>) dst(%arg7 : memref<80x128xf32, #tpu.memory_space<vmem>>)
      tpu.yield
    }) : () -> ()
    %barrier3A = arith.constant 0 : index
    tpu.barrier barrier_id(%barrier3A)
    %mul3A_7 = arith.constant 320000 : i32
    %mul3A_8 = arith.muli %arg0, %mul3A_7 : i32
    %mul3A_9 = arith.constant 20000 : i32
    %mul3A_10 = arith.muli %arg1, %mul3A_9 : i32
    %add3A = arith.addi %mul3A_8, %mul3A_10 : i32
    %scan3A = arith.constant 0 : i32
    %scan3A_11 = arith.constant 0 : i32
    %scan3A_12 = arith.constant 250 : i32
    %scan3A_13 = arith.addi %scan3A_11, %scan3A_12 : i32
    %scan3A_14 = arith.constant 1 : i32
    scf.for %scan3A_29 = %scan3A_11 to %scan3A_13 step %scan3A_14  : i32 {
      %mul3A_30 = arith.constant 80 : i32
      %mul3A_31 = arith.muli %scan3A_29, %mul3A_30 : i32
      %add3A_32 = arith.addi %add3A, %mul3A_31 : i32
      "tpu.region"() ({
        %run_scoped3A = tpu.sem_alloc : memref<!tpu.dma_semaphore, #tpu.memory_space<semaphore_mem>>
        %dma_start3A = tpu.memref_slice %arg2[%add3A_32] : memref<640000xi32, #tpu.memory_space<hbm>> -> memref<80xi32, #tpu.memory_space<hbm>>
        %dma_start3A_33 = tpu.memref_slice %arg2[%add3A_32] : memref<640000xi32, #tpu.memory_space<hbm>> -> memref<80xi32, #tpu.memory_space<hbm>>
        tpu.enqueue_dma source(%dma_start3A_33 : memref<80xi32, #tpu.memory_space<hbm>>) target(%arg6 : memref<80xi32, #tpu.memory_space<vmem>>) target_semaphore(%run_scoped3A : memref<!tpu.dma_semaphore, #tpu.memory_space<semaphore_mem>>)
        %dma_wait3A = tpu.memref_slice %arg2[%add3A_32] : memref<640000xi32, #tpu.memory_space<hbm>> -> memref<80xi32, #tpu.memory_space<hbm>>
        %dma_wait3A_34 = tpu.memref_slice %arg2[%add3A_32] : memref<640000xi32, #tpu.memory_space<hbm>> -> memref<80xi32, #tpu.memory_space<hbm>>
        tpu.wait_dma2 semaphore(%run_scoped3A : memref<!tpu.dma_semaphore, #tpu.memory_space<semaphore_mem>>) src(%dma_wait3A_34 : memref<80xi32, #tpu.memory_space<hbm>>) dst(%arg6 : memref<80xi32, #tpu.memory_space<vmem>>)
        tpu.yield
      }) : () -> ()
      "tpu.region"() ({
        %run_scoped3A = tpu.sem_alloc : memref<!tpu.dma_semaphore, #tpu.memory_space<semaphore_mem>>
        %dma_start3A = arith.constant 0 : i32
        %dma_start3A_33 = arith.constant 0 : i32
        %dma_start3A_34 = tpu.memref_slice %arg8[%dma_start3A, %dma_start3A_33] : memref<10000x128xf32, #tpu.memory_space<vmem_shared>> -> memref<10000x128xf32, #tpu.memory_space<vmem_shared>>
        tpu.enqueue_indirect_dma source(%arg7 : memref<80x128xf32, #tpu.memory_space<vmem>>) target(%dma_start3A_34 : memref<10000x128xf32, #tpu.memory_space<vmem_shared>>) offsets(%arg6 : memref<80xi32, #tpu.memory_space<vmem>>) semaphore(%run_scoped3A : memref<!tpu.dma_semaphore, #tpu.memory_space<semaphore_mem>>) {add = true}
        %dma_wait3A = arith.constant 0 : i32
        %dma_wait3A_35 = arith.constant 0 : i32
        %dma_wait3A_36 = tpu.memref_slice %arg8[%dma_wait3A, %dma_wait3A_35] : memref<10000x128xf32, #tpu.memory_space<vmem_shared>> -> memref<10000x128xf32, #tpu.memory_space<vmem_shared>>
        tpu.wait_indirect_dma semaphore(%run_scoped3A : memref<!tpu.dma_semaphore, #tpu.memory_space<semaphore_mem>>) src(%arg7 : memref<80x128xf32, #tpu.memory_space<vmem>>) dst(%dma_wait3A_36 : memref<10000x128xf32, #tpu.memory_space<vmem_shared>>)
        tpu.yield
      }) : () -> ()
    }
    %scan3A_15 = arith.constant 250 : i32
    %barrier3A_16 = arith.constant 0 : index
    tpu.barrier barrier_id(%barrier3A_16)
    %mul3A_17 = arith.constant 640 : i32
    %mul3A_18 = arith.muli %arg1, %mul3A_17 : i32
    %lt3A_19 = arith.constant 15 : i32
    %lt3A_20 = arith.cmpi slt, %arg1, %lt3A_19 : i32
    %convert_element_type3A_21 = arith.extui %lt3A_20 : i1 to i32
    %cond3A_22 = arith.constant 0 : i32
    %cond3A_23 = arith.cmpi ne, %convert_element_type3A_21, %cond3A_22 : i32
    scf.if %cond3A_23 {
      %mul3A_29 = arith.constant 10000 : i32
      %mul3A_30 = arith.muli %arg0, %mul3A_29 : i32
      %add3A_31 = arith.addi %mul3A_30, %mul3A_18 : i32
      "tpu.region"() ({
        %run_scoped3A = tpu.sem_alloc : memref<!tpu.dma_semaphore, #tpu.memory_space<semaphore_mem>>
        %dma_start3A = arith.constant 0 : i32
        %dma_start3A_32 = tpu.memref_slice %arg5[%add3A_31, %dma_start3A] : memref<20000x128xf32, #tpu.memory_space<hbm>> -> memref<640x128xf32, #tpu.memory_space<hbm>>
        %dma_start3A_33 = arith.constant 0 : i32
        %dma_start3A_34 = tpu.memref_slice %arg8[%mul3A_18, %dma_start3A_33] : memref<10000x128xf32, #tpu.memory_space<vmem_shared>> -> memref<640x128xf32, #tpu.memory_space<vmem_shared>>
        tpu.enqueue_dma source(%dma_start3A_34 : memref<640x128xf32, #tpu.memory_space<vmem_shared>>) target(%dma_start3A_32 : memref<640x128xf32, #tpu.memory_space<hbm>>) target_semaphore(%run_scoped3A : memref<!tpu.dma_semaphore, #tpu.memory_space<semaphore_mem>>)
        %dma_wait3A = arith.constant 0 : i32
        %dma_wait3A_35 = tpu.memref_slice %arg5[%add3A_31, %dma_wait3A] : memref<20000x128xf32, #tpu.memory_space<hbm>> -> memref<640x128xf32, #tpu.memory_space<hbm>>
        %dma_wait3A_36 = arith.constant 0 : i32
        %dma_wait3A_37 = tpu.memref_slice %arg8[%mul3A_18, %dma_wait3A_36] : memref<10000x128xf32, #tpu.memory_space<vmem_shared>> -> memref<640x128xf32, #tpu.memory_space<vmem_shared>>
        tpu.wait_dma2 semaphore(%run_scoped3A : memref<!tpu.dma_semaphore, #tpu.memory_space<semaphore_mem>>) src(%dma_wait3A_37 : memref<640x128xf32, #tpu.memory_space<vmem_shared>>) dst(%dma_wait3A_35 : memref<640x128xf32, #tpu.memory_space<hbm>>)
        tpu.yield
      }) : () -> ()
    } else {
    }
    %eq3A_24 = arith.constant 15 : i32
    %eq3A_25 = arith.cmpi eq, %arg1, %eq3A_24 : i32
    %convert_element_type3A_26 = arith.extui %eq3A_25 : i1 to i32
    %cond3A_27 = arith.constant 0 : i32
    %cond3A_28 = arith.cmpi ne, %convert_element_type3A_26, %cond3A_27 : i32
    scf.if %cond3A_28 {
      %mul3A_29 = arith.constant 10000 : i32
      %mul3A_30 = arith.muli %arg0, %mul3A_29 : i32
      %add3A_31 = arith.addi %mul3A_30, %mul3A_18 : i32
      "tpu.region"() ({
        %run_scoped3A = tpu.sem_alloc : memref<!tpu.dma_semaphore, #tpu.memory_space<semaphore_mem>>
        %dma_start3A = arith.constant 0 : i32
        %dma_start3A_32 = tpu.memref_slice %arg5[%add3A_31, %dma_start3A] : memref<20000x128xf32, #tpu.memory_space<hbm>> -> memref<400x128xf32, #tpu.memory_space<hbm>>
        %dma_start3A_33 = arith.constant 0 : i32
        %dma_start3A_34 = tpu.memref_slice %arg8[%mul3A_18, %dma_start3A_33] : memref<10000x128xf32, #tpu.memory_space<vmem_shared>> -> memref<400x128xf32, #tpu.memory_space<vmem_shared>>
        tpu.enqueue_dma source(%dma_start3A_34 : memref<400x128xf32, #tpu.memory_space<vmem_shared>>) target(%dma_start3A_32 : memref<400x128xf32, #tpu.memory_space<hbm>>) target_semaphore(%run_scoped3A : memref<!tpu.dma_semaphore, #tpu.memory_space<semaphore_mem>>)
        %dma_wait3A = arith.constant 0 : i32
        %dma_wait3A_35 = tpu.memref_slice %arg5[%add3A_31, %dma_wait3A] : memref<20000x128xf32, #tpu.memory_space<hbm>> -> memref<400x128xf32, #tpu.memory_space<hbm>>
        %dma_wait3A_36 = arith.constant 0 : i32
        %dma_wait3A_37 = tpu.memref_slice %arg8[%mul3A_18, %dma_wait3A_36] : memref<10000x128xf32, #tpu.memory_space<vmem_shared>> -> memref<400x128xf32, #tpu.memory_space<vmem_shared>>
        tpu.wait_dma2 semaphore(%run_scoped3A : memref<!tpu.dma_semaphore, #tpu.memory_space<semaphore_mem>>) src(%dma_wait3A_37 : memref<400x128xf32, #tpu.memory_space<vmem_shared>>) dst(%dma_wait3A_35 : memref<400x128xf32, #tpu.memory_space<hbm>>)
        tpu.yield
      }) : () -> ()
    } else {
    }
    return
  }
}

#map = affine_map<(d0, d1) -> (0, 0)>
#map1 = affine_map<(d0, d1) -> (0)>
module attributes {stable_mosaic.version = 14 : i64} {
  func.func @_spmm_kernel(%arg0: i32, %arg1: i32, %arg2: memref<40000x128xf32, #tpu.memory_space<hbm>>, %arg3: memref<2560000xi32, #tpu.memory_space<hbm>>, %arg4: memref<640000xi32, #tpu.memory_space<hbm>>, %arg5: memref<10000x128xf32, #tpu.memory_space<hbm>>, %arg6: memref<40000x128xf32, #tpu.memory_space<hbm>>, %arg7: memref<80xi32, #tpu.memory_space<vmem>>, %arg8: memref<80xi32, #tpu.memory_space<vmem>>, %arg9: memref<80x128xf32, #tpu.memory_space<vmem>>, %arg10: memref<10000x128xf32, #tpu.memory_space<vmem_shared>>, %arg11: memref<!tpu.dma_semaphore, #tpu.memory_space<semaphore_mem>>) attributes {dimension_semantics = [#tpu.dimension_semantics<core_parallel>, #tpu.dimension_semantics<subcore_parallel>], iteration_bounds = array<i64: 2, 16>, scalar_prefetch = 0 : i64, scratch_operands = 5 : i64, tpu.core_type = #tpu.core_type<sc_vector_subcore>, window_params = [{transform_indices = #map}, {transform_indices = #map1}, {transform_indices = #map1}, {transform_indices = #map}, {transform_indices = #map}]} {
    %mul3A = arith.constant 40000 : i32
    %mul3A_0 = arith.muli %arg1, %mul3A : i32
    %mul3A_1 = arith.constant 2 : i32
    %mul3A_2 = arith.muli %arg0, %mul3A_1 : i32
    %add3A = arith.constant 0 : i32
    %add3A_3 = arith.addi %mul3A_2, %add3A : i32
    %mul3A_4 = arith.constant 10000 : i32
    %mul3A_5 = arith.muli %add3A_3, %mul3A_4 : i32
    %mul3A_6 = arith.constant 640 : i32
    %mul3A_7 = arith.muli %arg1, %mul3A_6 : i32
    %lt3A = arith.constant 15 : i32
    %lt3A_8 = arith.cmpi slt, %arg1, %lt3A : i32
    %convert_element_type3A = arith.extui %lt3A_8 : i1 to i32
    %cond3A = arith.constant 0 : i32
    %cond3A_9 = arith.cmpi ne, %convert_element_type3A, %cond3A : i32
    scf.if %cond3A_9 {
      "tpu.region"() ({
        %run_scoped3A = tpu.sem_alloc : memref<!tpu.dma_semaphore, #tpu.memory_space<semaphore_mem>>
        %dma_start3A = arith.constant 0 : i32
        %dma_start3A_70 = tpu.memref_slice %arg10[%mul3A_7, %dma_start3A] : memref<10000x128xf32, #tpu.memory_space<vmem_shared>> -> memref<640x128xf32, #tpu.memory_space<vmem_shared>>
        %dma_start3A_71 = arith.constant 0 : i32
        %dma_start3A_72 = tpu.memref_slice %arg5[%mul3A_7, %dma_start3A_71] : memref<10000x128xf32, #tpu.memory_space<hbm>> -> memref<640x128xf32, #tpu.memory_space<hbm>>
        tpu.enqueue_dma source(%dma_start3A_72 : memref<640x128xf32, #tpu.memory_space<hbm>>) target(%dma_start3A_70 : memref<640x128xf32, #tpu.memory_space<vmem_shared>>) target_semaphore(%run_scoped3A : memref<!tpu.dma_semaphore, #tpu.memory_space<semaphore_mem>>)
        %dma_wait3A = arith.constant 0 : i32
        %dma_wait3A_73 = tpu.memref_slice %arg10[%mul3A_7, %dma_wait3A] : memref<10000x128xf32, #tpu.memory_space<vmem_shared>> -> memref<640x128xf32, #tpu.memory_space<vmem_shared>>
        %dma_wait3A_74 = arith.constant 0 : i32
        %dma_wait3A_75 = tpu.memref_slice %arg5[%mul3A_7, %dma_wait3A_74] : memref<10000x128xf32, #tpu.memory_space<hbm>> -> memref<640x128xf32, #tpu.memory_space<hbm>>
        tpu.wait_dma2 semaphore(%run_scoped3A : memref<!tpu.dma_semaphore, #tpu.memory_space<semaphore_mem>>) src(%dma_wait3A_75 : memref<640x128xf32, #tpu.memory_space<hbm>>) dst(%dma_wait3A_73 : memref<640x128xf32, #tpu.memory_space<vmem_shared>>)
        tpu.yield
      }) : () -> ()
    } else {
    }
    %eq3A = arith.constant 15 : i32
    %eq3A_10 = arith.cmpi eq, %arg1, %eq3A : i32
    %convert_element_type3A_11 = arith.extui %eq3A_10 : i1 to i32
    %cond3A_12 = arith.constant 0 : i32
    %cond3A_13 = arith.cmpi ne, %convert_element_type3A_11, %cond3A_12 : i32
    scf.if %cond3A_13 {
      "tpu.region"() ({
        %run_scoped3A = tpu.sem_alloc : memref<!tpu.dma_semaphore, #tpu.memory_space<semaphore_mem>>
        %dma_start3A = arith.constant 0 : i32
        %dma_start3A_70 = tpu.memref_slice %arg10[%mul3A_7, %dma_start3A] : memref<10000x128xf32, #tpu.memory_space<vmem_shared>> -> memref<400x128xf32, #tpu.memory_space<vmem_shared>>
        %dma_start3A_71 = arith.constant 0 : i32
        %dma_start3A_72 = tpu.memref_slice %arg5[%mul3A_7, %dma_start3A_71] : memref<10000x128xf32, #tpu.memory_space<hbm>> -> memref<400x128xf32, #tpu.memory_space<hbm>>
        tpu.enqueue_dma source(%dma_start3A_72 : memref<400x128xf32, #tpu.memory_space<hbm>>) target(%dma_start3A_70 : memref<400x128xf32, #tpu.memory_space<vmem_shared>>) target_semaphore(%run_scoped3A : memref<!tpu.dma_semaphore, #tpu.memory_space<semaphore_mem>>)
        %dma_wait3A = arith.constant 0 : i32
        %dma_wait3A_73 = tpu.memref_slice %arg10[%mul3A_7, %dma_wait3A] : memref<10000x128xf32, #tpu.memory_space<vmem_shared>> -> memref<400x128xf32, #tpu.memory_space<vmem_shared>>
        %dma_wait3A_74 = arith.constant 0 : i32
        %dma_wait3A_75 = tpu.memref_slice %arg5[%mul3A_7, %dma_wait3A_74] : memref<10000x128xf32, #tpu.memory_space<hbm>> -> memref<400x128xf32, #tpu.memory_space<hbm>>
        tpu.wait_dma2 semaphore(%run_scoped3A : memref<!tpu.dma_semaphore, #tpu.memory_space<semaphore_mem>>) src(%dma_wait3A_75 : memref<400x128xf32, #tpu.memory_space<hbm>>) dst(%dma_wait3A_73 : memref<400x128xf32, #tpu.memory_space<vmem_shared>>)
        tpu.yield
      }) : () -> ()
    } else {
    }
    %barrier3A = arith.constant 0 : index
    tpu.barrier barrier_id(%barrier3A)
    %scan3A = arith.constant 0 : i32
    %scan3A_14 = arith.constant 0 : i32
    %scan3A_15 = arith.constant 500 : i32
    %scan3A_16 = arith.addi %scan3A_14, %scan3A_15 : i32
    %scan3A_17 = arith.constant 1 : i32
    scf.for %scan3A_70 = %scan3A_14 to %scan3A_16 step %scan3A_17  : i32 {
      %mul3A_71 = arith.constant 80 : i32
      %mul3A_72 = arith.muli %scan3A_70, %mul3A_71 : i32
      %add3A_73 = arith.addi %mul3A_0, %mul3A_72 : i32
      %mul3A_74 = arith.constant 640000 : i32
      %mul3A_75 = arith.muli %add3A_3, %mul3A_74 : i32
      %add3A_76 = arith.addi %mul3A_75, %add3A_73 : i32
      "tpu.region"() ({
        %run_scoped3A = tpu.sem_alloc : memref<!tpu.dma_semaphore, #tpu.memory_space<semaphore_mem>>
        %dma_start3A_81 = tpu.memref_slice %arg3[%add3A_76] : memref<2560000xi32, #tpu.memory_space<hbm>> -> memref<80xi32, #tpu.memory_space<hbm>>
        %dma_start3A_82 = tpu.memref_slice %arg3[%add3A_76] : memref<2560000xi32, #tpu.memory_space<hbm>> -> memref<80xi32, #tpu.memory_space<hbm>>
        tpu.enqueue_dma source(%dma_start3A_82 : memref<80xi32, #tpu.memory_space<hbm>>) target(%arg7 : memref<80xi32, #tpu.memory_space<vmem>>) target_semaphore(%run_scoped3A : memref<!tpu.dma_semaphore, #tpu.memory_space<semaphore_mem>>)
        %dma_wait3A_83 = tpu.memref_slice %arg3[%add3A_76] : memref<2560000xi32, #tpu.memory_space<hbm>> -> memref<80xi32, #tpu.memory_space<hbm>>
        %dma_wait3A_84 = tpu.memref_slice %arg3[%add3A_76] : memref<2560000xi32, #tpu.memory_space<hbm>> -> memref<80xi32, #tpu.memory_space<hbm>>
        tpu.wait_dma2 semaphore(%run_scoped3A : memref<!tpu.dma_semaphore, #tpu.memory_space<semaphore_mem>>) src(%dma_wait3A_84 : memref<80xi32, #tpu.memory_space<hbm>>) dst(%arg7 : memref<80xi32, #tpu.memory_space<vmem>>)
        tpu.yield
      }) : () -> ()
      "tpu.region"() ({
        %run_scoped3A = tpu.sem_alloc : memref<!tpu.dma_semaphore, #tpu.memory_space<semaphore_mem>>
        %dma_start3A_81 = tpu.memref_slice %arg4[%add3A_73] : memref<640000xi32, #tpu.memory_space<hbm>> -> memref<80xi32, #tpu.memory_space<hbm>>
        %dma_start3A_82 = tpu.memref_slice %arg4[%add3A_73] : memref<640000xi32, #tpu.memory_space<hbm>> -> memref<80xi32, #tpu.memory_space<hbm>>
        tpu.enqueue_dma source(%dma_start3A_82 : memref<80xi32, #tpu.memory_space<hbm>>) target(%arg8 : memref<80xi32, #tpu.memory_space<vmem>>) target_semaphore(%run_scoped3A : memref<!tpu.dma_semaphore, #tpu.memory_space<semaphore_mem>>)
        %dma_wait3A_83 = tpu.memref_slice %arg4[%add3A_73] : memref<640000xi32, #tpu.memory_space<hbm>> -> memref<80xi32, #tpu.memory_space<hbm>>
        %dma_wait3A_84 = tpu.memref_slice %arg4[%add3A_73] : memref<640000xi32, #tpu.memory_space<hbm>> -> memref<80xi32, #tpu.memory_space<hbm>>
        tpu.wait_dma2 semaphore(%run_scoped3A : memref<!tpu.dma_semaphore, #tpu.memory_space<semaphore_mem>>) src(%dma_wait3A_84 : memref<80xi32, #tpu.memory_space<hbm>>) dst(%arg8 : memref<80xi32, #tpu.memory_space<vmem>>)
        tpu.yield
      }) : () -> ()
      %dma_start3A = arith.constant 0 : i32
      %dma_start3A_77 = arith.constant 0 : i32
      %dma_start3A_78 = tpu.memref_slice %arg2[%dma_start3A, %dma_start3A_77] : memref<40000x128xf32, #tpu.memory_space<hbm>> -> memref<40000x128xf32, #tpu.memory_space<hbm>>
      tpu.enqueue_indirect_dma source(%dma_start3A_78 : memref<40000x128xf32, #tpu.memory_space<hbm>>) target(%arg9 : memref<80x128xf32, #tpu.memory_space<vmem>>) offsets(%arg7 : memref<80xi32, #tpu.memory_space<vmem>>) semaphore(%arg11 : memref<!tpu.dma_semaphore, #tpu.memory_space<semaphore_mem>>)
      %dma_wait3A = arith.constant 0 : i32
      %dma_wait3A_79 = arith.constant 0 : i32
      %dma_wait3A_80 = tpu.memref_slice %arg2[%dma_wait3A, %dma_wait3A_79] : memref<40000x128xf32, #tpu.memory_space<hbm>> -> memref<40000x128xf32, #tpu.memory_space<hbm>>
      tpu.wait_indirect_dma semaphore(%arg11 : memref<!tpu.dma_semaphore, #tpu.memory_space<semaphore_mem>>) src(%dma_wait3A_80 : memref<40000x128xf32, #tpu.memory_space<hbm>>) dst(%arg9 : memref<80x128xf32, #tpu.memory_space<vmem>>)
      "tpu.region"() ({
        %run_scoped3A = tpu.sem_alloc : memref<!tpu.dma_semaphore, #tpu.memory_space<semaphore_mem>>
        %dma_start3A_81 = arith.constant 0 : i32
        %dma_start3A_82 = arith.constant 0 : i32
        %dma_start3A_83 = tpu.memref_slice %arg10[%dma_start3A_81, %dma_start3A_82] : memref<10000x128xf32, #tpu.memory_space<vmem_shared>> -> memref<10000x128xf32, #tpu.memory_space<vmem_shared>>
        tpu.enqueue_indirect_dma source(%arg9 : memref<80x128xf32, #tpu.memory_space<vmem>>) target(%dma_start3A_83 : memref<10000x128xf32, #tpu.memory_space<vmem_shared>>) offsets(%arg8 : memref<80xi32, #tpu.memory_space<vmem>>) semaphore(%run_scoped3A : memref<!tpu.dma_semaphore, #tpu.memory_space<semaphore_mem>>) {add = true}
        %dma_wait3A_84 = arith.constant 0 : i32
        %dma_wait3A_85 = arith.constant 0 : i32
        %dma_wait3A_86 = tpu.memref_slice %arg10[%dma_wait3A_84, %dma_wait3A_85] : memref<10000x128xf32, #tpu.memory_space<vmem_shared>> -> memref<10000x128xf32, #tpu.memory_space<vmem_shared>>
        tpu.wait_indirect_dma semaphore(%run_scoped3A : memref<!tpu.dma_semaphore, #tpu.memory_space<semaphore_mem>>) src(%arg9 : memref<80x128xf32, #tpu.memory_space<vmem>>) dst(%dma_wait3A_86 : memref<10000x128xf32, #tpu.memory_space<vmem_shared>>)
        tpu.yield
      }) : () -> ()
    }
    %scan3A_18 = arith.constant 500 : i32
    %barrier3A_19 = arith.constant 0 : index
    tpu.barrier barrier_id(%barrier3A_19)
    %mul3A_20 = arith.constant 640 : i32
    %mul3A_21 = arith.muli %arg1, %mul3A_20 : i32
    %lt3A_22 = arith.constant 15 : i32
    %lt3A_23 = arith.cmpi slt, %arg1, %lt3A_22 : i32
    %convert_element_type3A_24 = arith.extui %lt3A_23 : i1 to i32
    %cond3A_25 = arith.constant 0 : i32
    %cond3A_26 = arith.cmpi ne, %convert_element_type3A_24, %cond3A_25 : i32
    scf.if %cond3A_26 {
      %add3A_70 = arith.addi %mul3A_5, %mul3A_21 : i32
      "tpu.region"() ({
        %run_scoped3A = tpu.sem_alloc : memref<!tpu.dma_semaphore, #tpu.memory_space<semaphore_mem>>
        %dma_start3A = arith.constant 0 : i32
        %dma_start3A_71 = tpu.memref_slice %arg6[%add3A_70, %dma_start3A] : memref<40000x128xf32, #tpu.memory_space<hbm>> -> memref<640x128xf32, #tpu.memory_space<hbm>>
        %dma_start3A_72 = arith.constant 0 : i32
        %dma_start3A_73 = tpu.memref_slice %arg10[%mul3A_21, %dma_start3A_72] : memref<10000x128xf32, #tpu.memory_space<vmem_shared>> -> memref<640x128xf32, #tpu.memory_space<vmem_shared>>
        tpu.enqueue_dma source(%dma_start3A_73 : memref<640x128xf32, #tpu.memory_space<vmem_shared>>) target(%dma_start3A_71 : memref<640x128xf32, #tpu.memory_space<hbm>>) target_semaphore(%run_scoped3A : memref<!tpu.dma_semaphore, #tpu.memory_space<semaphore_mem>>)
        %dma_wait3A = arith.constant 0 : i32
        %dma_wait3A_74 = tpu.memref_slice %arg6[%add3A_70, %dma_wait3A] : memref<40000x128xf32, #tpu.memory_space<hbm>> -> memref<640x128xf32, #tpu.memory_space<hbm>>
        %dma_wait3A_75 = arith.constant 0 : i32
        %dma_wait3A_76 = tpu.memref_slice %arg10[%mul3A_21, %dma_wait3A_75] : memref<10000x128xf32, #tpu.memory_space<vmem_shared>> -> memref<640x128xf32, #tpu.memory_space<vmem_shared>>
        tpu.wait_dma2 semaphore(%run_scoped3A : memref<!tpu.dma_semaphore, #tpu.memory_space<semaphore_mem>>) src(%dma_wait3A_76 : memref<640x128xf32, #tpu.memory_space<vmem_shared>>) dst(%dma_wait3A_74 : memref<640x128xf32, #tpu.memory_space<hbm>>)
        tpu.yield
      }) : () -> ()
    } else {
    }
    %eq3A_27 = arith.constant 15 : i32
    %eq3A_28 = arith.cmpi eq, %arg1, %eq3A_27 : i32
    %convert_element_type3A_29 = arith.extui %eq3A_28 : i1 to i32
    %cond3A_30 = arith.constant 0 : i32
    %cond3A_31 = arith.cmpi ne, %convert_element_type3A_29, %cond3A_30 : i32
    scf.if %cond3A_31 {
      %add3A_70 = arith.addi %mul3A_5, %mul3A_21 : i32
      "tpu.region"() ({
        %run_scoped3A = tpu.sem_alloc : memref<!tpu.dma_semaphore, #tpu.memory_space<semaphore_mem>>
        %dma_start3A = arith.constant 0 : i32
        %dma_start3A_71 = tpu.memref_slice %arg6[%add3A_70, %dma_start3A] : memref<40000x128xf32, #tpu.memory_space<hbm>> -> memref<400x128xf32, #tpu.memory_space<hbm>>
        %dma_start3A_72 = arith.constant 0 : i32
        %dma_start3A_73 = tpu.memref_slice %arg10[%mul3A_21, %dma_start3A_72] : memref<10000x128xf32, #tpu.memory_space<vmem_shared>> -> memref<400x128xf32, #tpu.memory_space<vmem_shared>>
        tpu.enqueue_dma source(%dma_start3A_73 : memref<400x128xf32, #tpu.memory_space<vmem_shared>>) target(%dma_start3A_71 : memref<400x128xf32, #tpu.memory_space<hbm>>) target_semaphore(%run_scoped3A : memref<!tpu.dma_semaphore, #tpu.memory_space<semaphore_mem>>)
        %dma_wait3A = arith.constant 0 : i32
        %dma_wait3A_74 = tpu.memref_slice %arg6[%add3A_70, %dma_wait3A] : memref<40000x128xf32, #tpu.memory_space<hbm>> -> memref<400x128xf32, #tpu.memory_space<hbm>>
        %dma_wait3A_75 = arith.constant 0 : i32
        %dma_wait3A_76 = tpu.memref_slice %arg10[%mul3A_21, %dma_wait3A_75] : memref<10000x128xf32, #tpu.memory_space<vmem_shared>> -> memref<400x128xf32, #tpu.memory_space<vmem_shared>>
        tpu.wait_dma2 semaphore(%run_scoped3A : memref<!tpu.dma_semaphore, #tpu.memory_space<semaphore_mem>>) src(%dma_wait3A_76 : memref<400x128xf32, #tpu.memory_space<vmem_shared>>) dst(%dma_wait3A_74 : memref<400x128xf32, #tpu.memory_space<hbm>>)
        tpu.yield
      }) : () -> ()
    } else {
    }
    %mul3A_32 = arith.constant 2 : i32
    %mul3A_33 = arith.muli %arg0, %mul3A_32 : i32
    %add3A_34 = arith.constant 1 : i32
    %add3A_35 = arith.addi %mul3A_33, %add3A_34 : i32
    %mul3A_36 = arith.constant 10000 : i32
    %mul3A_37 = arith.muli %add3A_35, %mul3A_36 : i32
    %mul3A_38 = arith.constant 640 : i32
    %mul3A_39 = arith.muli %arg1, %mul3A_38 : i32
    %lt3A_40 = arith.constant 15 : i32
    %lt3A_41 = arith.cmpi slt, %arg1, %lt3A_40 : i32
    %convert_element_type3A_42 = arith.extui %lt3A_41 : i1 to i32
    %cond3A_43 = arith.constant 0 : i32
    %cond3A_44 = arith.cmpi ne, %convert_element_type3A_42, %cond3A_43 : i32
    scf.if %cond3A_44 {
      "tpu.region"() ({
        %run_scoped3A = tpu.sem_alloc : memref<!tpu.dma_semaphore, #tpu.memory_space<semaphore_mem>>
        %dma_start3A = arith.constant 0 : i32
        %dma_start3A_70 = tpu.memref_slice %arg10[%mul3A_39, %dma_start3A] : memref<10000x128xf32, #tpu.memory_space<vmem_shared>> -> memref<640x128xf32, #tpu.memory_space<vmem_shared>>
        %dma_start3A_71 = arith.constant 0 : i32
        %dma_start3A_72 = tpu.memref_slice %arg5[%mul3A_39, %dma_start3A_71] : memref<10000x128xf32, #tpu.memory_space<hbm>> -> memref<640x128xf32, #tpu.memory_space<hbm>>
        tpu.enqueue_dma source(%dma_start3A_72 : memref<640x128xf32, #tpu.memory_space<hbm>>) target(%dma_start3A_70 : memref<640x128xf32, #tpu.memory_space<vmem_shared>>) target_semaphore(%run_scoped3A : memref<!tpu.dma_semaphore, #tpu.memory_space<semaphore_mem>>)
        %dma_wait3A = arith.constant 0 : i32
        %dma_wait3A_73 = tpu.memref_slice %arg10[%mul3A_39, %dma_wait3A] : memref<10000x128xf32, #tpu.memory_space<vmem_shared>> -> memref<640x128xf32, #tpu.memory_space<vmem_shared>>
        %dma_wait3A_74 = arith.constant 0 : i32
        %dma_wait3A_75 = tpu.memref_slice %arg5[%mul3A_39, %dma_wait3A_74] : memref<10000x128xf32, #tpu.memory_space<hbm>> -> memref<640x128xf32, #tpu.memory_space<hbm>>
        tpu.wait_dma2 semaphore(%run_scoped3A : memref<!tpu.dma_semaphore, #tpu.memory_space<semaphore_mem>>) src(%dma_wait3A_75 : memref<640x128xf32, #tpu.memory_space<hbm>>) dst(%dma_wait3A_73 : memref<640x128xf32, #tpu.memory_space<vmem_shared>>)
        tpu.yield
      }) : () -> ()
    } else {
    }
    %eq3A_45 = arith.constant 15 : i32
    %eq3A_46 = arith.cmpi eq, %arg1, %eq3A_45 : i32
    %convert_element_type3A_47 = arith.extui %eq3A_46 : i1 to i32
    %cond3A_48 = arith.constant 0 : i32
    %cond3A_49 = arith.cmpi ne, %convert_element_type3A_47, %cond3A_48 : i32
    scf.if %cond3A_49 {
      "tpu.region"() ({
        %run_scoped3A = tpu.sem_alloc : memref<!tpu.dma_semaphore, #tpu.memory_space<semaphore_mem>>
        %dma_start3A = arith.constant 0 : i32
        %dma_start3A_70 = tpu.memref_slice %arg10[%mul3A_39, %dma_start3A] : memref<10000x128xf32, #tpu.memory_space<vmem_shared>> -> memref<400x128xf32, #tpu.memory_space<vmem_shared>>
        %dma_start3A_71 = arith.constant 0 : i32
        %dma_start3A_72 = tpu.memref_slice %arg5[%mul3A_39, %dma_start3A_71] : memref<10000x128xf32, #tpu.memory_space<hbm>> -> memref<400x128xf32, #tpu.memory_space<hbm>>
        tpu.enqueue_dma source(%dma_start3A_72 : memref<400x128xf32, #tpu.memory_space<hbm>>) target(%dma_start3A_70 : memref<400x128xf32, #tpu.memory_space<vmem_shared>>) target_semaphore(%run_scoped3A : memref<!tpu.dma_semaphore, #tpu.memory_space<semaphore_mem>>)
        %dma_wait3A = arith.constant 0 : i32
        %dma_wait3A_73 = tpu.memref_slice %arg10[%mul3A_39, %dma_wait3A] : memref<10000x128xf32, #tpu.memory_space<vmem_shared>> -> memref<400x128xf32, #tpu.memory_space<vmem_shared>>
        %dma_wait3A_74 = arith.constant 0 : i32
        %dma_wait3A_75 = tpu.memref_slice %arg5[%mul3A_39, %dma_wait3A_74] : memref<10000x128xf32, #tpu.memory_space<hbm>> -> memref<400x128xf32, #tpu.memory_space<hbm>>
        tpu.wait_dma2 semaphore(%run_scoped3A : memref<!tpu.dma_semaphore, #tpu.memory_space<semaphore_mem>>) src(%dma_wait3A_75 : memref<400x128xf32, #tpu.memory_space<hbm>>) dst(%dma_wait3A_73 : memref<400x128xf32, #tpu.memory_space<vmem_shared>>)
        tpu.yield
      }) : () -> ()
    } else {
    }
    %barrier3A_50 = arith.constant 0 : index
    tpu.barrier barrier_id(%barrier3A_50)
    %scan3A_51 = arith.constant 0 : i32
    %scan3A_52 = arith.constant 0 : i32
    %scan3A_53 = arith.constant 500 : i32
    %scan3A_54 = arith.addi %scan3A_52, %scan3A_53 : i32
    %scan3A_55 = arith.constant 1 : i32
    scf.for %scan3A_70 = %scan3A_52 to %scan3A_54 step %scan3A_55  : i32 {
      %mul3A_71 = arith.constant 80 : i32
      %mul3A_72 = arith.muli %scan3A_70, %mul3A_71 : i32
      %add3A_73 = arith.addi %mul3A_0, %mul3A_72 : i32
      %mul3A_74 = arith.constant 640000 : i32
      %mul3A_75 = arith.muli %add3A_35, %mul3A_74 : i32
      %add3A_76 = arith.addi %mul3A_75, %add3A_73 : i32
      "tpu.region"() ({
        %run_scoped3A = tpu.sem_alloc : memref<!tpu.dma_semaphore, #tpu.memory_space<semaphore_mem>>
        %dma_start3A_81 = tpu.memref_slice %arg3[%add3A_76] : memref<2560000xi32, #tpu.memory_space<hbm>> -> memref<80xi32, #tpu.memory_space<hbm>>
        %dma_start3A_82 = tpu.memref_slice %arg3[%add3A_76] : memref<2560000xi32, #tpu.memory_space<hbm>> -> memref<80xi32, #tpu.memory_space<hbm>>
        tpu.enqueue_dma source(%dma_start3A_82 : memref<80xi32, #tpu.memory_space<hbm>>) target(%arg7 : memref<80xi32, #tpu.memory_space<vmem>>) target_semaphore(%run_scoped3A : memref<!tpu.dma_semaphore, #tpu.memory_space<semaphore_mem>>)
        %dma_wait3A_83 = tpu.memref_slice %arg3[%add3A_76] : memref<2560000xi32, #tpu.memory_space<hbm>> -> memref<80xi32, #tpu.memory_space<hbm>>
        %dma_wait3A_84 = tpu.memref_slice %arg3[%add3A_76] : memref<2560000xi32, #tpu.memory_space<hbm>> -> memref<80xi32, #tpu.memory_space<hbm>>
        tpu.wait_dma2 semaphore(%run_scoped3A : memref<!tpu.dma_semaphore, #tpu.memory_space<semaphore_mem>>) src(%dma_wait3A_84 : memref<80xi32, #tpu.memory_space<hbm>>) dst(%arg7 : memref<80xi32, #tpu.memory_space<vmem>>)
        tpu.yield
      }) : () -> ()
      "tpu.region"() ({
        %run_scoped3A = tpu.sem_alloc : memref<!tpu.dma_semaphore, #tpu.memory_space<semaphore_mem>>
        %dma_start3A_81 = tpu.memref_slice %arg4[%add3A_73] : memref<640000xi32, #tpu.memory_space<hbm>> -> memref<80xi32, #tpu.memory_space<hbm>>
        %dma_start3A_82 = tpu.memref_slice %arg4[%add3A_73] : memref<640000xi32, #tpu.memory_space<hbm>> -> memref<80xi32, #tpu.memory_space<hbm>>
        tpu.enqueue_dma source(%dma_start3A_82 : memref<80xi32, #tpu.memory_space<hbm>>) target(%arg8 : memref<80xi32, #tpu.memory_space<vmem>>) target_semaphore(%run_scoped3A : memref<!tpu.dma_semaphore, #tpu.memory_space<semaphore_mem>>)
        %dma_wait3A_83 = tpu.memref_slice %arg4[%add3A_73] : memref<640000xi32, #tpu.memory_space<hbm>> -> memref<80xi32, #tpu.memory_space<hbm>>
        %dma_wait3A_84 = tpu.memref_slice %arg4[%add3A_73] : memref<640000xi32, #tpu.memory_space<hbm>> -> memref<80xi32, #tpu.memory_space<hbm>>
        tpu.wait_dma2 semaphore(%run_scoped3A : memref<!tpu.dma_semaphore, #tpu.memory_space<semaphore_mem>>) src(%dma_wait3A_84 : memref<80xi32, #tpu.memory_space<hbm>>) dst(%arg8 : memref<80xi32, #tpu.memory_space<vmem>>)
        tpu.yield
      }) : () -> ()
      %dma_start3A = arith.constant 0 : i32
      %dma_start3A_77 = arith.constant 0 : i32
      %dma_start3A_78 = tpu.memref_slice %arg2[%dma_start3A, %dma_start3A_77] : memref<40000x128xf32, #tpu.memory_space<hbm>> -> memref<40000x128xf32, #tpu.memory_space<hbm>>
      tpu.enqueue_indirect_dma source(%dma_start3A_78 : memref<40000x128xf32, #tpu.memory_space<hbm>>) target(%arg9 : memref<80x128xf32, #tpu.memory_space<vmem>>) offsets(%arg7 : memref<80xi32, #tpu.memory_space<vmem>>) semaphore(%arg11 : memref<!tpu.dma_semaphore, #tpu.memory_space<semaphore_mem>>)
      %dma_wait3A = arith.constant 0 : i32
      %dma_wait3A_79 = arith.constant 0 : i32
      %dma_wait3A_80 = tpu.memref_slice %arg2[%dma_wait3A, %dma_wait3A_79] : memref<40000x128xf32, #tpu.memory_space<hbm>> -> memref<40000x128xf32, #tpu.memory_space<hbm>>
      tpu.wait_indirect_dma semaphore(%arg11 : memref<!tpu.dma_semaphore, #tpu.memory_space<semaphore_mem>>) src(%dma_wait3A_80 : memref<40000x128xf32, #tpu.memory_space<hbm>>) dst(%arg9 : memref<80x128xf32, #tpu.memory_space<vmem>>)
      "tpu.region"() ({
        %run_scoped3A = tpu.sem_alloc : memref<!tpu.dma_semaphore, #tpu.memory_space<semaphore_mem>>
        %dma_start3A_81 = arith.constant 0 : i32
        %dma_start3A_82 = arith.constant 0 : i32
        %dma_start3A_83 = tpu.memref_slice %arg10[%dma_start3A_81, %dma_start3A_82] : memref<10000x128xf32, #tpu.memory_space<vmem_shared>> -> memref<10000x128xf32, #tpu.memory_space<vmem_shared>>
        tpu.enqueue_indirect_dma source(%arg9 : memref<80x128xf32, #tpu.memory_space<vmem>>) target(%dma_start3A_83 : memref<10000x128xf32, #tpu.memory_space<vmem_shared>>) offsets(%arg8 : memref<80xi32, #tpu.memory_space<vmem>>) semaphore(%run_scoped3A : memref<!tpu.dma_semaphore, #tpu.memory_space<semaphore_mem>>) {add = true}
        %dma_wait3A_84 = arith.constant 0 : i32
        %dma_wait3A_85 = arith.constant 0 : i32
        %dma_wait3A_86 = tpu.memref_slice %arg10[%dma_wait3A_84, %dma_wait3A_85] : memref<10000x128xf32, #tpu.memory_space<vmem_shared>> -> memref<10000x128xf32, #tpu.memory_space<vmem_shared>>
        tpu.wait_indirect_dma semaphore(%run_scoped3A : memref<!tpu.dma_semaphore, #tpu.memory_space<semaphore_mem>>) src(%arg9 : memref<80x128xf32, #tpu.memory_space<vmem>>) dst(%dma_wait3A_86 : memref<10000x128xf32, #tpu.memory_space<vmem_shared>>)
        tpu.yield
      }) : () -> ()
    }
    %scan3A_56 = arith.constant 500 : i32
    %barrier3A_57 = arith.constant 0 : index
    tpu.barrier barrier_id(%barrier3A_57)
    %mul3A_58 = arith.constant 640 : i32
    %mul3A_59 = arith.muli %arg1, %mul3A_58 : i32
    %lt3A_60 = arith.constant 15 : i32
    %lt3A_61 = arith.cmpi slt, %arg1, %lt3A_60 : i32
    %convert_element_type3A_62 = arith.extui %lt3A_61 : i1 to i32
    %cond3A_63 = arith.constant 0 : i32
    %cond3A_64 = arith.cmpi ne, %convert_element_type3A_62, %cond3A_63 : i32
    scf.if %cond3A_64 {
      %add3A_70 = arith.addi %mul3A_37, %mul3A_59 : i32
      "tpu.region"() ({
        %run_scoped3A = tpu.sem_alloc : memref<!tpu.dma_semaphore, #tpu.memory_space<semaphore_mem>>
        %dma_start3A = arith.constant 0 : i32
        %dma_start3A_71 = tpu.memref_slice %arg6[%add3A_70, %dma_start3A] : memref<40000x128xf32, #tpu.memory_space<hbm>> -> memref<640x128xf32, #tpu.memory_space<hbm>>
        %dma_start3A_72 = arith.constant 0 : i32
        %dma_start3A_73 = tpu.memref_slice %arg10[%mul3A_59, %dma_start3A_72] : memref<10000x128xf32, #tpu.memory_space<vmem_shared>> -> memref<640x128xf32, #tpu.memory_space<vmem_shared>>
        tpu.enqueue_dma source(%dma_start3A_73 : memref<640x128xf32, #tpu.memory_space<vmem_shared>>) target(%dma_start3A_71 : memref<640x128xf32, #tpu.memory_space<hbm>>) target_semaphore(%run_scoped3A : memref<!tpu.dma_semaphore, #tpu.memory_space<semaphore_mem>>)
        %dma_wait3A = arith.constant 0 : i32
        %dma_wait3A_74 = tpu.memref_slice %arg6[%add3A_70, %dma_wait3A] : memref<40000x128xf32, #tpu.memory_space<hbm>> -> memref<640x128xf32, #tpu.memory_space<hbm>>
        %dma_wait3A_75 = arith.constant 0 : i32
        %dma_wait3A_76 = tpu.memref_slice %arg10[%mul3A_59, %dma_wait3A_75] : memref<10000x128xf32, #tpu.memory_space<vmem_shared>> -> memref<640x128xf32, #tpu.memory_space<vmem_shared>>
        tpu.wait_dma2 semaphore(%run_scoped3A : memref<!tpu.dma_semaphore, #tpu.memory_space<semaphore_mem>>) src(%dma_wait3A_76 : memref<640x128xf32, #tpu.memory_space<vmem_shared>>) dst(%dma_wait3A_74 : memref<640x128xf32, #tpu.memory_space<hbm>>)
        tpu.yield
      }) : () -> ()
    } else {
    }
    %eq3A_65 = arith.constant 15 : i32
    %eq3A_66 = arith.cmpi eq, %arg1, %eq3A_65 : i32
    %convert_element_type3A_67 = arith.extui %eq3A_66 : i1 to i32
    %cond3A_68 = arith.constant 0 : i32
    %cond3A_69 = arith.cmpi ne, %convert_element_type3A_67, %cond3A_68 : i32
    scf.if %cond3A_69 {
      %add3A_70 = arith.addi %mul3A_37, %mul3A_59 : i32
      "tpu.region"() ({
        %run_scoped3A = tpu.sem_alloc : memref<!tpu.dma_semaphore, #tpu.memory_space<semaphore_mem>>
        %dma_start3A = arith.constant 0 : i32
        %dma_start3A_71 = tpu.memref_slice %arg6[%add3A_70, %dma_start3A] : memref<40000x128xf32, #tpu.memory_space<hbm>> -> memref<400x128xf32, #tpu.memory_space<hbm>>
        %dma_start3A_72 = arith.constant 0 : i32
        %dma_start3A_73 = tpu.memref_slice %arg10[%mul3A_59, %dma_start3A_72] : memref<10000x128xf32, #tpu.memory_space<vmem_shared>> -> memref<400x128xf32, #tpu.memory_space<vmem_shared>>
        tpu.enqueue_dma source(%dma_start3A_73 : memref<400x128xf32, #tpu.memory_space<vmem_shared>>) target(%dma_start3A_71 : memref<400x128xf32, #tpu.memory_space<hbm>>) target_semaphore(%run_scoped3A : memref<!tpu.dma_semaphore, #tpu.memory_space<semaphore_mem>>)
        %dma_wait3A = arith.constant 0 : i32
        %dma_wait3A_74 = tpu.memref_slice %arg6[%add3A_70, %dma_wait3A] : memref<40000x128xf32, #tpu.memory_space<hbm>> -> memref<400x128xf32, #tpu.memory_space<hbm>>
        %dma_wait3A_75 = arith.constant 0 : i32
        %dma_wait3A_76 = tpu.memref_slice %arg10[%mul3A_59, %dma_wait3A_75] : memref<10000x128xf32, #tpu.memory_space<vmem_shared>> -> memref<400x128xf32, #tpu.memory_space<vmem_shared>>
        tpu.wait_dma2 semaphore(%run_scoped3A : memref<!tpu.dma_semaphore, #tpu.memory_space<semaphore_mem>>) src(%dma_wait3A_76 : memref<400x128xf32, #tpu.memory_space<vmem_shared>>) dst(%dma_wait3A_74 : memref<400x128xf32, #tpu.memory_space<hbm>>)
        tpu.yield
      }) : () -> ()
    } else {
    }
    return
  }
}

#map = affine_map<(d0, d1) -> (0, 0)>
#map1 = affine_map<(d0, d1) -> (0)>
module attributes {stable_mosaic.version = 14 : i64} {
  func.func @_spmm_kernel(%arg0: i32, %arg1: i32, %arg2: memref<40000x128xf32, #tpu.memory_space<hbm>>, %arg3: memref<2560000xi32, #tpu.memory_space<hbm>>, %arg4: memref<640000xi32, #tpu.memory_space<hbm>>, %arg5: memref<10000x128xf32, #tpu.memory_space<hbm>>, %arg6: memref<40000x128xf32, #tpu.memory_space<hbm>>, %arg7: memref<80xi32, #tpu.memory_space<vmem>>, %arg8: memref<80xi32, #tpu.memory_space<vmem>>, %arg9: memref<80x128xf32, #tpu.memory_space<vmem>>, %arg10: memref<10000x128xf32, #tpu.memory_space<vmem_shared>>, %arg11: memref<!tpu.dma_semaphore, #tpu.memory_space<semaphore_mem>>) attributes {dimension_semantics = [#tpu.dimension_semantics<core_parallel>, #tpu.dimension_semantics<subcore_parallel>], iteration_bounds = array<i64: 2, 16>, scalar_prefetch = 0 : i64, scratch_operands = 5 : i64, tpu.core_type = #tpu.core_type<sc_vector_subcore>, window_params = [{transform_indices = #map}, {transform_indices = #map1}, {transform_indices = #map1}, {transform_indices = #map}, {transform_indices = #map}]} {
    %mul3A = arith.constant 40000 : i32
    %mul3A_0 = arith.muli %arg1, %mul3A : i32
    %mul3A_1 = arith.constant 2 : i32
    %mul3A_2 = arith.muli %arg0, %mul3A_1 : i32
    %add3A = arith.constant 0 : i32
    %add3A_3 = arith.addi %mul3A_2, %add3A : i32
    %mul3A_4 = arith.constant 10000 : i32
    %mul3A_5 = arith.muli %add3A_3, %mul3A_4 : i32
    %mul3A_6 = arith.constant 640 : i32
    %mul3A_7 = arith.muli %arg1, %mul3A_6 : i32
    %lt3A = arith.constant 15 : i32
    %lt3A_8 = arith.cmpi slt, %arg1, %lt3A : i32
    %convert_element_type3A = arith.extui %lt3A_8 : i1 to i32
    %cond3A = arith.constant 0 : i32
    %cond3A_9 = arith.cmpi ne, %convert_element_type3A, %cond3A : i32
    scf.if %cond3A_9 {
      "tpu.region"() ({
        %run_scoped3A = tpu.sem_alloc : memref<!tpu.dma_semaphore, #tpu.memory_space<semaphore_mem>>
        %dma_start3A = arith.constant 0 : i32
        %dma_start3A_70 = tpu.memref_slice %arg10[%mul3A_7, %dma_start3A] : memref<10000x128xf32, #tpu.memory_space<vmem_shared>> -> memref<640x128xf32, #tpu.memory_space<vmem_shared>>
        %dma_start3A_71 = arith.constant 0 : i32
        %dma_start3A_72 = tpu.memref_slice %arg5[%mul3A_7, %dma_start3A_71] : memref<10000x128xf32, #tpu.memory_space<hbm>> -> memref<640x128xf32, #tpu.memory_space<hbm>>
        tpu.enqueue_dma source(%dma_start3A_72 : memref<640x128xf32, #tpu.memory_space<hbm>>) target(%dma_start3A_70 : memref<640x128xf32, #tpu.memory_space<vmem_shared>>) target_semaphore(%run_scoped3A : memref<!tpu.dma_semaphore, #tpu.memory_space<semaphore_mem>>)
        %dma_wait3A = arith.constant 0 : i32
        %dma_wait3A_73 = tpu.memref_slice %arg10[%mul3A_7, %dma_wait3A] : memref<10000x128xf32, #tpu.memory_space<vmem_shared>> -> memref<640x128xf32, #tpu.memory_space<vmem_shared>>
        %dma_wait3A_74 = arith.constant 0 : i32
        %dma_wait3A_75 = tpu.memref_slice %arg5[%mul3A_7, %dma_wait3A_74] : memref<10000x128xf32, #tpu.memory_space<hbm>> -> memref<640x128xf32, #tpu.memory_space<hbm>>
        tpu.wait_dma2 semaphore(%run_scoped3A : memref<!tpu.dma_semaphore, #tpu.memory_space<semaphore_mem>>) src(%dma_wait3A_75 : memref<640x128xf32, #tpu.memory_space<hbm>>) dst(%dma_wait3A_73 : memref<640x128xf32, #tpu.memory_space<vmem_shared>>)
        tpu.yield
      }) : () -> ()
    } else {
    }
    %eq3A = arith.constant 15 : i32
    %eq3A_10 = arith.cmpi eq, %arg1, %eq3A : i32
    %convert_element_type3A_11 = arith.extui %eq3A_10 : i1 to i32
    %cond3A_12 = arith.constant 0 : i32
    %cond3A_13 = arith.cmpi ne, %convert_element_type3A_11, %cond3A_12 : i32
    scf.if %cond3A_13 {
      "tpu.region"() ({
        %run_scoped3A = tpu.sem_alloc : memref<!tpu.dma_semaphore, #tpu.memory_space<semaphore_mem>>
        %dma_start3A = arith.constant 0 : i32
        %dma_start3A_70 = tpu.memref_slice %arg10[%mul3A_7, %dma_start3A] : memref<10000x128xf32, #tpu.memory_space<vmem_shared>> -> memref<400x128xf32, #tpu.memory_space<vmem_shared>>
        %dma_start3A_71 = arith.constant 0 : i32
        %dma_start3A_72 = tpu.memref_slice %arg5[%mul3A_7, %dma_start3A_71] : memref<10000x128xf32, #tpu.memory_space<hbm>> -> memref<400x128xf32, #tpu.memory_space<hbm>>
        tpu.enqueue_dma source(%dma_start3A_72 : memref<400x128xf32, #tpu.memory_space<hbm>>) target(%dma_start3A_70 : memref<400x128xf32, #tpu.memory_space<vmem_shared>>) target_semaphore(%run_scoped3A : memref<!tpu.dma_semaphore, #tpu.memory_space<semaphore_mem>>)
        %dma_wait3A = arith.constant 0 : i32
        %dma_wait3A_73 = tpu.memref_slice %arg10[%mul3A_7, %dma_wait3A] : memref<10000x128xf32, #tpu.memory_space<vmem_shared>> -> memref<400x128xf32, #tpu.memory_space<vmem_shared>>
        %dma_wait3A_74 = arith.constant 0 : i32
        %dma_wait3A_75 = tpu.memref_slice %arg5[%mul3A_7, %dma_wait3A_74] : memref<10000x128xf32, #tpu.memory_space<hbm>> -> memref<400x128xf32, #tpu.memory_space<hbm>>
        tpu.wait_dma2 semaphore(%run_scoped3A : memref<!tpu.dma_semaphore, #tpu.memory_space<semaphore_mem>>) src(%dma_wait3A_75 : memref<400x128xf32, #tpu.memory_space<hbm>>) dst(%dma_wait3A_73 : memref<400x128xf32, #tpu.memory_space<vmem_shared>>)
        tpu.yield
      }) : () -> ()
    } else {
    }
    %barrier3A = arith.constant 0 : index
    tpu.barrier barrier_id(%barrier3A)
    %scan3A = arith.constant 0 : i32
    %scan3A_14 = arith.constant 0 : i32
    %scan3A_15 = arith.constant 500 : i32
    %scan3A_16 = arith.addi %scan3A_14, %scan3A_15 : i32
    %scan3A_17 = arith.constant 1 : i32
    scf.for %scan3A_70 = %scan3A_14 to %scan3A_16 step %scan3A_17  : i32 {
      %mul3A_71 = arith.constant 80 : i32
      %mul3A_72 = arith.muli %scan3A_70, %mul3A_71 : i32
      %add3A_73 = arith.addi %mul3A_0, %mul3A_72 : i32
      %mul3A_74 = arith.constant 640000 : i32
      %mul3A_75 = arith.muli %add3A_3, %mul3A_74 : i32
      %add3A_76 = arith.addi %mul3A_75, %add3A_73 : i32
      "tpu.region"() ({
        %run_scoped3A = tpu.sem_alloc : memref<!tpu.dma_semaphore, #tpu.memory_space<semaphore_mem>>
        %dma_start3A_81 = tpu.memref_slice %arg3[%add3A_76] : memref<2560000xi32, #tpu.memory_space<hbm>> -> memref<80xi32, #tpu.memory_space<hbm>>
        %dma_start3A_82 = tpu.memref_slice %arg3[%add3A_76] : memref<2560000xi32, #tpu.memory_space<hbm>> -> memref<80xi32, #tpu.memory_space<hbm>>
        tpu.enqueue_dma source(%dma_start3A_82 : memref<80xi32, #tpu.memory_space<hbm>>) target(%arg7 : memref<80xi32, #tpu.memory_space<vmem>>) target_semaphore(%run_scoped3A : memref<!tpu.dma_semaphore, #tpu.memory_space<semaphore_mem>>)
        %dma_wait3A_83 = tpu.memref_slice %arg3[%add3A_76] : memref<2560000xi32, #tpu.memory_space<hbm>> -> memref<80xi32, #tpu.memory_space<hbm>>
        %dma_wait3A_84 = tpu.memref_slice %arg3[%add3A_76] : memref<2560000xi32, #tpu.memory_space<hbm>> -> memref<80xi32, #tpu.memory_space<hbm>>
        tpu.wait_dma2 semaphore(%run_scoped3A : memref<!tpu.dma_semaphore, #tpu.memory_space<semaphore_mem>>) src(%dma_wait3A_84 : memref<80xi32, #tpu.memory_space<hbm>>) dst(%arg7 : memref<80xi32, #tpu.memory_space<vmem>>)
        tpu.yield
      }) : () -> ()
      "tpu.region"() ({
        %run_scoped3A = tpu.sem_alloc : memref<!tpu.dma_semaphore, #tpu.memory_space<semaphore_mem>>
        %dma_start3A_81 = tpu.memref_slice %arg4[%add3A_73] : memref<640000xi32, #tpu.memory_space<hbm>> -> memref<80xi32, #tpu.memory_space<hbm>>
        %dma_start3A_82 = tpu.memref_slice %arg4[%add3A_73] : memref<640000xi32, #tpu.memory_space<hbm>> -> memref<80xi32, #tpu.memory_space<hbm>>
        tpu.enqueue_dma source(%dma_start3A_82 : memref<80xi32, #tpu.memory_space<hbm>>) target(%arg8 : memref<80xi32, #tpu.memory_space<vmem>>) target_semaphore(%run_scoped3A : memref<!tpu.dma_semaphore, #tpu.memory_space<semaphore_mem>>)
        %dma_wait3A_83 = tpu.memref_slice %arg4[%add3A_73] : memref<640000xi32, #tpu.memory_space<hbm>> -> memref<80xi32, #tpu.memory_space<hbm>>
        %dma_wait3A_84 = tpu.memref_slice %arg4[%add3A_73] : memref<640000xi32, #tpu.memory_space<hbm>> -> memref<80xi32, #tpu.memory_space<hbm>>
        tpu.wait_dma2 semaphore(%run_scoped3A : memref<!tpu.dma_semaphore, #tpu.memory_space<semaphore_mem>>) src(%dma_wait3A_84 : memref<80xi32, #tpu.memory_space<hbm>>) dst(%arg8 : memref<80xi32, #tpu.memory_space<vmem>>)
        tpu.yield
      }) : () -> ()
      %dma_start3A = arith.constant 0 : i32
      %dma_start3A_77 = arith.constant 0 : i32
      %dma_start3A_78 = tpu.memref_slice %arg2[%dma_start3A, %dma_start3A_77] : memref<40000x128xf32, #tpu.memory_space<hbm>> -> memref<40000x128xf32, #tpu.memory_space<hbm>>
      tpu.enqueue_indirect_dma source(%dma_start3A_78 : memref<40000x128xf32, #tpu.memory_space<hbm>>) target(%arg9 : memref<80x128xf32, #tpu.memory_space<vmem>>) offsets(%arg7 : memref<80xi32, #tpu.memory_space<vmem>>) semaphore(%arg11 : memref<!tpu.dma_semaphore, #tpu.memory_space<semaphore_mem>>)
      %dma_wait3A = arith.constant 0 : i32
      %dma_wait3A_79 = arith.constant 0 : i32
      %dma_wait3A_80 = tpu.memref_slice %arg2[%dma_wait3A, %dma_wait3A_79] : memref<40000x128xf32, #tpu.memory_space<hbm>> -> memref<40000x128xf32, #tpu.memory_space<hbm>>
      tpu.wait_indirect_dma semaphore(%arg11 : memref<!tpu.dma_semaphore, #tpu.memory_space<semaphore_mem>>) src(%dma_wait3A_80 : memref<40000x128xf32, #tpu.memory_space<hbm>>) dst(%arg9 : memref<80x128xf32, #tpu.memory_space<vmem>>)
      "tpu.region"() ({
        %run_scoped3A = tpu.sem_alloc : memref<!tpu.dma_semaphore, #tpu.memory_space<semaphore_mem>>
        %dma_start3A_81 = arith.constant 0 : i32
        %dma_start3A_82 = arith.constant 0 : i32
        %dma_start3A_83 = tpu.memref_slice %arg10[%dma_start3A_81, %dma_start3A_82] : memref<10000x128xf32, #tpu.memory_space<vmem_shared>> -> memref<10000x128xf32, #tpu.memory_space<vmem_shared>>
        tpu.enqueue_indirect_dma source(%arg9 : memref<80x128xf32, #tpu.memory_space<vmem>>) target(%dma_start3A_83 : memref<10000x128xf32, #tpu.memory_space<vmem_shared>>) offsets(%arg8 : memref<80xi32, #tpu.memory_space<vmem>>) semaphore(%run_scoped3A : memref<!tpu.dma_semaphore, #tpu.memory_space<semaphore_mem>>) {add = true}
        %dma_wait3A_84 = arith.constant 0 : i32
        %dma_wait3A_85 = arith.constant 0 : i32
        %dma_wait3A_86 = tpu.memref_slice %arg10[%dma_wait3A_84, %dma_wait3A_85] : memref<10000x128xf32, #tpu.memory_space<vmem_shared>> -> memref<10000x128xf32, #tpu.memory_space<vmem_shared>>
        tpu.wait_indirect_dma semaphore(%run_scoped3A : memref<!tpu.dma_semaphore, #tpu.memory_space<semaphore_mem>>) src(%arg9 : memref<80x128xf32, #tpu.memory_space<vmem>>) dst(%dma_wait3A_86 : memref<10000x128xf32, #tpu.memory_space<vmem_shared>>)
        tpu.yield
      }) : () -> ()
    }
    %scan3A_18 = arith.constant 500 : i32
    %barrier3A_19 = arith.constant 0 : index
    tpu.barrier barrier_id(%barrier3A_19)
    %mul3A_20 = arith.constant 640 : i32
    %mul3A_21 = arith.muli %arg1, %mul3A_20 : i32
    %lt3A_22 = arith.constant 15 : i32
    %lt3A_23 = arith.cmpi slt, %arg1, %lt3A_22 : i32
    %convert_element_type3A_24 = arith.extui %lt3A_23 : i1 to i32
    %cond3A_25 = arith.constant 0 : i32
    %cond3A_26 = arith.cmpi ne, %convert_element_type3A_24, %cond3A_25 : i32
    scf.if %cond3A_26 {
      %add3A_70 = arith.addi %mul3A_5, %mul3A_21 : i32
      "tpu.region"() ({
        %run_scoped3A = tpu.sem_alloc : memref<!tpu.dma_semaphore, #tpu.memory_space<semaphore_mem>>
        %dma_start3A = arith.constant 0 : i32
        %dma_start3A_71 = tpu.memref_slice %arg6[%add3A_70, %dma_start3A] : memref<40000x128xf32, #tpu.memory_space<hbm>> -> memref<640x128xf32, #tpu.memory_space<hbm>>
        %dma_start3A_72 = arith.constant 0 : i32
        %dma_start3A_73 = tpu.memref_slice %arg10[%mul3A_21, %dma_start3A_72] : memref<10000x128xf32, #tpu.memory_space<vmem_shared>> -> memref<640x128xf32, #tpu.memory_space<vmem_shared>>
        tpu.enqueue_dma source(%dma_start3A_73 : memref<640x128xf32, #tpu.memory_space<vmem_shared>>) target(%dma_start3A_71 : memref<640x128xf32, #tpu.memory_space<hbm>>) target_semaphore(%run_scoped3A : memref<!tpu.dma_semaphore, #tpu.memory_space<semaphore_mem>>)
        %dma_wait3A = arith.constant 0 : i32
        %dma_wait3A_74 = tpu.memref_slice %arg6[%add3A_70, %dma_wait3A] : memref<40000x128xf32, #tpu.memory_space<hbm>> -> memref<640x128xf32, #tpu.memory_space<hbm>>
        %dma_wait3A_75 = arith.constant 0 : i32
        %dma_wait3A_76 = tpu.memref_slice %arg10[%mul3A_21, %dma_wait3A_75] : memref<10000x128xf32, #tpu.memory_space<vmem_shared>> -> memref<640x128xf32, #tpu.memory_space<vmem_shared>>
        tpu.wait_dma2 semaphore(%run_scoped3A : memref<!tpu.dma_semaphore, #tpu.memory_space<semaphore_mem>>) src(%dma_wait3A_76 : memref<640x128xf32, #tpu.memory_space<vmem_shared>>) dst(%dma_wait3A_74 : memref<640x128xf32, #tpu.memory_space<hbm>>)
        tpu.yield
      }) : () -> ()
    } else {
    }
    %eq3A_27 = arith.constant 15 : i32
    %eq3A_28 = arith.cmpi eq, %arg1, %eq3A_27 : i32
    %convert_element_type3A_29 = arith.extui %eq3A_28 : i1 to i32
    %cond3A_30 = arith.constant 0 : i32
    %cond3A_31 = arith.cmpi ne, %convert_element_type3A_29, %cond3A_30 : i32
    scf.if %cond3A_31 {
      %add3A_70 = arith.addi %mul3A_5, %mul3A_21 : i32
      "tpu.region"() ({
        %run_scoped3A = tpu.sem_alloc : memref<!tpu.dma_semaphore, #tpu.memory_space<semaphore_mem>>
        %dma_start3A = arith.constant 0 : i32
        %dma_start3A_71 = tpu.memref_slice %arg6[%add3A_70, %dma_start3A] : memref<40000x128xf32, #tpu.memory_space<hbm>> -> memref<400x128xf32, #tpu.memory_space<hbm>>
        %dma_start3A_72 = arith.constant 0 : i32
        %dma_start3A_73 = tpu.memref_slice %arg10[%mul3A_21, %dma_start3A_72] : memref<10000x128xf32, #tpu.memory_space<vmem_shared>> -> memref<400x128xf32, #tpu.memory_space<vmem_shared>>
        tpu.enqueue_dma source(%dma_start3A_73 : memref<400x128xf32, #tpu.memory_space<vmem_shared>>) target(%dma_start3A_71 : memref<400x128xf32, #tpu.memory_space<hbm>>) target_semaphore(%run_scoped3A : memref<!tpu.dma_semaphore, #tpu.memory_space<semaphore_mem>>)
        %dma_wait3A = arith.constant 0 : i32
        %dma_wait3A_74 = tpu.memref_slice %arg6[%add3A_70, %dma_wait3A] : memref<40000x128xf32, #tpu.memory_space<hbm>> -> memref<400x128xf32, #tpu.memory_space<hbm>>
        %dma_wait3A_75 = arith.constant 0 : i32
        %dma_wait3A_76 = tpu.memref_slice %arg10[%mul3A_21, %dma_wait3A_75] : memref<10000x128xf32, #tpu.memory_space<vmem_shared>> -> memref<400x128xf32, #tpu.memory_space<vmem_shared>>
        tpu.wait_dma2 semaphore(%run_scoped3A : memref<!tpu.dma_semaphore, #tpu.memory_space<semaphore_mem>>) src(%dma_wait3A_76 : memref<400x128xf32, #tpu.memory_space<vmem_shared>>) dst(%dma_wait3A_74 : memref<400x128xf32, #tpu.memory_space<hbm>>)
        tpu.yield
      }) : () -> ()
    } else {
    }
    %mul3A_32 = arith.constant 2 : i32
    %mul3A_33 = arith.muli %arg0, %mul3A_32 : i32
    %add3A_34 = arith.constant 1 : i32
    %add3A_35 = arith.addi %mul3A_33, %add3A_34 : i32
    %mul3A_36 = arith.constant 10000 : i32
    %mul3A_37 = arith.muli %add3A_35, %mul3A_36 : i32
    %mul3A_38 = arith.constant 640 : i32
    %mul3A_39 = arith.muli %arg1, %mul3A_38 : i32
    %lt3A_40 = arith.constant 15 : i32
    %lt3A_41 = arith.cmpi slt, %arg1, %lt3A_40 : i32
    %convert_element_type3A_42 = arith.extui %lt3A_41 : i1 to i32
    %cond3A_43 = arith.constant 0 : i32
    %cond3A_44 = arith.cmpi ne, %convert_element_type3A_42, %cond3A_43 : i32
    scf.if %cond3A_44 {
      "tpu.region"() ({
        %run_scoped3A = tpu.sem_alloc : memref<!tpu.dma_semaphore, #tpu.memory_space<semaphore_mem>>
        %dma_start3A = arith.constant 0 : i32
        %dma_start3A_70 = tpu.memref_slice %arg10[%mul3A_39, %dma_start3A] : memref<10000x128xf32, #tpu.memory_space<vmem_shared>> -> memref<640x128xf32, #tpu.memory_space<vmem_shared>>
        %dma_start3A_71 = arith.constant 0 : i32
        %dma_start3A_72 = tpu.memref_slice %arg5[%mul3A_39, %dma_start3A_71] : memref<10000x128xf32, #tpu.memory_space<hbm>> -> memref<640x128xf32, #tpu.memory_space<hbm>>
        tpu.enqueue_dma source(%dma_start3A_72 : memref<640x128xf32, #tpu.memory_space<hbm>>) target(%dma_start3A_70 : memref<640x128xf32, #tpu.memory_space<vmem_shared>>) target_semaphore(%run_scoped3A : memref<!tpu.dma_semaphore, #tpu.memory_space<semaphore_mem>>)
        %dma_wait3A = arith.constant 0 : i32
        %dma_wait3A_73 = tpu.memref_slice %arg10[%mul3A_39, %dma_wait3A] : memref<10000x128xf32, #tpu.memory_space<vmem_shared>> -> memref<640x128xf32, #tpu.memory_space<vmem_shared>>
        %dma_wait3A_74 = arith.constant 0 : i32
        %dma_wait3A_75 = tpu.memref_slice %arg5[%mul3A_39, %dma_wait3A_74] : memref<10000x128xf32, #tpu.memory_space<hbm>> -> memref<640x128xf32, #tpu.memory_space<hbm>>
        tpu.wait_dma2 semaphore(%run_scoped3A : memref<!tpu.dma_semaphore, #tpu.memory_space<semaphore_mem>>) src(%dma_wait3A_75 : memref<640x128xf32, #tpu.memory_space<hbm>>) dst(%dma_wait3A_73 : memref<640x128xf32, #tpu.memory_space<vmem_shared>>)
        tpu.yield
      }) : () -> ()
    } else {
    }
    %eq3A_45 = arith.constant 15 : i32
    %eq3A_46 = arith.cmpi eq, %arg1, %eq3A_45 : i32
    %convert_element_type3A_47 = arith.extui %eq3A_46 : i1 to i32
    %cond3A_48 = arith.constant 0 : i32
    %cond3A_49 = arith.cmpi ne, %convert_element_type3A_47, %cond3A_48 : i32
    scf.if %cond3A_49 {
      "tpu.region"() ({
        %run_scoped3A = tpu.sem_alloc : memref<!tpu.dma_semaphore, #tpu.memory_space<semaphore_mem>>
        %dma_start3A = arith.constant 0 : i32
        %dma_start3A_70 = tpu.memref_slice %arg10[%mul3A_39, %dma_start3A] : memref<10000x128xf32, #tpu.memory_space<vmem_shared>> -> memref<400x128xf32, #tpu.memory_space<vmem_shared>>
        %dma_start3A_71 = arith.constant 0 : i32
        %dma_start3A_72 = tpu.memref_slice %arg5[%mul3A_39, %dma_start3A_71] : memref<10000x128xf32, #tpu.memory_space<hbm>> -> memref<400x128xf32, #tpu.memory_space<hbm>>
        tpu.enqueue_dma source(%dma_start3A_72 : memref<400x128xf32, #tpu.memory_space<hbm>>) target(%dma_start3A_70 : memref<400x128xf32, #tpu.memory_space<vmem_shared>>) target_semaphore(%run_scoped3A : memref<!tpu.dma_semaphore, #tpu.memory_space<semaphore_mem>>)
        %dma_wait3A = arith.constant 0 : i32
        %dma_wait3A_73 = tpu.memref_slice %arg10[%mul3A_39, %dma_wait3A] : memref<10000x128xf32, #tpu.memory_space<vmem_shared>> -> memref<400x128xf32, #tpu.memory_space<vmem_shared>>
        %dma_wait3A_74 = arith.constant 0 : i32
        %dma_wait3A_75 = tpu.memref_slice %arg5[%mul3A_39, %dma_wait3A_74] : memref<10000x128xf32, #tpu.memory_space<hbm>> -> memref<400x128xf32, #tpu.memory_space<hbm>>
        tpu.wait_dma2 semaphore(%run_scoped3A : memref<!tpu.dma_semaphore, #tpu.memory_space<semaphore_mem>>) src(%dma_wait3A_75 : memref<400x128xf32, #tpu.memory_space<hbm>>) dst(%dma_wait3A_73 : memref<400x128xf32, #tpu.memory_space<vmem_shared>>)
        tpu.yield
      }) : () -> ()
    } else {
    }
    %barrier3A_50 = arith.constant 0 : index
    tpu.barrier barrier_id(%barrier3A_50)
    %scan3A_51 = arith.constant 0 : i32
    %scan3A_52 = arith.constant 0 : i32
    %scan3A_53 = arith.constant 500 : i32
    %scan3A_54 = arith.addi %scan3A_52, %scan3A_53 : i32
    %scan3A_55 = arith.constant 1 : i32
    scf.for %scan3A_70 = %scan3A_52 to %scan3A_54 step %scan3A_55  : i32 {
      %mul3A_71 = arith.constant 80 : i32
      %mul3A_72 = arith.muli %scan3A_70, %mul3A_71 : i32
      %add3A_73 = arith.addi %mul3A_0, %mul3A_72 : i32
      %mul3A_74 = arith.constant 640000 : i32
      %mul3A_75 = arith.muli %add3A_35, %mul3A_74 : i32
      %add3A_76 = arith.addi %mul3A_75, %add3A_73 : i32
      "tpu.region"() ({
        %run_scoped3A = tpu.sem_alloc : memref<!tpu.dma_semaphore, #tpu.memory_space<semaphore_mem>>
        %dma_start3A_81 = tpu.memref_slice %arg3[%add3A_76] : memref<2560000xi32, #tpu.memory_space<hbm>> -> memref<80xi32, #tpu.memory_space<hbm>>
        %dma_start3A_82 = tpu.memref_slice %arg3[%add3A_76] : memref<2560000xi32, #tpu.memory_space<hbm>> -> memref<80xi32, #tpu.memory_space<hbm>>
        tpu.enqueue_dma source(%dma_start3A_82 : memref<80xi32, #tpu.memory_space<hbm>>) target(%arg7 : memref<80xi32, #tpu.memory_space<vmem>>) target_semaphore(%run_scoped3A : memref<!tpu.dma_semaphore, #tpu.memory_space<semaphore_mem>>)
        %dma_wait3A_83 = tpu.memref_slice %arg3[%add3A_76] : memref<2560000xi32, #tpu.memory_space<hbm>> -> memref<80xi32, #tpu.memory_space<hbm>>
        %dma_wait3A_84 = tpu.memref_slice %arg3[%add3A_76] : memref<2560000xi32, #tpu.memory_space<hbm>> -> memref<80xi32, #tpu.memory_space<hbm>>
        tpu.wait_dma2 semaphore(%run_scoped3A : memref<!tpu.dma_semaphore, #tpu.memory_space<semaphore_mem>>) src(%dma_wait3A_84 : memref<80xi32, #tpu.memory_space<hbm>>) dst(%arg7 : memref<80xi32, #tpu.memory_space<vmem>>)
        tpu.yield
      }) : () -> ()
      "tpu.region"() ({
        %run_scoped3A = tpu.sem_alloc : memref<!tpu.dma_semaphore, #tpu.memory_space<semaphore_mem>>
        %dma_start3A_81 = tpu.memref_slice %arg4[%add3A_73] : memref<640000xi32, #tpu.memory_space<hbm>> -> memref<80xi32, #tpu.memory_space<hbm>>
        %dma_start3A_82 = tpu.memref_slice %arg4[%add3A_73] : memref<640000xi32, #tpu.memory_space<hbm>> -> memref<80xi32, #tpu.memory_space<hbm>>
        tpu.enqueue_dma source(%dma_start3A_82 : memref<80xi32, #tpu.memory_space<hbm>>) target(%arg8 : memref<80xi32, #tpu.memory_space<vmem>>) target_semaphore(%run_scoped3A : memref<!tpu.dma_semaphore, #tpu.memory_space<semaphore_mem>>)
        %dma_wait3A_83 = tpu.memref_slice %arg4[%add3A_73] : memref<640000xi32, #tpu.memory_space<hbm>> -> memref<80xi32, #tpu.memory_space<hbm>>
        %dma_wait3A_84 = tpu.memref_slice %arg4[%add3A_73] : memref<640000xi32, #tpu.memory_space<hbm>> -> memref<80xi32, #tpu.memory_space<hbm>>
        tpu.wait_dma2 semaphore(%run_scoped3A : memref<!tpu.dma_semaphore, #tpu.memory_space<semaphore_mem>>) src(%dma_wait3A_84 : memref<80xi32, #tpu.memory_space<hbm>>) dst(%arg8 : memref<80xi32, #tpu.memory_space<vmem>>)
        tpu.yield
      }) : () -> ()
      %dma_start3A = arith.constant 0 : i32
      %dma_start3A_77 = arith.constant 0 : i32
      %dma_start3A_78 = tpu.memref_slice %arg2[%dma_start3A, %dma_start3A_77] : memref<40000x128xf32, #tpu.memory_space<hbm>> -> memref<40000x128xf32, #tpu.memory_space<hbm>>
      tpu.enqueue_indirect_dma source(%dma_start3A_78 : memref<40000x128xf32, #tpu.memory_space<hbm>>) target(%arg9 : memref<80x128xf32, #tpu.memory_space<vmem>>) offsets(%arg7 : memref<80xi32, #tpu.memory_space<vmem>>) semaphore(%arg11 : memref<!tpu.dma_semaphore, #tpu.memory_space<semaphore_mem>>)
      %dma_wait3A = arith.constant 0 : i32
      %dma_wait3A_79 = arith.constant 0 : i32
      %dma_wait3A_80 = tpu.memref_slice %arg2[%dma_wait3A, %dma_wait3A_79] : memref<40000x128xf32, #tpu.memory_space<hbm>> -> memref<40000x128xf32, #tpu.memory_space<hbm>>
      tpu.wait_indirect_dma semaphore(%arg11 : memref<!tpu.dma_semaphore, #tpu.memory_space<semaphore_mem>>) src(%dma_wait3A_80 : memref<40000x128xf32, #tpu.memory_space<hbm>>) dst(%arg9 : memref<80x128xf32, #tpu.memory_space<vmem>>)
      "tpu.region"() ({
        %run_scoped3A = tpu.sem_alloc : memref<!tpu.dma_semaphore, #tpu.memory_space<semaphore_mem>>
        %dma_start3A_81 = arith.constant 0 : i32
        %dma_start3A_82 = arith.constant 0 : i32
        %dma_start3A_83 = tpu.memref_slice %arg10[%dma_start3A_81, %dma_start3A_82] : memref<10000x128xf32, #tpu.memory_space<vmem_shared>> -> memref<10000x128xf32, #tpu.memory_space<vmem_shared>>
        tpu.enqueue_indirect_dma source(%arg9 : memref<80x128xf32, #tpu.memory_space<vmem>>) target(%dma_start3A_83 : memref<10000x128xf32, #tpu.memory_space<vmem_shared>>) offsets(%arg8 : memref<80xi32, #tpu.memory_space<vmem>>) semaphore(%run_scoped3A : memref<!tpu.dma_semaphore, #tpu.memory_space<semaphore_mem>>) {add = true}
        %dma_wait3A_84 = arith.constant 0 : i32
        %dma_wait3A_85 = arith.constant 0 : i32
        %dma_wait3A_86 = tpu.memref_slice %arg10[%dma_wait3A_84, %dma_wait3A_85] : memref<10000x128xf32, #tpu.memory_space<vmem_shared>> -> memref<10000x128xf32, #tpu.memory_space<vmem_shared>>
        tpu.wait_indirect_dma semaphore(%run_scoped3A : memref<!tpu.dma_semaphore, #tpu.memory_space<semaphore_mem>>) src(%arg9 : memref<80x128xf32, #tpu.memory_space<vmem>>) dst(%dma_wait3A_86 : memref<10000x128xf32, #tpu.memory_space<vmem_shared>>)
        tpu.yield
      }) : () -> ()
    }
    %scan3A_56 = arith.constant 500 : i32
    %barrier3A_57 = arith.constant 0 : index
    tpu.barrier barrier_id(%barrier3A_57)
    %mul3A_58 = arith.constant 640 : i32
    %mul3A_59 = arith.muli %arg1, %mul3A_58 : i32
    %lt3A_60 = arith.constant 15 : i32
    %lt3A_61 = arith.cmpi slt, %arg1, %lt3A_60 : i32
    %convert_element_type3A_62 = arith.extui %lt3A_61 : i1 to i32
    %cond3A_63 = arith.constant 0 : i32
    %cond3A_64 = arith.cmpi ne, %convert_element_type3A_62, %cond3A_63 : i32
    scf.if %cond3A_64 {
      %add3A_70 = arith.addi %mul3A_37, %mul3A_59 : i32
      "tpu.region"() ({
        %run_scoped3A = tpu.sem_alloc : memref<!tpu.dma_semaphore, #tpu.memory_space<semaphore_mem>>
        %dma_start3A = arith.constant 0 : i32
        %dma_start3A_71 = tpu.memref_slice %arg6[%add3A_70, %dma_start3A] : memref<40000x128xf32, #tpu.memory_space<hbm>> -> memref<640x128xf32, #tpu.memory_space<hbm>>
        %dma_start3A_72 = arith.constant 0 : i32
        %dma_start3A_73 = tpu.memref_slice %arg10[%mul3A_59, %dma_start3A_72] : memref<10000x128xf32, #tpu.memory_space<vmem_shared>> -> memref<640x128xf32, #tpu.memory_space<vmem_shared>>
        tpu.enqueue_dma source(%dma_start3A_73 : memref<640x128xf32, #tpu.memory_space<vmem_shared>>) target(%dma_start3A_71 : memref<640x128xf32, #tpu.memory_space<hbm>>) target_semaphore(%run_scoped3A : memref<!tpu.dma_semaphore, #tpu.memory_space<semaphore_mem>>)
        %dma_wait3A = arith.constant 0 : i32
        %dma_wait3A_74 = tpu.memref_slice %arg6[%add3A_70, %dma_wait3A] : memref<40000x128xf32, #tpu.memory_space<hbm>> -> memref<640x128xf32, #tpu.memory_space<hbm>>
        %dma_wait3A_75 = arith.constant 0 : i32
        %dma_wait3A_76 = tpu.memref_slice %arg10[%mul3A_59, %dma_wait3A_75] : memref<10000x128xf32, #tpu.memory_space<vmem_shared>> -> memref<640x128xf32, #tpu.memory_space<vmem_shared>>
        tpu.wait_dma2 semaphore(%run_scoped3A : memref<!tpu.dma_semaphore, #tpu.memory_space<semaphore_mem>>) src(%dma_wait3A_76 : memref<640x128xf32, #tpu.memory_space<vmem_shared>>) dst(%dma_wait3A_74 : memref<640x128xf32, #tpu.memory_space<hbm>>)
        tpu.yield
      }) : () -> ()
    } else {
    }
    %eq3A_65 = arith.constant 15 : i32
    %eq3A_66 = arith.cmpi eq, %arg1, %eq3A_65 : i32
    %convert_element_type3A_67 = arith.extui %eq3A_66 : i1 to i32
    %cond3A_68 = arith.constant 0 : i32
    %cond3A_69 = arith.cmpi ne, %convert_element_type3A_67, %cond3A_68 : i32
    scf.if %cond3A_69 {
      %add3A_70 = arith.addi %mul3A_37, %mul3A_59 : i32
      "tpu.region"() ({
        %run_scoped3A = tpu.sem_alloc : memref<!tpu.dma_semaphore, #tpu.memory_space<semaphore_mem>>
        %dma_start3A = arith.constant 0 : i32
        %dma_start3A_71 = tpu.memref_slice %arg6[%add3A_70, %dma_start3A] : memref<40000x128xf32, #tpu.memory_space<hbm>> -> memref<400x128xf32, #tpu.memory_space<hbm>>
        %dma_start3A_72 = arith.constant 0 : i32
        %dma_start3A_73 = tpu.memref_slice %arg10[%mul3A_59, %dma_start3A_72] : memref<10000x128xf32, #tpu.memory_space<vmem_shared>> -> memref<400x128xf32, #tpu.memory_space<vmem_shared>>
        tpu.enqueue_dma source(%dma_start3A_73 : memref<400x128xf32, #tpu.memory_space<vmem_shared>>) target(%dma_start3A_71 : memref<400x128xf32, #tpu.memory_space<hbm>>) target_semaphore(%run_scoped3A : memref<!tpu.dma_semaphore, #tpu.memory_space<semaphore_mem>>)
        %dma_wait3A = arith.constant 0 : i32
        %dma_wait3A_74 = tpu.memref_slice %arg6[%add3A_70, %dma_wait3A] : memref<40000x128xf32, #tpu.memory_space<hbm>> -> memref<400x128xf32, #tpu.memory_space<hbm>>
        %dma_wait3A_75 = arith.constant 0 : i32
        %dma_wait3A_76 = tpu.memref_slice %arg10[%mul3A_59, %dma_wait3A_75] : memref<10000x128xf32, #tpu.memory_space<vmem_shared>> -> memref<400x128xf32, #tpu.memory_space<vmem_shared>>
        tpu.wait_dma2 semaphore(%run_scoped3A : memref<!tpu.dma_semaphore, #tpu.memory_space<semaphore_mem>>) src(%dma_wait3A_76 : memref<400x128xf32, #tpu.memory_space<vmem_shared>>) dst(%dma_wait3A_74 : memref<400x128xf32, #tpu.memory_space<hbm>>)
        tpu.yield
      }) : () -> ()
    } else {
    }
    return
  }
}

#map = affine_map<(d0, d1) -> (0, 0)>
#map1 = affine_map<(d0, d1) -> (0)>
module attributes {stable_mosaic.version = 14 : i64} {
  func.func @_spmm_kernel(%arg0: i32, %arg1: i32, %arg2: memref<40000x128xf32, #tpu.memory_space<hbm>>, %arg3: memref<2560000xi32, #tpu.memory_space<hbm>>, %arg4: memref<640000xi32, #tpu.memory_space<hbm>>, %arg5: memref<10000x128xf32, #tpu.memory_space<hbm>>, %arg6: memref<40000x128xf32, #tpu.memory_space<hbm>>, %arg7: memref<80xi32, #tpu.memory_space<vmem>>, %arg8: memref<80xi32, #tpu.memory_space<vmem>>, %arg9: memref<80x128xf32, #tpu.memory_space<vmem>>, %arg10: memref<10000x128xf32, #tpu.memory_space<vmem_shared>>, %arg11: memref<!tpu.dma_semaphore, #tpu.memory_space<semaphore_mem>>) attributes {dimension_semantics = [#tpu.dimension_semantics<core_parallel>, #tpu.dimension_semantics<subcore_parallel>], iteration_bounds = array<i64: 2, 16>, scalar_prefetch = 0 : i64, scratch_operands = 5 : i64, tpu.core_type = #tpu.core_type<sc_vector_subcore>, window_params = [{transform_indices = #map}, {transform_indices = #map1}, {transform_indices = #map1}, {transform_indices = #map}, {transform_indices = #map}]} {
    %mul3A = arith.constant 40000 : i32
    %mul3A_0 = arith.muli %arg1, %mul3A : i32
    %mul3A_1 = arith.constant 2 : i32
    %mul3A_2 = arith.muli %arg0, %mul3A_1 : i32
    %add3A = arith.constant 0 : i32
    %add3A_3 = arith.addi %mul3A_2, %add3A : i32
    %mul3A_4 = arith.constant 10000 : i32
    %mul3A_5 = arith.muli %add3A_3, %mul3A_4 : i32
    %mul3A_6 = arith.constant 640 : i32
    %mul3A_7 = arith.muli %arg1, %mul3A_6 : i32
    %lt3A = arith.constant 15 : i32
    %lt3A_8 = arith.cmpi slt, %arg1, %lt3A : i32
    %convert_element_type3A = arith.extui %lt3A_8 : i1 to i32
    %cond3A = arith.constant 0 : i32
    %cond3A_9 = arith.cmpi ne, %convert_element_type3A, %cond3A : i32
    scf.if %cond3A_9 {
      "tpu.region"() ({
        %run_scoped3A = tpu.sem_alloc : memref<!tpu.dma_semaphore, #tpu.memory_space<semaphore_mem>>
        %dma_start3A = arith.constant 0 : i32
        %dma_start3A_70 = tpu.memref_slice %arg10[%mul3A_7, %dma_start3A] : memref<10000x128xf32, #tpu.memory_space<vmem_shared>> -> memref<640x128xf32, #tpu.memory_space<vmem_shared>>
        %dma_start3A_71 = arith.constant 0 : i32
        %dma_start3A_72 = tpu.memref_slice %arg5[%mul3A_7, %dma_start3A_71] : memref<10000x128xf32, #tpu.memory_space<hbm>> -> memref<640x128xf32, #tpu.memory_space<hbm>>
        tpu.enqueue_dma source(%dma_start3A_72 : memref<640x128xf32, #tpu.memory_space<hbm>>) target(%dma_start3A_70 : memref<640x128xf32, #tpu.memory_space<vmem_shared>>) target_semaphore(%run_scoped3A : memref<!tpu.dma_semaphore, #tpu.memory_space<semaphore_mem>>)
        %dma_wait3A = arith.constant 0 : i32
        %dma_wait3A_73 = tpu.memref_slice %arg10[%mul3A_7, %dma_wait3A] : memref<10000x128xf32, #tpu.memory_space<vmem_shared>> -> memref<640x128xf32, #tpu.memory_space<vmem_shared>>
        %dma_wait3A_74 = arith.constant 0 : i32
        %dma_wait3A_75 = tpu.memref_slice %arg5[%mul3A_7, %dma_wait3A_74] : memref<10000x128xf32, #tpu.memory_space<hbm>> -> memref<640x128xf32, #tpu.memory_space<hbm>>
        tpu.wait_dma2 semaphore(%run_scoped3A : memref<!tpu.dma_semaphore, #tpu.memory_space<semaphore_mem>>) src(%dma_wait3A_75 : memref<640x128xf32, #tpu.memory_space<hbm>>) dst(%dma_wait3A_73 : memref<640x128xf32, #tpu.memory_space<vmem_shared>>)
        tpu.yield
      }) : () -> ()
    } else {
    }
    %eq3A = arith.constant 15 : i32
    %eq3A_10 = arith.cmpi eq, %arg1, %eq3A : i32
    %convert_element_type3A_11 = arith.extui %eq3A_10 : i1 to i32
    %cond3A_12 = arith.constant 0 : i32
    %cond3A_13 = arith.cmpi ne, %convert_element_type3A_11, %cond3A_12 : i32
    scf.if %cond3A_13 {
      "tpu.region"() ({
        %run_scoped3A = tpu.sem_alloc : memref<!tpu.dma_semaphore, #tpu.memory_space<semaphore_mem>>
        %dma_start3A = arith.constant 0 : i32
        %dma_start3A_70 = tpu.memref_slice %arg10[%mul3A_7, %dma_start3A] : memref<10000x128xf32, #tpu.memory_space<vmem_shared>> -> memref<400x128xf32, #tpu.memory_space<vmem_shared>>
        %dma_start3A_71 = arith.constant 0 : i32
        %dma_start3A_72 = tpu.memref_slice %arg5[%mul3A_7, %dma_start3A_71] : memref<10000x128xf32, #tpu.memory_space<hbm>> -> memref<400x128xf32, #tpu.memory_space<hbm>>
        tpu.enqueue_dma source(%dma_start3A_72 : memref<400x128xf32, #tpu.memory_space<hbm>>) target(%dma_start3A_70 : memref<400x128xf32, #tpu.memory_space<vmem_shared>>) target_semaphore(%run_scoped3A : memref<!tpu.dma_semaphore, #tpu.memory_space<semaphore_mem>>)
        %dma_wait3A = arith.constant 0 : i32
        %dma_wait3A_73 = tpu.memref_slice %arg10[%mul3A_7, %dma_wait3A] : memref<10000x128xf32, #tpu.memory_space<vmem_shared>> -> memref<400x128xf32, #tpu.memory_space<vmem_shared>>
        %dma_wait3A_74 = arith.constant 0 : i32
        %dma_wait3A_75 = tpu.memref_slice %arg5[%mul3A_7, %dma_wait3A_74] : memref<10000x128xf32, #tpu.memory_space<hbm>> -> memref<400x128xf32, #tpu.memory_space<hbm>>
        tpu.wait_dma2 semaphore(%run_scoped3A : memref<!tpu.dma_semaphore, #tpu.memory_space<semaphore_mem>>) src(%dma_wait3A_75 : memref<400x128xf32, #tpu.memory_space<hbm>>) dst(%dma_wait3A_73 : memref<400x128xf32, #tpu.memory_space<vmem_shared>>)
        tpu.yield
      }) : () -> ()
    } else {
    }
    %barrier3A = arith.constant 0 : index
    tpu.barrier barrier_id(%barrier3A)
    %scan3A = arith.constant 0 : i32
    %scan3A_14 = arith.constant 0 : i32
    %scan3A_15 = arith.constant 500 : i32
    %scan3A_16 = arith.addi %scan3A_14, %scan3A_15 : i32
    %scan3A_17 = arith.constant 1 : i32
    scf.for %scan3A_70 = %scan3A_14 to %scan3A_16 step %scan3A_17  : i32 {
      %mul3A_71 = arith.constant 80 : i32
      %mul3A_72 = arith.muli %scan3A_70, %mul3A_71 : i32
      %add3A_73 = arith.addi %mul3A_0, %mul3A_72 : i32
      %mul3A_74 = arith.constant 640000 : i32
      %mul3A_75 = arith.muli %add3A_3, %mul3A_74 : i32
      %add3A_76 = arith.addi %mul3A_75, %add3A_73 : i32
      "tpu.region"() ({
        %run_scoped3A = tpu.sem_alloc : memref<!tpu.dma_semaphore, #tpu.memory_space<semaphore_mem>>
        %dma_start3A_81 = tpu.memref_slice %arg3[%add3A_76] : memref<2560000xi32, #tpu.memory_space<hbm>> -> memref<80xi32, #tpu.memory_space<hbm>>
        %dma_start3A_82 = tpu.memref_slice %arg3[%add3A_76] : memref<2560000xi32, #tpu.memory_space<hbm>> -> memref<80xi32, #tpu.memory_space<hbm>>
        tpu.enqueue_dma source(%dma_start3A_82 : memref<80xi32, #tpu.memory_space<hbm>>) target(%arg7 : memref<80xi32, #tpu.memory_space<vmem>>) target_semaphore(%run_scoped3A : memref<!tpu.dma_semaphore, #tpu.memory_space<semaphore_mem>>)
        %dma_wait3A_83 = tpu.memref_slice %arg3[%add3A_76] : memref<2560000xi32, #tpu.memory_space<hbm>> -> memref<80xi32, #tpu.memory_space<hbm>>
        %dma_wait3A_84 = tpu.memref_slice %arg3[%add3A_76] : memref<2560000xi32, #tpu.memory_space<hbm>> -> memref<80xi32, #tpu.memory_space<hbm>>
        tpu.wait_dma2 semaphore(%run_scoped3A : memref<!tpu.dma_semaphore, #tpu.memory_space<semaphore_mem>>) src(%dma_wait3A_84 : memref<80xi32, #tpu.memory_space<hbm>>) dst(%arg7 : memref<80xi32, #tpu.memory_space<vmem>>)
        tpu.yield
      }) : () -> ()
      "tpu.region"() ({
        %run_scoped3A = tpu.sem_alloc : memref<!tpu.dma_semaphore, #tpu.memory_space<semaphore_mem>>
        %dma_start3A_81 = tpu.memref_slice %arg4[%add3A_73] : memref<640000xi32, #tpu.memory_space<hbm>> -> memref<80xi32, #tpu.memory_space<hbm>>
        %dma_start3A_82 = tpu.memref_slice %arg4[%add3A_73] : memref<640000xi32, #tpu.memory_space<hbm>> -> memref<80xi32, #tpu.memory_space<hbm>>
        tpu.enqueue_dma source(%dma_start3A_82 : memref<80xi32, #tpu.memory_space<hbm>>) target(%arg8 : memref<80xi32, #tpu.memory_space<vmem>>) target_semaphore(%run_scoped3A : memref<!tpu.dma_semaphore, #tpu.memory_space<semaphore_mem>>)
        %dma_wait3A_83 = tpu.memref_slice %arg4[%add3A_73] : memref<640000xi32, #tpu.memory_space<hbm>> -> memref<80xi32, #tpu.memory_space<hbm>>
        %dma_wait3A_84 = tpu.memref_slice %arg4[%add3A_73] : memref<640000xi32, #tpu.memory_space<hbm>> -> memref<80xi32, #tpu.memory_space<hbm>>
        tpu.wait_dma2 semaphore(%run_scoped3A : memref<!tpu.dma_semaphore, #tpu.memory_space<semaphore_mem>>) src(%dma_wait3A_84 : memref<80xi32, #tpu.memory_space<hbm>>) dst(%arg8 : memref<80xi32, #tpu.memory_space<vmem>>)
        tpu.yield
      }) : () -> ()
      %dma_start3A = arith.constant 0 : i32
      %dma_start3A_77 = arith.constant 0 : i32
      %dma_start3A_78 = tpu.memref_slice %arg2[%dma_start3A, %dma_start3A_77] : memref<40000x128xf32, #tpu.memory_space<hbm>> -> memref<40000x128xf32, #tpu.memory_space<hbm>>
      tpu.enqueue_indirect_dma source(%dma_start3A_78 : memref<40000x128xf32, #tpu.memory_space<hbm>>) target(%arg9 : memref<80x128xf32, #tpu.memory_space<vmem>>) offsets(%arg7 : memref<80xi32, #tpu.memory_space<vmem>>) semaphore(%arg11 : memref<!tpu.dma_semaphore, #tpu.memory_space<semaphore_mem>>)
      %dma_wait3A = arith.constant 0 : i32
      %dma_wait3A_79 = arith.constant 0 : i32
      %dma_wait3A_80 = tpu.memref_slice %arg2[%dma_wait3A, %dma_wait3A_79] : memref<40000x128xf32, #tpu.memory_space<hbm>> -> memref<40000x128xf32, #tpu.memory_space<hbm>>
      tpu.wait_indirect_dma semaphore(%arg11 : memref<!tpu.dma_semaphore, #tpu.memory_space<semaphore_mem>>) src(%dma_wait3A_80 : memref<40000x128xf32, #tpu.memory_space<hbm>>) dst(%arg9 : memref<80x128xf32, #tpu.memory_space<vmem>>)
      "tpu.region"() ({
        %run_scoped3A = tpu.sem_alloc : memref<!tpu.dma_semaphore, #tpu.memory_space<semaphore_mem>>
        %dma_start3A_81 = arith.constant 0 : i32
        %dma_start3A_82 = arith.constant 0 : i32
        %dma_start3A_83 = tpu.memref_slice %arg10[%dma_start3A_81, %dma_start3A_82] : memref<10000x128xf32, #tpu.memory_space<vmem_shared>> -> memref<10000x128xf32, #tpu.memory_space<vmem_shared>>
        tpu.enqueue_indirect_dma source(%arg9 : memref<80x128xf32, #tpu.memory_space<vmem>>) target(%dma_start3A_83 : memref<10000x128xf32, #tpu.memory_space<vmem_shared>>) offsets(%arg8 : memref<80xi32, #tpu.memory_space<vmem>>) semaphore(%run_scoped3A : memref<!tpu.dma_semaphore, #tpu.memory_space<semaphore_mem>>) {add = true}
        %dma_wait3A_84 = arith.constant 0 : i32
        %dma_wait3A_85 = arith.constant 0 : i32
        %dma_wait3A_86 = tpu.memref_slice %arg10[%dma_wait3A_84, %dma_wait3A_85] : memref<10000x128xf32, #tpu.memory_space<vmem_shared>> -> memref<10000x128xf32, #tpu.memory_space<vmem_shared>>
        tpu.wait_indirect_dma semaphore(%run_scoped3A : memref<!tpu.dma_semaphore, #tpu.memory_space<semaphore_mem>>) src(%arg9 : memref<80x128xf32, #tpu.memory_space<vmem>>) dst(%dma_wait3A_86 : memref<10000x128xf32, #tpu.memory_space<vmem_shared>>)
        tpu.yield
      }) : () -> ()
    }
    %scan3A_18 = arith.constant 500 : i32
    %barrier3A_19 = arith.constant 0 : index
    tpu.barrier barrier_id(%barrier3A_19)
    %mul3A_20 = arith.constant 640 : i32
    %mul3A_21 = arith.muli %arg1, %mul3A_20 : i32
    %lt3A_22 = arith.constant 15 : i32
    %lt3A_23 = arith.cmpi slt, %arg1, %lt3A_22 : i32
    %convert_element_type3A_24 = arith.extui %lt3A_23 : i1 to i32
    %cond3A_25 = arith.constant 0 : i32
    %cond3A_26 = arith.cmpi ne, %convert_element_type3A_24, %cond3A_25 : i32
    scf.if %cond3A_26 {
      %add3A_70 = arith.addi %mul3A_5, %mul3A_21 : i32
      "tpu.region"() ({
        %run_scoped3A = tpu.sem_alloc : memref<!tpu.dma_semaphore, #tpu.memory_space<semaphore_mem>>
        %dma_start3A = arith.constant 0 : i32
        %dma_start3A_71 = tpu.memref_slice %arg6[%add3A_70, %dma_start3A] : memref<40000x128xf32, #tpu.memory_space<hbm>> -> memref<640x128xf32, #tpu.memory_space<hbm>>
        %dma_start3A_72 = arith.constant 0 : i32
        %dma_start3A_73 = tpu.memref_slice %arg10[%mul3A_21, %dma_start3A_72] : memref<10000x128xf32, #tpu.memory_space<vmem_shared>> -> memref<640x128xf32, #tpu.memory_space<vmem_shared>>
        tpu.enqueue_dma source(%dma_start3A_73 : memref<640x128xf32, #tpu.memory_space<vmem_shared>>) target(%dma_start3A_71 : memref<640x128xf32, #tpu.memory_space<hbm>>) target_semaphore(%run_scoped3A : memref<!tpu.dma_semaphore, #tpu.memory_space<semaphore_mem>>)
        %dma_wait3A = arith.constant 0 : i32
        %dma_wait3A_74 = tpu.memref_slice %arg6[%add3A_70, %dma_wait3A] : memref<40000x128xf32, #tpu.memory_space<hbm>> -> memref<640x128xf32, #tpu.memory_space<hbm>>
        %dma_wait3A_75 = arith.constant 0 : i32
        %dma_wait3A_76 = tpu.memref_slice %arg10[%mul3A_21, %dma_wait3A_75] : memref<10000x128xf32, #tpu.memory_space<vmem_shared>> -> memref<640x128xf32, #tpu.memory_space<vmem_shared>>
        tpu.wait_dma2 semaphore(%run_scoped3A : memref<!tpu.dma_semaphore, #tpu.memory_space<semaphore_mem>>) src(%dma_wait3A_76 : memref<640x128xf32, #tpu.memory_space<vmem_shared>>) dst(%dma_wait3A_74 : memref<640x128xf32, #tpu.memory_space<hbm>>)
        tpu.yield
      }) : () -> ()
    } else {
    }
    %eq3A_27 = arith.constant 15 : i32
    %eq3A_28 = arith.cmpi eq, %arg1, %eq3A_27 : i32
    %convert_element_type3A_29 = arith.extui %eq3A_28 : i1 to i32
    %cond3A_30 = arith.constant 0 : i32
    %cond3A_31 = arith.cmpi ne, %convert_element_type3A_29, %cond3A_30 : i32
    scf.if %cond3A_31 {
      %add3A_70 = arith.addi %mul3A_5, %mul3A_21 : i32
      "tpu.region"() ({
        %run_scoped3A = tpu.sem_alloc : memref<!tpu.dma_semaphore, #tpu.memory_space<semaphore_mem>>
        %dma_start3A = arith.constant 0 : i32
        %dma_start3A_71 = tpu.memref_slice %arg6[%add3A_70, %dma_start3A] : memref<40000x128xf32, #tpu.memory_space<hbm>> -> memref<400x128xf32, #tpu.memory_space<hbm>>
        %dma_start3A_72 = arith.constant 0 : i32
        %dma_start3A_73 = tpu.memref_slice %arg10[%mul3A_21, %dma_start3A_72] : memref<10000x128xf32, #tpu.memory_space<vmem_shared>> -> memref<400x128xf32, #tpu.memory_space<vmem_shared>>
        tpu.enqueue_dma source(%dma_start3A_73 : memref<400x128xf32, #tpu.memory_space<vmem_shared>>) target(%dma_start3A_71 : memref<400x128xf32, #tpu.memory_space<hbm>>) target_semaphore(%run_scoped3A : memref<!tpu.dma_semaphore, #tpu.memory_space<semaphore_mem>>)
        %dma_wait3A = arith.constant 0 : i32
        %dma_wait3A_74 = tpu.memref_slice %arg6[%add3A_70, %dma_wait3A] : memref<40000x128xf32, #tpu.memory_space<hbm>> -> memref<400x128xf32, #tpu.memory_space<hbm>>
        %dma_wait3A_75 = arith.constant 0 : i32
        %dma_wait3A_76 = tpu.memref_slice %arg10[%mul3A_21, %dma_wait3A_75] : memref<10000x128xf32, #tpu.memory_space<vmem_shared>> -> memref<400x128xf32, #tpu.memory_space<vmem_shared>>
        tpu.wait_dma2 semaphore(%run_scoped3A : memref<!tpu.dma_semaphore, #tpu.memory_space<semaphore_mem>>) src(%dma_wait3A_76 : memref<400x128xf32, #tpu.memory_space<vmem_shared>>) dst(%dma_wait3A_74 : memref<400x128xf32, #tpu.memory_space<hbm>>)
        tpu.yield
      }) : () -> ()
    } else {
    }
    %mul3A_32 = arith.constant 2 : i32
    %mul3A_33 = arith.muli %arg0, %mul3A_32 : i32
    %add3A_34 = arith.constant 1 : i32
    %add3A_35 = arith.addi %mul3A_33, %add3A_34 : i32
    %mul3A_36 = arith.constant 10000 : i32
    %mul3A_37 = arith.muli %add3A_35, %mul3A_36 : i32
    %mul3A_38 = arith.constant 640 : i32
    %mul3A_39 = arith.muli %arg1, %mul3A_38 : i32
    %lt3A_40 = arith.constant 15 : i32
    %lt3A_41 = arith.cmpi slt, %arg1, %lt3A_40 : i32
    %convert_element_type3A_42 = arith.extui %lt3A_41 : i1 to i32
    %cond3A_43 = arith.constant 0 : i32
    %cond3A_44 = arith.cmpi ne, %convert_element_type3A_42, %cond3A_43 : i32
    scf.if %cond3A_44 {
      "tpu.region"() ({
        %run_scoped3A = tpu.sem_alloc : memref<!tpu.dma_semaphore, #tpu.memory_space<semaphore_mem>>
        %dma_start3A = arith.constant 0 : i32
        %dma_start3A_70 = tpu.memref_slice %arg10[%mul3A_39, %dma_start3A] : memref<10000x128xf32, #tpu.memory_space<vmem_shared>> -> memref<640x128xf32, #tpu.memory_space<vmem_shared>>
        %dma_start3A_71 = arith.constant 0 : i32
        %dma_start3A_72 = tpu.memref_slice %arg5[%mul3A_39, %dma_start3A_71] : memref<10000x128xf32, #tpu.memory_space<hbm>> -> memref<640x128xf32, #tpu.memory_space<hbm>>
        tpu.enqueue_dma source(%dma_start3A_72 : memref<640x128xf32, #tpu.memory_space<hbm>>) target(%dma_start3A_70 : memref<640x128xf32, #tpu.memory_space<vmem_shared>>) target_semaphore(%run_scoped3A : memref<!tpu.dma_semaphore, #tpu.memory_space<semaphore_mem>>)
        %dma_wait3A = arith.constant 0 : i32
        %dma_wait3A_73 = tpu.memref_slice %arg10[%mul3A_39, %dma_wait3A] : memref<10000x128xf32, #tpu.memory_space<vmem_shared>> -> memref<640x128xf32, #tpu.memory_space<vmem_shared>>
        %dma_wait3A_74 = arith.constant 0 : i32
        %dma_wait3A_75 = tpu.memref_slice %arg5[%mul3A_39, %dma_wait3A_74] : memref<10000x128xf32, #tpu.memory_space<hbm>> -> memref<640x128xf32, #tpu.memory_space<hbm>>
        tpu.wait_dma2 semaphore(%run_scoped3A : memref<!tpu.dma_semaphore, #tpu.memory_space<semaphore_mem>>) src(%dma_wait3A_75 : memref<640x128xf32, #tpu.memory_space<hbm>>) dst(%dma_wait3A_73 : memref<640x128xf32, #tpu.memory_space<vmem_shared>>)
        tpu.yield
      }) : () -> ()
    } else {
    }
    %eq3A_45 = arith.constant 15 : i32
    %eq3A_46 = arith.cmpi eq, %arg1, %eq3A_45 : i32
    %convert_element_type3A_47 = arith.extui %eq3A_46 : i1 to i32
    %cond3A_48 = arith.constant 0 : i32
    %cond3A_49 = arith.cmpi ne, %convert_element_type3A_47, %cond3A_48 : i32
    scf.if %cond3A_49 {
      "tpu.region"() ({
        %run_scoped3A = tpu.sem_alloc : memref<!tpu.dma_semaphore, #tpu.memory_space<semaphore_mem>>
        %dma_start3A = arith.constant 0 : i32
        %dma_start3A_70 = tpu.memref_slice %arg10[%mul3A_39, %dma_start3A] : memref<10000x128xf32, #tpu.memory_space<vmem_shared>> -> memref<400x128xf32, #tpu.memory_space<vmem_shared>>
        %dma_start3A_71 = arith.constant 0 : i32
        %dma_start3A_72 = tpu.memref_slice %arg5[%mul3A_39, %dma_start3A_71] : memref<10000x128xf32, #tpu.memory_space<hbm>> -> memref<400x128xf32, #tpu.memory_space<hbm>>
        tpu.enqueue_dma source(%dma_start3A_72 : memref<400x128xf32, #tpu.memory_space<hbm>>) target(%dma_start3A_70 : memref<400x128xf32, #tpu.memory_space<vmem_shared>>) target_semaphore(%run_scoped3A : memref<!tpu.dma_semaphore, #tpu.memory_space<semaphore_mem>>)
        %dma_wait3A = arith.constant 0 : i32
        %dma_wait3A_73 = tpu.memref_slice %arg10[%mul3A_39, %dma_wait3A] : memref<10000x128xf32, #tpu.memory_space<vmem_shared>> -> memref<400x128xf32, #tpu.memory_space<vmem_shared>>
        %dma_wait3A_74 = arith.constant 0 : i32
        %dma_wait3A_75 = tpu.memref_slice %arg5[%mul3A_39, %dma_wait3A_74] : memref<10000x128xf32, #tpu.memory_space<hbm>> -> memref<400x128xf32, #tpu.memory_space<hbm>>
        tpu.wait_dma2 semaphore(%run_scoped3A : memref<!tpu.dma_semaphore, #tpu.memory_space<semaphore_mem>>) src(%dma_wait3A_75 : memref<400x128xf32, #tpu.memory_space<hbm>>) dst(%dma_wait3A_73 : memref<400x128xf32, #tpu.memory_space<vmem_shared>>)
        tpu.yield
      }) : () -> ()
    } else {
    }
    %barrier3A_50 = arith.constant 0 : index
    tpu.barrier barrier_id(%barrier3A_50)
    %scan3A_51 = arith.constant 0 : i32
    %scan3A_52 = arith.constant 0 : i32
    %scan3A_53 = arith.constant 500 : i32
    %scan3A_54 = arith.addi %scan3A_52, %scan3A_53 : i32
    %scan3A_55 = arith.constant 1 : i32
    scf.for %scan3A_70 = %scan3A_52 to %scan3A_54 step %scan3A_55  : i32 {
      %mul3A_71 = arith.constant 80 : i32
      %mul3A_72 = arith.muli %scan3A_70, %mul3A_71 : i32
      %add3A_73 = arith.addi %mul3A_0, %mul3A_72 : i32
      %mul3A_74 = arith.constant 640000 : i32
      %mul3A_75 = arith.muli %add3A_35, %mul3A_74 : i32
      %add3A_76 = arith.addi %mul3A_75, %add3A_73 : i32
      "tpu.region"() ({
        %run_scoped3A = tpu.sem_alloc : memref<!tpu.dma_semaphore, #tpu.memory_space<semaphore_mem>>
        %dma_start3A_81 = tpu.memref_slice %arg3[%add3A_76] : memref<2560000xi32, #tpu.memory_space<hbm>> -> memref<80xi32, #tpu.memory_space<hbm>>
        %dma_start3A_82 = tpu.memref_slice %arg3[%add3A_76] : memref<2560000xi32, #tpu.memory_space<hbm>> -> memref<80xi32, #tpu.memory_space<hbm>>
        tpu.enqueue_dma source(%dma_start3A_82 : memref<80xi32, #tpu.memory_space<hbm>>) target(%arg7 : memref<80xi32, #tpu.memory_space<vmem>>) target_semaphore(%run_scoped3A : memref<!tpu.dma_semaphore, #tpu.memory_space<semaphore_mem>>)
        %dma_wait3A_83 = tpu.memref_slice %arg3[%add3A_76] : memref<2560000xi32, #tpu.memory_space<hbm>> -> memref<80xi32, #tpu.memory_space<hbm>>
        %dma_wait3A_84 = tpu.memref_slice %arg3[%add3A_76] : memref<2560000xi32, #tpu.memory_space<hbm>> -> memref<80xi32, #tpu.memory_space<hbm>>
        tpu.wait_dma2 semaphore(%run_scoped3A : memref<!tpu.dma_semaphore, #tpu.memory_space<semaphore_mem>>) src(%dma_wait3A_84 : memref<80xi32, #tpu.memory_space<hbm>>) dst(%arg7 : memref<80xi32, #tpu.memory_space<vmem>>)
        tpu.yield
      }) : () -> ()
      "tpu.region"() ({
        %run_scoped3A = tpu.sem_alloc : memref<!tpu.dma_semaphore, #tpu.memory_space<semaphore_mem>>
        %dma_start3A_81 = tpu.memref_slice %arg4[%add3A_73] : memref<640000xi32, #tpu.memory_space<hbm>> -> memref<80xi32, #tpu.memory_space<hbm>>
        %dma_start3A_82 = tpu.memref_slice %arg4[%add3A_73] : memref<640000xi32, #tpu.memory_space<hbm>> -> memref<80xi32, #tpu.memory_space<hbm>>
        tpu.enqueue_dma source(%dma_start3A_82 : memref<80xi32, #tpu.memory_space<hbm>>) target(%arg8 : memref<80xi32, #tpu.memory_space<vmem>>) target_semaphore(%run_scoped3A : memref<!tpu.dma_semaphore, #tpu.memory_space<semaphore_mem>>)
        %dma_wait3A_83 = tpu.memref_slice %arg4[%add3A_73] : memref<640000xi32, #tpu.memory_space<hbm>> -> memref<80xi32, #tpu.memory_space<hbm>>
        %dma_wait3A_84 = tpu.memref_slice %arg4[%add3A_73] : memref<640000xi32, #tpu.memory_space<hbm>> -> memref<80xi32, #tpu.memory_space<hbm>>
        tpu.wait_dma2 semaphore(%run_scoped3A : memref<!tpu.dma_semaphore, #tpu.memory_space<semaphore_mem>>) src(%dma_wait3A_84 : memref<80xi32, #tpu.memory_space<hbm>>) dst(%arg8 : memref<80xi32, #tpu.memory_space<vmem>>)
        tpu.yield
      }) : () -> ()
      %dma_start3A = arith.constant 0 : i32
      %dma_start3A_77 = arith.constant 0 : i32
      %dma_start3A_78 = tpu.memref_slice %arg2[%dma_start3A, %dma_start3A_77] : memref<40000x128xf32, #tpu.memory_space<hbm>> -> memref<40000x128xf32, #tpu.memory_space<hbm>>
      tpu.enqueue_indirect_dma source(%dma_start3A_78 : memref<40000x128xf32, #tpu.memory_space<hbm>>) target(%arg9 : memref<80x128xf32, #tpu.memory_space<vmem>>) offsets(%arg7 : memref<80xi32, #tpu.memory_space<vmem>>) semaphore(%arg11 : memref<!tpu.dma_semaphore, #tpu.memory_space<semaphore_mem>>)
      %dma_wait3A = arith.constant 0 : i32
      %dma_wait3A_79 = arith.constant 0 : i32
      %dma_wait3A_80 = tpu.memref_slice %arg2[%dma_wait3A, %dma_wait3A_79] : memref<40000x128xf32, #tpu.memory_space<hbm>> -> memref<40000x128xf32, #tpu.memory_space<hbm>>
      tpu.wait_indirect_dma semaphore(%arg11 : memref<!tpu.dma_semaphore, #tpu.memory_space<semaphore_mem>>) src(%dma_wait3A_80 : memref<40000x128xf32, #tpu.memory_space<hbm>>) dst(%arg9 : memref<80x128xf32, #tpu.memory_space<vmem>>)
      "tpu.region"() ({
        %run_scoped3A = tpu.sem_alloc : memref<!tpu.dma_semaphore, #tpu.memory_space<semaphore_mem>>
        %dma_start3A_81 = arith.constant 0 : i32
        %dma_start3A_82 = arith.constant 0 : i32
        %dma_start3A_83 = tpu.memref_slice %arg10[%dma_start3A_81, %dma_start3A_82] : memref<10000x128xf32, #tpu.memory_space<vmem_shared>> -> memref<10000x128xf32, #tpu.memory_space<vmem_shared>>
        tpu.enqueue_indirect_dma source(%arg9 : memref<80x128xf32, #tpu.memory_space<vmem>>) target(%dma_start3A_83 : memref<10000x128xf32, #tpu.memory_space<vmem_shared>>) offsets(%arg8 : memref<80xi32, #tpu.memory_space<vmem>>) semaphore(%run_scoped3A : memref<!tpu.dma_semaphore, #tpu.memory_space<semaphore_mem>>) {add = true}
        %dma_wait3A_84 = arith.constant 0 : i32
        %dma_wait3A_85 = arith.constant 0 : i32
        %dma_wait3A_86 = tpu.memref_slice %arg10[%dma_wait3A_84, %dma_wait3A_85] : memref<10000x128xf32, #tpu.memory_space<vmem_shared>> -> memref<10000x128xf32, #tpu.memory_space<vmem_shared>>
        tpu.wait_indirect_dma semaphore(%run_scoped3A : memref<!tpu.dma_semaphore, #tpu.memory_space<semaphore_mem>>) src(%arg9 : memref<80x128xf32, #tpu.memory_space<vmem>>) dst(%dma_wait3A_86 : memref<10000x128xf32, #tpu.memory_space<vmem_shared>>)
        tpu.yield
      }) : () -> ()
    }
    %scan3A_56 = arith.constant 500 : i32
    %barrier3A_57 = arith.constant 0 : index
    tpu.barrier barrier_id(%barrier3A_57)
    %mul3A_58 = arith.constant 640 : i32
    %mul3A_59 = arith.muli %arg1, %mul3A_58 : i32
    %lt3A_60 = arith.constant 15 : i32
    %lt3A_61 = arith.cmpi slt, %arg1, %lt3A_60 : i32
    %convert_element_type3A_62 = arith.extui %lt3A_61 : i1 to i32
    %cond3A_63 = arith.constant 0 : i32
    %cond3A_64 = arith.cmpi ne, %convert_element_type3A_62, %cond3A_63 : i32
    scf.if %cond3A_64 {
      %add3A_70 = arith.addi %mul3A_37, %mul3A_59 : i32
      "tpu.region"() ({
        %run_scoped3A = tpu.sem_alloc : memref<!tpu.dma_semaphore, #tpu.memory_space<semaphore_mem>>
        %dma_start3A = arith.constant 0 : i32
        %dma_start3A_71 = tpu.memref_slice %arg6[%add3A_70, %dma_start3A] : memref<40000x128xf32, #tpu.memory_space<hbm>> -> memref<640x128xf32, #tpu.memory_space<hbm>>
        %dma_start3A_72 = arith.constant 0 : i32
        %dma_start3A_73 = tpu.memref_slice %arg10[%mul3A_59, %dma_start3A_72] : memref<10000x128xf32, #tpu.memory_space<vmem_shared>> -> memref<640x128xf32, #tpu.memory_space<vmem_shared>>
        tpu.enqueue_dma source(%dma_start3A_73 : memref<640x128xf32, #tpu.memory_space<vmem_shared>>) target(%dma_start3A_71 : memref<640x128xf32, #tpu.memory_space<hbm>>) target_semaphore(%run_scoped3A : memref<!tpu.dma_semaphore, #tpu.memory_space<semaphore_mem>>)
        %dma_wait3A = arith.constant 0 : i32
        %dma_wait3A_74 = tpu.memref_slice %arg6[%add3A_70, %dma_wait3A] : memref<40000x128xf32, #tpu.memory_space<hbm>> -> memref<640x128xf32, #tpu.memory_space<hbm>>
        %dma_wait3A_75 = arith.constant 0 : i32
        %dma_wait3A_76 = tpu.memref_slice %arg10[%mul3A_59, %dma_wait3A_75] : memref<10000x128xf32, #tpu.memory_space<vmem_shared>> -> memref<640x128xf32, #tpu.memory_space<vmem_shared>>
        tpu.wait_dma2 semaphore(%run_scoped3A : memref<!tpu.dma_semaphore, #tpu.memory_space<semaphore_mem>>) src(%dma_wait3A_76 : memref<640x128xf32, #tpu.memory_space<vmem_shared>>) dst(%dma_wait3A_74 : memref<640x128xf32, #tpu.memory_space<hbm>>)
        tpu.yield
      }) : () -> ()
    } else {
    }
    %eq3A_65 = arith.constant 15 : i32
    %eq3A_66 = arith.cmpi eq, %arg1, %eq3A_65 : i32
    %convert_element_type3A_67 = arith.extui %eq3A_66 : i1 to i32
    %cond3A_68 = arith.constant 0 : i32
    %cond3A_69 = arith.cmpi ne, %convert_element_type3A_67, %cond3A_68 : i32
    scf.if %cond3A_69 {
      %add3A_70 = arith.addi %mul3A_37, %mul3A_59 : i32
      "tpu.region"() ({
        %run_scoped3A = tpu.sem_alloc : memref<!tpu.dma_semaphore, #tpu.memory_space<semaphore_mem>>
        %dma_start3A = arith.constant 0 : i32
        %dma_start3A_71 = tpu.memref_slice %arg6[%add3A_70, %dma_start3A] : memref<40000x128xf32, #tpu.memory_space<hbm>> -> memref<400x128xf32, #tpu.memory_space<hbm>>
        %dma_start3A_72 = arith.constant 0 : i32
        %dma_start3A_73 = tpu.memref_slice %arg10[%mul3A_59, %dma_start3A_72] : memref<10000x128xf32, #tpu.memory_space<vmem_shared>> -> memref<400x128xf32, #tpu.memory_space<vmem_shared>>
        tpu.enqueue_dma source(%dma_start3A_73 : memref<400x128xf32, #tpu.memory_space<vmem_shared>>) target(%dma_start3A_71 : memref<400x128xf32, #tpu.memory_space<hbm>>) target_semaphore(%run_scoped3A : memref<!tpu.dma_semaphore, #tpu.memory_space<semaphore_mem>>)
        %dma_wait3A = arith.constant 0 : i32
        %dma_wait3A_74 = tpu.memref_slice %arg6[%add3A_70, %dma_wait3A] : memref<40000x128xf32, #tpu.memory_space<hbm>> -> memref<400x128xf32, #tpu.memory_space<hbm>>
        %dma_wait3A_75 = arith.constant 0 : i32
        %dma_wait3A_76 = tpu.memref_slice %arg10[%mul3A_59, %dma_wait3A_75] : memref<10000x128xf32, #tpu.memory_space<vmem_shared>> -> memref<400x128xf32, #tpu.memory_space<vmem_shared>>
        tpu.wait_dma2 semaphore(%run_scoped3A : memref<!tpu.dma_semaphore, #tpu.memory_space<semaphore_mem>>) src(%dma_wait3A_76 : memref<400x128xf32, #tpu.memory_space<vmem_shared>>) dst(%dma_wait3A_74 : memref<400x128xf32, #tpu.memory_space<hbm>>)
        tpu.yield
      }) : () -> ()
    } else {
    }
    return
  }
}

module attributes {stable_mosaic.version = 14 : i64} {
  func.func @_tc1_body(%arg0: i32, %arg1: memref<2000x128xf32, #tpu.memory_space<vmem>>, %arg2: memref<2000x128xf32, #tpu.memory_space<vmem>>, %arg3: memref<2000x128xf32, #tpu.memory_space<vmem>>, %arg4: memref<128x128xf32, #tpu.memory_space<vmem>>, %arg5: memref<1x128xf32, #tpu.memory_space<vmem>>, %arg6: memref<128x128xf32, #tpu.memory_space<vmem>>, %arg7: memref<1x128xf32, #tpu.memory_space<vmem>>, %arg8: memref<2000x128xf32, #tpu.memory_space<vmem>>) attributes {dimension_semantics = [#tpu.dimension_semantics<arbitrary>], iteration_bounds = array<i64: 20>, scalar_prefetch = 0 : i64, scratch_operands = 0 : i64, tpu.core_type = #tpu.core_type<tc>, window_params = [{transform_indices = @transform_0, window_bounds = array<i64: 2000, 128>}, {transform_indices = @transform_1, window_bounds = array<i64: 2000, 128>}, {transform_indices = @transform_2, window_bounds = array<i64: 2000, 128>}, {pipeline_mode = #tpu.pipeline_mode<synchronous>, transform_indices = @transform_3, window_bounds = array<i64: 128, 128>}, {pipeline_mode = #tpu.pipeline_mode<synchronous>, transform_indices = @transform_4, window_bounds = array<i64: 1, 128>}, {pipeline_mode = #tpu.pipeline_mode<synchronous>, transform_indices = @transform_5, window_bounds = array<i64: 128, 128>}, {pipeline_mode = #tpu.pipeline_mode<synchronous>, transform_indices = @transform_6, window_bounds = array<i64: 1, 128>}, {transform_indices = @transform_7, window_bounds = array<i64: 2000, 128>}]} {
    %get3A = arith.constant 0 : index
    %get3A_0 = arith.constant 0 : index
    %get3A_1 = vector.load %arg2[%get3A, %get3A_0] : memref<2000x128xf32, #tpu.memory_space<vmem>>, vector<2000x1xf32>
    %get3A_2 = arith.constant 0 : index
    %get3A_3 = arith.constant 0 : index
    %get3A_4 = vector.load %arg3[%get3A_2, %get3A_3] : memref<2000x128xf32, #tpu.memory_space<vmem>>, vector<2000x1xf32>
    %add3A = arith.addf %get3A_1, %get3A_4 : vector<2000x1xf32>
    %add3A_5 = arith.constant 1.000000e+00 : f32
    %add3A_6 = vector.broadcast %add3A_5 : f32 to vector<2000x1xf32>
    %add3A_7 = arith.addf %add3A, %add3A_6 : vector<2000x1xf32>
    %rsqrt3A = math.rsqrt %add3A_7 : vector<2000x1xf32>
    %get3A_8 = arith.constant 0 : index
    %get3A_9 = arith.constant 0 : index
    %get3A_10 = vector.load %arg1[%get3A_8, %get3A_9] : memref<2000x128xf32, #tpu.memory_space<vmem>>, vector<2000x128xf32>
    %get3A_11 = arith.constant 0 : index
    %get3A_12 = arith.constant 0 : index
    %get3A_13 = vector.load %arg4[%get3A_11, %get3A_12] : memref<128x128xf32, #tpu.memory_space<vmem>>, vector<128x128xf32>
    %dot_general3A = arith.constant dense<0.000000e+00> : vector<2000x128xf32>
    %dot_general3A_14 = tpu.matmul %get3A_10, %get3A_13, %dot_general3A {dimension_numbers = #tpu.dot_dimension_numbers<[1], [0], [0], [1], [0, 0, 1, 1], [], []>, transpose_lhs_hint = false} : vector<2000x128xf32>, vector<128x128xf32>, vector<2000x128xf32> -> vector<2000x128xf32>
    %get3A_15 = arith.constant 0 : index
    %get3A_16 = arith.constant 0 : index
    %get3A_17 = vector.load %arg5[%get3A_15, %get3A_16] : memref<1x128xf32, #tpu.memory_space<vmem>>, vector<1x128xf32>
    %add3A_18 = vector.broadcast %get3A_17 : vector<1x128xf32> to vector<2000x128xf32>
    %add3A_19 = arith.addf %dot_general3A_14, %add3A_18 : vector<2000x128xf32>
    %get3A_20 = arith.constant 0 : index
    %get3A_21 = arith.constant 0 : index
    %get3A_22 = vector.load %arg6[%get3A_20, %get3A_21] : memref<128x128xf32, #tpu.memory_space<vmem>>, vector<128x128xf32>
    %dot_general3A_23 = arith.constant dense<0.000000e+00> : vector<2000x128xf32>
    %dot_general3A_24 = tpu.matmul %add3A_19, %get3A_22, %dot_general3A_23 {dimension_numbers = #tpu.dot_dimension_numbers<[1], [0], [0], [1], [0, 0, 1, 1], [], []>, transpose_lhs_hint = false} : vector<2000x128xf32>, vector<128x128xf32>, vector<2000x128xf32> -> vector<2000x128xf32>
    %get3A_25 = arith.constant 0 : index
    %get3A_26 = arith.constant 0 : index
    %get3A_27 = vector.load %arg7[%get3A_25, %get3A_26] : memref<1x128xf32, #tpu.memory_space<vmem>>, vector<1x128xf32>
    %add3A_28 = vector.broadcast %get3A_27 : vector<1x128xf32> to vector<2000x128xf32>
    %add3A_29 = arith.addf %dot_general3A_24, %add3A_28 : vector<2000x128xf32>
    %mul3A = vector.broadcast %rsqrt3A : vector<2000x1xf32> to vector<2000x128xf32>
    %mul3A_30 = arith.mulf %mul3A, %add3A_29 : vector<2000x128xf32>
    %swap3A = arith.constant 0 : index
    %swap3A_31 = arith.constant 0 : index
    %swap3A_32 = vector.load %arg8[%swap3A, %swap3A_31] : memref<2000x128xf32, #tpu.memory_space<vmem>>, vector<2000x128xf32>
    tpu.vector_store %arg8[%swap3A, %swap3A_31], %mul3A_30 {strides = array<i32>} : memref<2000x128xf32, #tpu.memory_space<vmem>>, vector<2000x128xf32>,
    return
  }
  func.func @transform_0(%arg0: i32) -> (i32, i32) {
    %c0_i32 = arith.constant 0 : i32
    %c0_i32_0 = arith.constant 0 : i32
    return %arg0, %c0_i32 : i32, i32
  }
  func.func @transform_1(%arg0: i32) -> (i32, i32) {
    %jit3A = arith.constant 5 : i32
    %eq3A = arith.constant 0 : i32
    %eq3A_0 = arith.cmpi eq, %jit3A, %eq3A : i32
    %jit3A_1 = arith.constant 1 : i32
    %select_n3A = arith.select %eq3A_0, %jit3A_1, %jit3A : i32
    %rem3A = arith.remsi %arg0, %select_n3A : i32
    %ne3A = arith.constant 0 : i32
    %ne3A_2 = arith.cmpi ne, %rem3A, %ne3A : i32
    %lt3A = arith.constant 0 : i32
    %lt3A_3 = arith.cmpi slt, %rem3A, %lt3A : i32
    %lt3A_4 = arith.constant 0 : i32
    %lt3A_5 = arith.cmpi slt, %select_n3A, %lt3A_4 : i32
    %ne3A_6 = arith.xori %lt3A_3, %lt3A_5 : i1
    %and3A = arith.andi %ne3A_6, %ne3A_2 : i1
    %add3A = arith.addi %rem3A, %select_n3A : i32
    %select_n3A_7 = arith.select %and3A, %add3A, %rem3A : i32
    %c0_i32 = arith.constant 0 : i32
    %c0_i32_8 = arith.constant 0 : i32
    return %select_n3A_7, %c0_i32 : i32, i32
  }
  func.func @transform_2(%arg0: i32) -> (i32, i32) {
    %jit3A = arith.constant 5 : i32
    %eq3A = arith.constant 0 : i32
    %eq3A_0 = arith.cmpi eq, %jit3A, %eq3A : i32
    %jit3A_1 = arith.constant 1 : i32
    %select_n3A = arith.select %eq3A_0, %jit3A_1, %jit3A : i32
    %rem3A = arith.remsi %arg0, %select_n3A : i32
    %ne3A = arith.constant 0 : i32
    %ne3A_2 = arith.cmpi ne, %rem3A, %ne3A : i32
    %lt3A = arith.constant 0 : i32
    %lt3A_3 = arith.cmpi slt, %rem3A, %lt3A : i32
    %lt3A_4 = arith.constant 0 : i32
    %lt3A_5 = arith.cmpi slt, %select_n3A, %lt3A_4 : i32
    %ne3A_6 = arith.xori %lt3A_3, %lt3A_5 : i1
    %and3A = arith.andi %ne3A_6, %ne3A_2 : i1
    %add3A = arith.addi %rem3A, %select_n3A : i32
    %select_n3A_7 = arith.select %and3A, %add3A, %rem3A : i32
    %add3A_8 = arith.constant 5 : i32
    %add3A_9 = arith.addi %add3A_8, %select_n3A_7 : i32
    %c0_i32 = arith.constant 0 : i32
    %c0_i32_10 = arith.constant 0 : i32
    return %add3A_9, %c0_i32 : i32, i32
  }
  func.func @transform_3(%arg0: i32) -> (i32, i32) {
    %c0_i32 = arith.constant 0 : i32
    %c0_i32_0 = arith.constant 0 : i32
    %c0_i32_1 = arith.constant 0 : i32
    return %c0_i32, %c0_i32_0 : i32, i32
  }
  func.func @transform_4(%arg0: i32) -> (i32, i32) {
    %c0_i32 = arith.constant 0 : i32
    %c0_i32_0 = arith.constant 0 : i32
    %c0_i32_1 = arith.constant 0 : i32
    return %c0_i32, %c0_i32_0 : i32, i32
  }
  func.func @transform_5(%arg0: i32) -> (i32, i32) {
    %c0_i32 = arith.constant 0 : i32
    %c0_i32_0 = arith.constant 0 : i32
    %c0_i32_1 = arith.constant 0 : i32
    return %c0_i32, %c0_i32_0 : i32, i32
  }
  func.func @transform_6(%arg0: i32) -> (i32, i32) {
    %c0_i32 = arith.constant 0 : i32
    %c0_i32_0 = arith.constant 0 : i32
    %c0_i32_1 = arith.constant 0 : i32
    return %c0_i32, %c0_i32_0 : i32, i32
  }
  func.func @transform_7(%arg0: i32) -> (i32, i32) {
    %c0_i32 = arith.constant 0 : i32
    %c0_i32_0 = arith.constant 0 : i32
    return %arg0, %c0_i32 : i32, i32
  }
}

module attributes {stable_mosaic.version = 14 : i64} {
  func.func @_tcm_body(%arg0: i32, %arg1: memref<2000x128xf32, #tpu.memory_space<vmem>>, %arg2: memref<2000x128xf32, #tpu.memory_space<vmem>>, %arg3: memref<2000x128xf32, #tpu.memory_space<vmem>>, %arg4: memref<2000x128xf32, #tpu.memory_space<vmem>>, %arg5: memref<128x128xf32, #tpu.memory_space<vmem>>, %arg6: memref<1x128xf32, #tpu.memory_space<vmem>>, %arg7: memref<2000x128xf32, #tpu.memory_space<vmem>>) attributes {dimension_semantics = [#tpu.dimension_semantics<arbitrary>], iteration_bounds = array<i64: 20>, scalar_prefetch = 0 : i64, scratch_operands = 0 : i64, tpu.core_type = #tpu.core_type<tc>, window_params = [{transform_indices = @transform_0, window_bounds = array<i64: 2000, 128>}, {transform_indices = @transform_1, window_bounds = array<i64: 2000, 128>}, {transform_indices = @transform_2, window_bounds = array<i64: 2000, 128>}, {transform_indices = @transform_3, window_bounds = array<i64: 2000, 128>}, {pipeline_mode = #tpu.pipeline_mode<synchronous>, transform_indices = @transform_4, window_bounds = array<i64: 128, 128>}, {pipeline_mode = #tpu.pipeline_mode<synchronous>, transform_indices = @transform_5, window_bounds = array<i64: 1, 128>}, {transform_indices = @transform_6, window_bounds = array<i64: 2000, 128>}]} {
    %get3A = arith.constant 0 : index
    %get3A_0 = arith.constant 0 : index
    %get3A_1 = vector.load %arg3[%get3A, %get3A_0] : memref<2000x128xf32, #tpu.memory_space<vmem>>, vector<2000x1xf32>
    %get3A_2 = arith.constant 0 : index
    %get3A_3 = arith.constant 0 : index
    %get3A_4 = vector.load %arg4[%get3A_2, %get3A_3] : memref<2000x128xf32, #tpu.memory_space<vmem>>, vector<2000x1xf32>
    %add3A = arith.addf %get3A_1, %get3A_4 : vector<2000x1xf32>
    %add3A_5 = arith.constant 1.000000e+00 : f32
    %add3A_6 = vector.broadcast %add3A_5 : f32 to vector<2000x1xf32>
    %add3A_7 = arith.addf %add3A, %add3A_6 : vector<2000x1xf32>
    %rsqrt3A = math.rsqrt %add3A_7 : vector<2000x1xf32>
    %get3A_8 = arith.constant 0 : index
    %get3A_9 = arith.constant 0 : index
    %get3A_10 = vector.load %arg1[%get3A_8, %get3A_9] : memref<2000x128xf32, #tpu.memory_space<vmem>>, vector<2000x128xf32>
    %get3A_11 = arith.constant 0 : index
    %get3A_12 = arith.constant 0 : index
    %get3A_13 = vector.load %arg2[%get3A_11, %get3A_12] : memref<2000x128xf32, #tpu.memory_space<vmem>>, vector<2000x128xf32>
    %add3A_14 = arith.addf %get3A_10, %get3A_13 : vector<2000x128xf32>
    %mul3A = vector.broadcast %rsqrt3A : vector<2000x1xf32> to vector<2000x128xf32>
    %mul3A_15 = arith.mulf %mul3A, %add3A_14 : vector<2000x128xf32>
    %max3A = arith.constant 0.000000e+00 : f32
    %max3A_16 = vector.broadcast %max3A : f32 to vector<2000x128xf32>
    %max3A_17 = arith.maximumf %mul3A_15, %max3A_16 : vector<2000x128xf32>
    %get3A_18 = arith.constant 0 : index
    %get3A_19 = arith.constant 0 : index
    %get3A_20 = vector.load %arg5[%get3A_18, %get3A_19] : memref<128x128xf32, #tpu.memory_space<vmem>>, vector<128x128xf32>
    %dot_general3A = arith.constant dense<0.000000e+00> : vector<2000x128xf32>
    %dot_general3A_21 = tpu.matmul %max3A_17, %get3A_20, %dot_general3A {dimension_numbers = #tpu.dot_dimension_numbers<[1], [0], [0], [1], [0, 0, 1, 1], [], []>, transpose_lhs_hint = false} : vector<2000x128xf32>, vector<128x128xf32>, vector<2000x128xf32> -> vector<2000x128xf32>
    %get3A_22 = arith.constant 0 : index
    %get3A_23 = arith.constant 0 : index
    %get3A_24 = vector.load %arg6[%get3A_22, %get3A_23] : memref<1x128xf32, #tpu.memory_space<vmem>>, vector<1x128xf32>
    %add3A_25 = vector.broadcast %get3A_24 : vector<1x128xf32> to vector<2000x128xf32>
    %add3A_26 = arith.addf %dot_general3A_21, %add3A_25 : vector<2000x128xf32>
    %mul3A_27 = vector.broadcast %rsqrt3A : vector<2000x1xf32> to vector<2000x128xf32>
    %mul3A_28 = arith.mulf %mul3A_27, %add3A_26 : vector<2000x128xf32>
    %swap3A = arith.constant 0 : index
    %swap3A_29 = arith.constant 0 : index
    %swap3A_30 = vector.load %arg7[%swap3A, %swap3A_29] : memref<2000x128xf32, #tpu.memory_space<vmem>>, vector<2000x128xf32>
    tpu.vector_store %arg7[%swap3A, %swap3A_29], %mul3A_28 {strides = array<i32>} : memref<2000x128xf32, #tpu.memory_space<vmem>>, vector<2000x128xf32>,
    return
  }
  func.func @transform_0(%arg0: i32) -> (i32, i32) {
    %c0_i32 = arith.constant 0 : i32
    %c0_i32_0 = arith.constant 0 : i32
    return %arg0, %c0_i32 : i32, i32
  }
  func.func @transform_1(%arg0: i32) -> (i32, i32) {
    %c0_i32 = arith.constant 0 : i32
    %c0_i32_0 = arith.constant 0 : i32
    return %arg0, %c0_i32 : i32, i32
  }
  func.func @transform_2(%arg0: i32) -> (i32, i32) {
    %jit3A = arith.constant 5 : i32
    %eq3A = arith.constant 0 : i32
    %eq3A_0 = arith.cmpi eq, %jit3A, %eq3A : i32
    %jit3A_1 = arith.constant 1 : i32
    %select_n3A = arith.select %eq3A_0, %jit3A_1, %jit3A : i32
    %rem3A = arith.remsi %arg0, %select_n3A : i32
    %ne3A = arith.constant 0 : i32
    %ne3A_2 = arith.cmpi ne, %rem3A, %ne3A : i32
    %lt3A = arith.constant 0 : i32
    %lt3A_3 = arith.cmpi slt, %rem3A, %lt3A : i32
    %lt3A_4 = arith.constant 0 : i32
    %lt3A_5 = arith.cmpi slt, %select_n3A, %lt3A_4 : i32
    %ne3A_6 = arith.xori %lt3A_3, %lt3A_5 : i1
    %and3A = arith.andi %ne3A_6, %ne3A_2 : i1
    %add3A = arith.addi %rem3A, %select_n3A : i32
    %select_n3A_7 = arith.select %and3A, %add3A, %rem3A : i32
    %c0_i32 = arith.constant 0 : i32
    %c0_i32_8 = arith.constant 0 : i32
    return %select_n3A_7, %c0_i32 : i32, i32
  }
  func.func @transform_3(%arg0: i32) -> (i32, i32) {
    %jit3A = arith.constant 5 : i32
    %eq3A = arith.constant 0 : i32
    %eq3A_0 = arith.cmpi eq, %jit3A, %eq3A : i32
    %jit3A_1 = arith.constant 1 : i32
    %select_n3A = arith.select %eq3A_0, %jit3A_1, %jit3A : i32
    %rem3A = arith.remsi %arg0, %select_n3A : i32
    %ne3A = arith.constant 0 : i32
    %ne3A_2 = arith.cmpi ne, %rem3A, %ne3A : i32
    %lt3A = arith.constant 0 : i32
    %lt3A_3 = arith.cmpi slt, %rem3A, %lt3A : i32
    %lt3A_4 = arith.constant 0 : i32
    %lt3A_5 = arith.cmpi slt, %select_n3A, %lt3A_4 : i32
    %ne3A_6 = arith.xori %lt3A_3, %lt3A_5 : i1
    %and3A = arith.andi %ne3A_6, %ne3A_2 : i1
    %add3A = arith.addi %rem3A, %select_n3A : i32
    %select_n3A_7 = arith.select %and3A, %add3A, %rem3A : i32
    %add3A_8 = arith.constant 5 : i32
    %add3A_9 = arith.addi %add3A_8, %select_n3A_7 : i32
    %c0_i32 = arith.constant 0 : i32
    %c0_i32_10 = arith.constant 0 : i32
    return %add3A_9, %c0_i32 : i32, i32
  }
  func.func @transform_4(%arg0: i32) -> (i32, i32) {
    %c0_i32 = arith.constant 0 : i32
    %c0_i32_0 = arith.constant 0 : i32
    %c0_i32_1 = arith.constant 0 : i32
    return %c0_i32, %c0_i32_0 : i32, i32
  }
  func.func @transform_5(%arg0: i32) -> (i32, i32) {
    %c0_i32 = arith.constant 0 : i32
    %c0_i32_0 = arith.constant 0 : i32
    %c0_i32_1 = arith.constant 0 : i32
    return %c0_i32, %c0_i32_0 : i32, i32
  }
  func.func @transform_6(%arg0: i32) -> (i32, i32) {
    %c0_i32 = arith.constant 0 : i32
    %c0_i32_0 = arith.constant 0 : i32
    return %arg0, %c0_i32 : i32, i32
  }
}

module attributes {stable_mosaic.version = 14 : i64} {
  func.func @_tcd_body(%arg0: i32, %arg1: memref<2000x128xf32, #tpu.memory_space<vmem>>, %arg2: memref<2000x128xf32, #tpu.memory_space<vmem>>, %arg3: memref<2000x128xf32, #tpu.memory_space<vmem>>, %arg4: memref<2000x128xf32, #tpu.memory_space<vmem>>, %arg5: memref<128x8xf32, #tpu.memory_space<vmem>>, %arg6: memref<1x8xf32, #tpu.memory_space<vmem>>, %arg7: memref<2000x8xf32, #tpu.memory_space<vmem>>) attributes {dimension_semantics = [#tpu.dimension_semantics<arbitrary>], iteration_bounds = array<i64: 20>, scalar_prefetch = 0 : i64, scratch_operands = 0 : i64, tpu.core_type = #tpu.core_type<tc>, window_params = [{transform_indices = @transform_0, window_bounds = array<i64: 2000, 128>}, {transform_indices = @transform_1, window_bounds = array<i64: 2000, 128>}, {transform_indices = @transform_2, window_bounds = array<i64: 2000, 128>}, {transform_indices = @transform_3, window_bounds = array<i64: 2000, 128>}, {pipeline_mode = #tpu.pipeline_mode<synchronous>, transform_indices = @transform_4, window_bounds = array<i64: 128, 8>}, {pipeline_mode = #tpu.pipeline_mode<synchronous>, transform_indices = @transform_5, window_bounds = array<i64: 1, 8>}, {transform_indices = @transform_6, window_bounds = array<i64: 2000, 8>}]} {
    %get3A = arith.constant 0 : index
    %get3A_0 = arith.constant 0 : index
    %get3A_1 = vector.load %arg3[%get3A, %get3A_0] : memref<2000x128xf32, #tpu.memory_space<vmem>>, vector<2000x1xf32>
    %get3A_2 = arith.constant 0 : index
    %get3A_3 = arith.constant 0 : index
    %get3A_4 = vector.load %arg4[%get3A_2, %get3A_3] : memref<2000x128xf32, #tpu.memory_space<vmem>>, vector<2000x1xf32>
    %add3A = arith.addf %get3A_1, %get3A_4 : vector<2000x1xf32>
    %add3A_5 = arith.constant 1.000000e+00 : f32
    %add3A_6 = vector.broadcast %add3A_5 : f32 to vector<2000x1xf32>
    %add3A_7 = arith.addf %add3A, %add3A_6 : vector<2000x1xf32>
    %rsqrt3A = math.rsqrt %add3A_7 : vector<2000x1xf32>
    %get3A_8 = arith.constant 0 : index
    %get3A_9 = arith.constant 0 : index
    %get3A_10 = vector.load %arg1[%get3A_8, %get3A_9] : memref<2000x128xf32, #tpu.memory_space<vmem>>, vector<2000x128xf32>
    %get3A_11 = arith.constant 0 : index
    %get3A_12 = arith.constant 0 : index
    %get3A_13 = vector.load %arg2[%get3A_11, %get3A_12] : memref<2000x128xf32, #tpu.memory_space<vmem>>, vector<2000x128xf32>
    %add3A_14 = arith.addf %get3A_10, %get3A_13 : vector<2000x128xf32>
    %mul3A = vector.broadcast %rsqrt3A : vector<2000x1xf32> to vector<2000x128xf32>
    %mul3A_15 = arith.mulf %mul3A, %add3A_14 : vector<2000x128xf32>
    %max3A = arith.constant 0.000000e+00 : f32
    %max3A_16 = vector.broadcast %max3A : f32 to vector<2000x128xf32>
    %max3A_17 = arith.maximumf %mul3A_15, %max3A_16 : vector<2000x128xf32>
    %get3A_18 = arith.constant 0 : index
    %get3A_19 = arith.constant 0 : index
    %get3A_20 = vector.load %arg5[%get3A_18, %get3A_19] : memref<128x8xf32, #tpu.memory_space<vmem>>, vector<128x8xf32>
    %dot_general3A = arith.constant dense<0.000000e+00> : vector<2000x8xf32>
    %dot_general3A_21 = tpu.matmul %max3A_17, %get3A_20, %dot_general3A {dimension_numbers = #tpu.dot_dimension_numbers<[1], [0], [0], [1], [0, 0, 1, 1], [], []>, transpose_lhs_hint = false} : vector<2000x128xf32>, vector<128x8xf32>, vector<2000x8xf32> -> vector<2000x8xf32>
    %get3A_22 = arith.constant 0 : index
    %get3A_23 = arith.constant 0 : index
    %get3A_24 = vector.load %arg6[%get3A_22, %get3A_23] : memref<1x8xf32, #tpu.memory_space<vmem>>, vector<1x8xf32>
    %add3A_25 = vector.broadcast %get3A_24 : vector<1x8xf32> to vector<2000x8xf32>
    %add3A_26 = arith.addf %dot_general3A_21, %add3A_25 : vector<2000x8xf32>
    %swap3A = arith.constant 0 : index
    %swap3A_27 = arith.constant 0 : index
    %swap3A_28 = vector.load %arg7[%swap3A, %swap3A_27] : memref<2000x8xf32, #tpu.memory_space<vmem>>, vector<2000x8xf32>
    tpu.vector_store %arg7[%swap3A, %swap3A_27], %add3A_26 {strides = array<i32>} : memref<2000x8xf32, #tpu.memory_space<vmem>>, vector<2000x8xf32>,
    return
  }
  func.func @transform_0(%arg0: i32) -> (i32, i32) {
    %c0_i32 = arith.constant 0 : i32
    %c0_i32_0 = arith.constant 0 : i32
    return %arg0, %c0_i32 : i32, i32
  }
  func.func @transform_1(%arg0: i32) -> (i32, i32) {
    %c0_i32 = arith.constant 0 : i32
    %c0_i32_0 = arith.constant 0 : i32
    return %arg0, %c0_i32 : i32, i32
  }
  func.func @transform_2(%arg0: i32) -> (i32, i32) {
    %jit3A = arith.constant 5 : i32
    %eq3A = arith.constant 0 : i32
    %eq3A_0 = arith.cmpi eq, %jit3A, %eq3A : i32
    %jit3A_1 = arith.constant 1 : i32
    %select_n3A = arith.select %eq3A_0, %jit3A_1, %jit3A : i32
    %rem3A = arith.remsi %arg0, %select_n3A : i32
    %ne3A = arith.constant 0 : i32
    %ne3A_2 = arith.cmpi ne, %rem3A, %ne3A : i32
    %lt3A = arith.constant 0 : i32
    %lt3A_3 = arith.cmpi slt, %rem3A, %lt3A : i32
    %lt3A_4 = arith.constant 0 : i32
    %lt3A_5 = arith.cmpi slt, %select_n3A, %lt3A_4 : i32
    %ne3A_6 = arith.xori %lt3A_3, %lt3A_5 : i1
    %and3A = arith.andi %ne3A_6, %ne3A_2 : i1
    %add3A = arith.addi %rem3A, %select_n3A : i32
    %select_n3A_7 = arith.select %and3A, %add3A, %rem3A : i32
    %c0_i32 = arith.constant 0 : i32
    %c0_i32_8 = arith.constant 0 : i32
    return %select_n3A_7, %c0_i32 : i32, i32
  }
  func.func @transform_3(%arg0: i32) -> (i32, i32) {
    %jit3A = arith.constant 5 : i32
    %eq3A = arith.constant 0 : i32
    %eq3A_0 = arith.cmpi eq, %jit3A, %eq3A : i32
    %jit3A_1 = arith.constant 1 : i32
    %select_n3A = arith.select %eq3A_0, %jit3A_1, %jit3A : i32
    %rem3A = arith.remsi %arg0, %select_n3A : i32
    %ne3A = arith.constant 0 : i32
    %ne3A_2 = arith.cmpi ne, %rem3A, %ne3A : i32
    %lt3A = arith.constant 0 : i32
    %lt3A_3 = arith.cmpi slt, %rem3A, %lt3A : i32
    %lt3A_4 = arith.constant 0 : i32
    %lt3A_5 = arith.cmpi slt, %select_n3A, %lt3A_4 : i32
    %ne3A_6 = arith.xori %lt3A_3, %lt3A_5 : i1
    %and3A = arith.andi %ne3A_6, %ne3A_2 : i1
    %add3A = arith.addi %rem3A, %select_n3A : i32
    %select_n3A_7 = arith.select %and3A, %add3A, %rem3A : i32
    %add3A_8 = arith.constant 5 : i32
    %add3A_9 = arith.addi %add3A_8, %select_n3A_7 : i32
    %c0_i32 = arith.constant 0 : i32
    %c0_i32_10 = arith.constant 0 : i32
    return %add3A_9, %c0_i32 : i32, i32
  }
  func.func @transform_4(%arg0: i32) -> (i32, i32) {
    %c0_i32 = arith.constant 0 : i32
    %c0_i32_0 = arith.constant 0 : i32
    %c0_i32_1 = arith.constant 0 : i32
    return %c0_i32, %c0_i32_0 : i32, i32
  }
  func.func @transform_5(%arg0: i32) -> (i32, i32) {
    %c0_i32 = arith.constant 0 : i32
    %c0_i32_0 = arith.constant 0 : i32
    %c0_i32_1 = arith.constant 0 : i32
    return %c0_i32, %c0_i32_0 : i32, i32
  }
  func.func @transform_6(%arg0: i32) -> (i32, i32) {
    %c0_i32 = arith.constant 0 : i32
    %c0_i32_0 = arith.constant 0 : i32
    return %arg0, %c0_i32 : i32, i32
  }
}

</mosaic_0001>

<sc_bundles>
// kernel: kernel.10.cloned.1.call-start
scs
__scs_entry_jumppad:
0x0: {  	(pc) =	sbr.rel $0x88, $3  }
0x1: {  	(tag) =	ssettag $0x0;
	lr =	simm.s32 $0x1  }
0x2: {  	[smem:$0x3F95] =	sst lr;
	_ =	strace $0xD0000000  }
0x3: {  	_ = 	snop  }
0x4: {  	_ = 	snop  }
0x5: {  	_ = 	snop  }
0x6: {  	_ = 	snop  }
0x7: {  	_ = 	snop  }
__scs_overlays_trampoline_lowered:
0x8: {  	[smem:$0x3FA4] =	sst s0  }
0x9: {  	[smem:$0x3FA5] =	sst s1  }
0xa: {  	[smem:$0x3FA6] =	sst s2  }
0xb: {  	[smem:$0x3FA7] =	sst s3  }
0xc: {  	[smem:$0x3FA8] =	sst s4  }
0xd: {  	[smem:$0x3FA9] =	sst s5  }
0xe: {  	[smem:$0x3FAA] =	sst s6  }
0xf: {  	[smem:$0x3FAB] =	sst s7  }
0x10: {  	[smem:$0x3FAC] =	sst s8  }
0x11: {  	[smem:$0x3FAD] =	sst s9;
	s0 =	simm.s32 @!p0 $0x0  }
0x12: {  	s1 =	sld [smem:$0x3F93];
	s0 =	simm.s32 @p0 $0x1  }
0x13: {  	[smem:$0x3FAE] =	sst s0;
	s0 =	simm.s32 @!p1 $0x0  }
0x14: {  	s2 =	sld [smem:$0x3F92];
	s0 =	simm.s32 @p1 $0x1  }
0x15: {  	[smem:$0x3FAF] =	sst s0;
	s0 =	simm.s32 @!p2 $0x0  }
0x16: {  	s3 =	sld [smem:$0x3FDB];
	s0 =	simm.s32 @p2 $0x1  }
0x17: {  	s4 =	simm.s32 $0x1BF5;
	[smem:$0x3FB1] =	sst s0  }
0x18: {  	s0 =	sld [smem:$0x3F94];
	_ =	swait.ge [sflag:s4], $0x0  }
0x19: {  	s7 =	sld [smem:$0x3F95]  }
0x1a: {  	s8 =	sadd.s32 $0xFFFFE003, lr  }
0x1b: {  	s9 =	sadd.s32 $0xFFFFFEF7, lr;
	s5 =	simm.s32 $0xFFFFFFFF;
	p2 =	slt.u32 s8, $0xFFFFF086  }
0x1c: {  	p1 =	slt.u32 s9, $0xF7A;
	s5 =	simm.s32 @!p2 $0x0  }
0x1d: {  	s5 =	simm.s32 @p1 $0x1;
	p0 =	seq.s32 s7, s2  }
0x1e: {  	s7 =	smul.u32 @!p0 $0xF7A, s2;
	p2 =	seq.s32 @!p0 s5, $0x0  }
0x1f: {  	s9 =	smul.u32 $0xF7A, s1;
	s8 =	simm.s32 @!p0 $0x1BF5;
	p2 =	por !p2, p0  }
0x20: {  	[sflag:s8] =	ssyncset.s32 @!p0 $0xFFFFF086;
	s6 =	sadd.s32 @!p0 s3, s7;
	s7 =	simm.s32 @!p0 $0x108  }
0x21: {  	s3 =	sadd.s32 s3, s9;
	s6 =	sadd.s32 @!p0 $0x88, s6;
	s7 =	simm.s32 @p2 $0x1082  }
0x22: {  	[simem:s7], [sflag:s8] =	dma.local @!p0 [hbm:s6], $0xF7A  }
0x23: {  	s9 =	sor.u32 $0xD0000000, s2;
	s6 =	simm.s32 $0x108;
	_ =	swait.ge @!p0 [sflag:s8], $0x0  }
0x24: {  	s3 =	sadd.s32 $0x88, s3;
	s6 =	simm.s32 @!p1 $0x1082;
	[sflag:s4] =	ssyncset.s32 $0xFFFFF086  }
0x25: {  	[simem:s6], [sflag:s4] =	dma.local [hbm:s3], $0xF7A  }
0x26: {  	[smem:$0x3F95] =	sst s1;
	(tag) =	ssettag s2;
	_ =	strace s9  }
0x27: {  	s1 =	sld [smem:$0x3FA5]  }
0x28: {  	s2 =	sld [smem:$0x3FA6]  }
0x29: {  	s4 =	sld [smem:$0x3FA8]  }
0x2a: {  	p0 =	seq.s32 s5, $0x0;
	s5 =	sld [smem:$0x3FA9]  }
0x2b: {  	s6 =	sld [smem:$0x3FAA]  }
0x2c: {  	s7 =	sld [smem:$0x3FAB]  }
0x2d: {  	s3 =	simm.s32 $0x108;
	s8 =	sld [smem:$0x3FAC]  }
0x2e: {  	s3 =	simm.s32 @!p0 $0x1082;
	s9 =	sld [smem:$0x3FAD]  }
0x2f: {  	lr =	sadd.s32 s0, s3;
	s0 =	sld [smem:$0x3FA4]  }
0x30: {  	s3 =	sld [smem:$0x3FA7]  }
0x31: {  	[smem:$0x3FB0] =	sst s10  }
0x32: {  	s10 =	sld [smem:$0x3FAE];
	_ =	sdelay $0x3  }
0x33: {  	p0 =	seq.s32 s10, $0x1;
	s10 =	sld [smem:$0x3FB0];
	_ =	sdelay $0x3  }
0x34: {  	[smem:$0x3FB0] =	sst s10  }
0x35: {  	s10 =	sld [smem:$0x3FAF];
	_ =	sdelay $0x3  }
0x36: {  	p1 =	seq.s32 s10, $0x1;
	s10 =	sld [smem:$0x3FB0];
	_ =	sdelay $0x3  }
0x37: {  	[smem:$0x3FB0] =	sst s10  }
0x38: {  	s10 =	sld [smem:$0x3FB1]  }
0x39: {  	_ = 	snop;
	(pc) =	sbr.ind lr, $3  }
0x3a: {  	_ = 	snop  }
0x3b: {  	_ = 	snop  }
0x3c: {  	p2 =	seq.s32 s10, $0x1;
	s10 =	sld [smem:$0x3FB0]  }
0x3d: {  	_ =	shalt  }
0x3e: {  	_ =	shalt  }
0x3f: {  	_ =	shalt  }
0x40: {  	_ =	shalt  }
0x41: {  	_ =	shalt  }
0x42: {  	_ =	shalt  }
0x43: {  	_ =	shalt  }
0x44: {  	_ =	shalt  }
0x45: {  	_ =	shalt  }
0x46: {  	_ =	shalt  }
0x47: {  	_ =	shalt  }
0x48: {  	_ =	shalt  }
0x49: {  	_ =	shalt  }
0x4a: {  	_ =	shalt  }
0x4b: {  	_ =	shalt  }
0x4c: {  	_ =	shalt  }
0x4d: {  	_ =	shalt  }
0x4e: {  	_ =	shalt  }
0x4f: {  	_ =	shalt  }
0x50: {  	_ =	shalt  }
0x51: {  	_ =	shalt  }
0x52: {  	_ =	shalt  }
0x53: {  	_ =	shalt  }
0x54: {  	_ =	shalt  }
0x55: {  	_ =	shalt  }
0x56: {  	_ =	shalt  }
0x57: {  	_ =	shalt  }
0x58: {  	_ =	shalt  }
0x59: {  	_ =	shalt  }
0x5a: {  	_ =	shalt  }
0x5b: {  	_ =	shalt  }
0x5c: {  	_ =	shalt  }
0x5d: {  	_ =	shalt  }
0x5e: {  	_ =	shalt  }
0x5f: {  	_ =	shalt  }
0x60: {  	_ =	shalt  }
0x61: {  	_ =	shalt  }
0x62: {  	_ =	shalt  }
0x63: {  	_ =	shalt  }
0x64: {  	_ =	shalt  }
0x65: {  	_ =	shalt  }
0x66: {  	_ =	shalt  }
0x67: {  	_ =	shalt  }
0x68: {  	_ =	shalt  }
0x69: {  	_ =	shalt  }
0x6a: {  	_ =	shalt  }
0x6b: {  	_ =	shalt  }
0x6c: {  	_ =	shalt  }
0x6d: {  	_ =	shalt  }
0x6e: {  	_ =	shalt  }
0x6f: {  	_ =	shalt  }
0x70: {  	_ =	shalt  }
0x71: {  	_ =	shalt  }
0x72: {  	_ =	shalt  }
0x73: {  	_ =	shalt  }
0x74: {  	_ =	shalt  }
0x75: {  	_ =	shalt  }
0x76: {  	_ =	shalt  }
0x77: {  	_ =	shalt  }
0x78: {  	_ =	shalt  }
0x79: {  	_ =	shalt  }
0x7a: {  	_ =	shalt  }
0x7b: {  	_ =	shalt  }
0x7c: {  	_ =	shalt  }
0x7d: {  	_ =	shalt  }
0x7e: {  	_ =	shalt  }
0x7f: {  	_ =	shalt  }
0x80: {  	_ =	shalt  }
0x81: {  	_ =	shalt  }
0x82: {  	_ =	shalt  }
0x83: {  	_ =	shalt  }
0x84: {  	_ =	shalt  }
0x85: {  	_ =	shalt  }
0x86: {  	_ =	shalt  }
0x87: {  	_ =	shalt  }
.Lfunc_end0:
.L_simem_size_0:
called_computation_lowered:
.L_overlay_start_0:
0x88: {  	s2 =	sld [smem:$0x3FD9]  }
0x89: {  	s3 =	sld [smem:$0x3FFE];
	_ =	sdelay $0x1  }
0x8a: {  	s1 =	srdreg.scid  }
0x8b: {  	s0 =	sand.u32 $0x1, s1  }
0x8c: {  	s17 =	sshll.u32 s0, $0xA;
	s2 =	sadd.s32 s3, s2  }
0x8d: {  	s2 =	sadd.s32 s2, s17  }
0x8e: {  	[smem:$0x3FBC] =	sst s2  }
0x8f: {  	_ = 	snop  }
0x90: {  	s2 =	sld [smem:$0x3FD0];
	(tm) =	ssettm $0x1  }
0x91: {  	s18 =	sld [smem:$0x3FFB];
	_ =	sdelay $0x3  }
0x92: {  	_ =	strace s18  }
0x93: {  	s3 =	sld [smem:$0x3FFC];
	_ =	sdelay $0x3  }
0x94: {  	_ =	strace s3  }
0x95: {  	s3 =	sld [smem:$0x3FFD];
	_ =	sdelay $0x3  }
0x96: {  	_ =	strace s3  }
0x97: {  	_ =	strace $0x8FFFFFFF  }
0x98: {  	s19 =	sld [smem:$0x3FDB];
	_ =	sdelay $0x1  }
0x99: {  	s4 =	simm.s32 $_scs_section_size  }
0x9a: {  	s5 =	simm.s32 $_size__tile_overlayer_lowered;
	s6 =	simm.s32 $_tile_overlayer_lowered  }
0x9b: {  	s22 =	simm.s32 $0x1BFF;
	s21 =	sshll.u32 s6, $0x1;
	s3 =	sadd.s32 s4, s19  }
0x9c: {  	s7 =	simm.s32 $0x0;
	s20 =	sshll.u32 s5, $0x1;
	s5 =	sadd.s32 s21, s3  }
0x9d: {  	[timem:s7], [sflag:s22] =	dma.local [hbm:s5], s20  }
0x9e: {  	_ =	swait.ge [sflag:s22], s20  }
0x9f: {  	s4 =	ssub.s32 $0x0, s20;
	[sflag:s22] =	ssyncset.done $0x0  }
0xa0: {  	[sflag:s22] =	ssyncadd.s32 s4;
	_ =	sdelay $0x1  }
0xa1: {  	s23 =	simm.s32 $0x1B8B  }
0xa2: {  	_ =	swait.ge [sflag:s23], $0x1  }
0xa3: {  	[sflag:s23] =	ssyncset.done $0x0  }
0xa4: {  	s25 =	simm.s32 $0x1B8E;
	s24 =	sld [smem:$0x3FFE];
	[sflag:s23] =	ssyncadd.s32 $0xFFFFFFFF  }
0xa5: {  	s26 =	simm.s32 $execute0_lowered;
	[smem:$0x3FD2] =	sst s25  }
0xa6: {  	s5 =	sshll.u32 s26, $0x1;
	_ =	strace $0x80000046;
	[dreg:$0x1] =	wrdreg $0xFFFFFFFF  }
0xa7: {  	s28 =	simm.s32 $_size_execute0_lowered;
	s3 =	sadd.s32 s3, s5;
	[dreg:$0x0] =	wrdreg $0x0  }
0xa8: {  	s5 =	sshll.u32 s28, $0x1;
	[dreg:$0x2] =	wrdreg s3  }
0xa9: {  	[dreg:$0x3] =	wrdreg s5  }
0xaa: {  	[dreg:$0x4] =	wrdreg $0xC0  }
0xab: {  	_ =	task [dreg:s7], $0x5FFFF  }
0xac: {  	[dreg:$0x1] =	wrdreg $0xFFFFFFFF  }
0xad: {  	[dreg:$0x0] =	wrdreg $0x60  }
0xae: {  	[dreg:$0x2] =	wrdreg s24  }
0xaf: {  	[dreg:$0x3] =	wrdreg s2  }
0xb0: {  	[dreg:$0x4] =	wrdreg $0x28800  }
0xb1: {  	[dreg:$0x5] =	wrdreg $0x9  }
0xb2: {  	_ =	task.clear_ibuf [dreg:s7], $0x6FFFF;
	_ =	strace $0x90000046  }
0xb3: {  	s29 =	simm.s32 $0x9;
	_ =	strace $0x80000048  }
0xb4: {  	_ =	swait.ge [sflag:s29], $0x1  }
0xb5: {  	[sflag:s29] =	ssyncadd.s32 $0xFFFFFFFF  }
0xb6: {  	_ =	strace $0x90000048  }
0xb7: {  	_ =	sfence  }
0xb8: {  	s30 =	sld [smem:$0x0];
	_ =	sdelay $0x2  }
0xb9: {  	s31 =	sshll.u32 s1, $0xD;
	s1 =	sshrl.u32 s1, $0x2  }
0xba: {  	s3 =	sand.u32 $0x4000, s31;
	s1 =	sadd.s32 s1, s30  }
0xbb: {  	s0 =	sor.u32 s3, s0;
	s1 =	sshll.u32 s1, $0x11  }
0xbc: {  	s0 =	sor.u32 s1, s0  }
0xbd: {  	s0 =	sadd.s32 $0x8F2B, s0  }
0xbe: {  	[sflag:s0] =	ssyncadd.remote.s32 $0x1  }
0xbf: {  	_ =	sfence.sel $0xFFFF  }
0xc0: {  	[dreg:$0x0] =	wrdreg $0xFFFFFFFF;
	(pc) =	sbr.abs _section_cstart, $3  }
0xc1: {  	[dreg:$0x1] =	wrdreg $0xFFFFFFFF  }
0xc2: {  	_ =	task.clear_ibuf [dreg:s7], $0x2FFFF;
	_ =	strace $0x9FFFFFFF  }
0xc3: {  	(tm) =	ssettm $0x7FFFFFFF  }
tec
execute0_lowered:
.L_overlay_start_1:
0x0: {  	(tag) =	ssettag $0x1  }
0x1: {  	s6 =	rddreg [dreg:$0x0]  }
0x2: {  	s0 =	srdreg.scid;
	s2 =	rddreg [dreg:$0x1]  }
0x3: {  	s3 =	rddreg [dreg:$0x2];
	s5 =	sand.u32 $0x1, s0  }
0x4: {  	s0 =	stileid.u32;
	s7 =	smul.u32 $0x4E200, s5  }
0x5: {  	s1 =	rddreg [dreg:$0x3];
	s8 =	smul.u32 $0x4E20, s0  }
0x6: {  	s4 =	simm.s32 $0x0;
	s17 =	simm.s32 $0x0;
	s28 =	smul.u32 $0x2800, s0  }
0x7: {  	[smem:$0x7FF] =	sst s4;
	s11 =	sadd.s32 $0x3C000, s6;
	s9 =	smul.u32 $0x50000, s0  }
0x8: {  	s16 =	sadd.s32 $0x12C000, s3;
	_ =	strace $0x80000047;
	s13 =	smul.u32 $0x27100, s5  }
0x9: {  	s12 =	ssub.s32 $0x2, s5;
	s15 =	smul.u32 $0x138800, s5;
	p0 =	seq.s32 s0, $0xF  }
0xa: {  	s14 =	sshrl.u32 s12, $0x1;
	s7 =	sadd.s32 s8, s7;
	s29 =	sadd.s32 s28, s6  }
0xb: {  	s9 =	sshrl.u32 s9, $0x2;
	s12 =	ssub.s32 s12, s14;
	s30 =	sadd.s32 s28, s13  }
0xc: {  	s31 =	sshrl.u32 s15, $0x3;
	s15 =	simm.s32 $0x1;
	s7 =	sshrl.u32 s7, $0x3  }
0xd: {  	s14 =	sadd.s32 s9, s3;
	s5 =	sadd.s32 $0x14E00, s29;
	s8 =	sadd.s32 s11, s31  }
0xe: {  	s9 =	smax.u32 s12, $0x1;
	s12 =	sshll.u32 @!p0 s0, $0x6;
	s10 =	sadd.s32 s7, s6  }
0xf: {  	s6 =	sadd.s32 $0x3A600, s6;
	s7 =	sadd.s32 s11, s30;
	s8 =	sadd.s32 $0x25800, s8  }
0x10: {  	s11 =	sshrl.u32 @p0 s16, $0x3;
	s12 =	sor.u32 @!p0 $0x1C01, s12;
	s13 =	sshrl.u32 @!p0 s14, $0x3  }
0x11: {  	s14 =	simm.s32 $0x80;
	s16 =	simm.s32 $0x50;
	s10 =	sadd.s32 $0x1400, s10  }
.LBB2_1:
0x12: {  	s18 =	simm.s32 @p0 $0x1FC1  }
0x13: {  	[spmem:s11], [sflag:s18] =	dma.local @p0 [hbm:s6], $0x1900  }
0x14: {  	s18 =	simm.s32 @p0 $0x1  }
0x15: {  	_ =	swait.ge @p0 [sflag:s18], $0x1900  }
0x16: {  	[sflag:s18] =	ssyncset.done @p0 $0x0  }
0x17: {  	[sflag:s18] =	ssyncadd.s32 @p0 $0xFFFFE700;
	s18 =	simm.s32 @!p0 $0x1  }
0x18: {  	[spmem:s13], [sflag:s12] =	dma.local @!p0 [hbm:s5], $0x2800  }
0x19: {  	_ =	swait.ge @!p0 [sflag:s18], $0x2800  }
0x1a: {  	[sflag:s18] =	ssyncset.done @!p0 $0x0  }
0x1b: {  	[sflag:s18] =	ssyncadd.s32 @!p0 $0xFFFFD800  }
0x1c: {  	[tilespmem:s14], [sflag:$0x1] =	stream.linear.gather [hbm4b:s2+s4], $0x2800, $0x38;
	[tilespmem:$0x16100] =	vst v63  }
0x1d: {  	_ =	swait.ge [sflag:s15], $0x2800  }
0x1e: {  	[sflag:s15] =	ssyncset.done $0x0  }
0x1f: {  	[sflag:s15] =	ssyncadd.s32 $0xFFFFD800  }
0x20: {  	s31 =	sadd.s32 $0x0, s10;
	[bflag:$0x0] =	sbarrier.arrive $0xFFFF  }
0x21: {  	[tilespmem:s4], [sflag:$0x1] =	stream.linear.gather [hbm4b:s31+s4], $0x50, $0x38;
	[tilespmem:$0x16100] =	vst v63  }
0x22: {  	_ =	swait.ge [sflag:s15], $0x50  }
0x23: {  	[sflag:s15] =	ssyncset.done $0x0  }
0x24: {  	[sflag:s15] =	ssyncadd.s32 $0xFFFFFFB0  }
0x25: {  	[spmem:s3] =	stream.indirect.scatter.add.f32 [tilespmem:s14], [sflag:$0x1], $0x80, s4, s16, $0xb8;
	[tilespmem:$0x16100] =	vst v63  }
0x26: {  	_ =	swait.ge [sflag:s15], $0x2800  }
0x27: {  	s19 =	simm.s32 $0x14;
	s18 =	simm.s32 $0xA;
	[sflag:s15] =	ssyncset.done $0x0  }
.LBB2_2:
0x28: {  	s20 =	sadd.s32 s18, s10  }
0x29: {  	[sflag:s15] =	ssyncadd.s32 $0xFFFFD800;
	s18 =	smov.u32 s19;
	s21 =	sadd.s32 $0xA, s19  }
0x2a: {  	[tilespmem:s4], [sflag:$0x1] =	stream.linear.gather [hbm4b:s20+s4], $0x50, $0x38;
	[tilespmem:$0x16100] =	vst v63  }
0x2b: {  	p1 =	sne.s32 s19, $0x9BA;
	_ =	swait.ge [sflag:s15], $0x50  }
.Ltmp0:
0x2c: {  	[sflag:s15] =	ssyncset.done $0x0;
	(pc) =	sbr.rel @p1 .LBB2_2-.Ltmp0, $4  }
0x2d: {  	[sflag:s15] =	ssyncadd.s32 $0xFFFFFFB0  }
0x2e: {  	[spmem:s3] =	stream.indirect.scatter.add.f32 [tilespmem:s14], [sflag:$0x1], $0x80, s4, s16, $0xb8;
	[tilespmem:$0x16100] =	vst v63  }
0x2f: {  	_ =	swait.ge [sflag:s15], $0x2800  }
0x30: {  	s19 =	smov.u32 s21;
	[sflag:s15] =	ssyncset.done $0x0  }
0x31: {  	s18 =	sadd.s32 s18, s10;
	[sflag:s15] =	ssyncadd.s32 $0xFFFFD800  }
0x32: {  	[tilespmem:s4], [sflag:$0x1] =	stream.linear.gather [hbm4b:s18+s4], $0x50, $0x38;
	[tilespmem:$0x16100] =	vst v63  }
0x33: {  	_ =	swait.ge [sflag:s15], $0x50  }
0x34: {  	[sflag:s15] =	ssyncset.done $0x0  }
0x35: {  	[sflag:s15] =	ssyncadd.s32 $0xFFFFFFB0  }
0x36: {  	[spmem:s3] =	stream.indirect.scatter.add.f32 [tilespmem:s14], [sflag:$0x1], $0x80, s4, s16, $0xb8;
	[tilespmem:$0x16100] =	vst v63  }
0x37: {  	_ =	swait.ge [sflag:s15], $0x2800  }
0x38: {  	[sflag:s15] =	ssyncset.done $0x0  }
0x39: {  	[sflag:s15] =	ssyncadd.s32 $0xFFFFD800  }
0x3a: {  	s18 =	simm.s32 @p0 $0x1FC1;
	[bflag:$0x0] =	sbarrier.arrive $0xFFFF  }
0x3b: {  	[hbm:s8], [sflag:s18] =	dma.local @p0 [spmem:s11], $0x1900  }
0x3c: {  	s18 =	simm.s32 @p0 $0x1  }
0x3d: {  	s17 =	sadd.s32 $0x1, s17;
	_ =	swait.ge @p0 [sflag:s18], $0x1900  }
0x3e: {  	p1 =	sne.s32 s17, s9;
	[sflag:s18] =	ssyncset.done @p0 $0x0  }
.Ltmp1:
0x3f: {  	[sflag:s18] =	ssyncadd.s32 @p0 $0xFFFFE700;
	s18 =	simm.s32 @!p0 $0x1;
	(pc) =	sbr.rel @p1 .LBB2_1-.Ltmp1, $4  }
0x40: {  	[hbm:s7], [sflag:s12] =	dma.local @!p0 [spmem:s13], $0x2800  }
0x41: {  	_ =	swait.ge @!p0 [sflag:s18], $0x2800  }
0x42: {  	[sflag:s18] =	ssyncset.done @!p0 $0x0  }
0x43: {  	[sflag:s18] =	ssyncadd.s32 @!p0 $0xFFFFD800  }
0x44: {  	_ =	sfence.sel $0x180000  }
0x45: {  	[bflag:$0x0] =	sbarrier.arrive $0xFFFF  }
0x46: {  	p0 =	sne.s32 s0, $0x0;
	_ =	strace $0x90000047  }
0x47: {  	s0 =	sadd.s32 @!p0 $0x100000, s1;
	[bflag:$0x2] =	sbarrier.arrive $0xFFFF  }
0x48: {  	[sflag:s0] =	ssyncadd.tile.s32 @!p0 $0x1;
	_ =	shalt  }
.Lfunc_end2:
_tile_overlayer_lowered:
.L_overlay_start_2:
0x49: {  	(tag) =	ssettag $0x2  }
0x4a: {  	s0 =	rddreg [dreg:$0x0];
	s2 =	stileid.u32  }
0x4b: {  	s1 =	rddreg [dreg:$0x1];
	p0 =	sne.s32 s2, $0x0  }
0x4c: {  	s3 =	rddreg [dreg:$0x2];
	[bflag:$0x3] =	sbarrier.arrive $0xFFFF;
	s2 =	simm.s32 @!p0 $0x1C01  }
0x4d: {  	[timem:s3], [sflag:s2] =	dma.local @!p0 [hbm:s0], s1  }
0x4e: {  	s0 =	simm.s32 @!p0 $0x1  }
0x4f: {  	_ =	swait.ge @!p0 [sflag:s0], s1  }
0x50: {  	s1 =	ssub.s32 @!p0 $0x0, s1;
	[sflag:s0] =	ssyncset.done @!p0 $0x0  }
0x51: {  	[sflag:s0] =	ssyncadd.s32 @!p0 s1  }
0x52: {  	[bflag:$0x3] =	sbarrier.arrive $0xFFFF  }
0x53: {  	_ =	shalt  }

// kernel: kernel.13.cloned.1.call-start
scs
__scs_entry_jumppad:
0x0: {  	(pc) =	sbr.rel $0x88, $3  }
0x1: {  	(tag) =	ssettag $0x0;
	lr =	simm.s32 $0x1  }
0x2: {  	[smem:$0x3F95] =	sst lr;
	_ =	strace $0xD0000000  }
0x3: {  	_ = 	snop  }
0x4: {  	_ = 	snop  }
0x5: {  	_ = 	snop  }
0x6: {  	_ = 	snop  }
0x7: {  	_ = 	snop  }
__scs_overlays_trampoline_lowered:
0x8: {  	[smem:$0x3FA4] =	sst s0  }
0x9: {  	[smem:$0x3FA5] =	sst s1  }
0xa: {  	[smem:$0x3FA6] =	sst s2  }
0xb: {  	[smem:$0x3FA7] =	sst s3  }
0xc: {  	[smem:$0x3FA8] =	sst s4  }
0xd: {  	[smem:$0x3FA9] =	sst s5  }
0xe: {  	[smem:$0x3FAA] =	sst s6  }
0xf: {  	[smem:$0x3FAB] =	sst s7  }
0x10: {  	[smem:$0x3FAC] =	sst s8  }
0x11: {  	[smem:$0x3FAD] =	sst s9;
	s0 =	simm.s32 @!p0 $0x0  }
0x12: {  	s1 =	sld [smem:$0x3F93];
	s0 =	simm.s32 @p0 $0x1  }
0x13: {  	[smem:$0x3FAE] =	sst s0;
	s0 =	simm.s32 @!p1 $0x0  }
0x14: {  	s2 =	sld [smem:$0x3F92];
	s0 =	simm.s32 @p1 $0x1  }
0x15: {  	[smem:$0x3FAF] =	sst s0;
	s0 =	simm.s32 @!p2 $0x0  }
0x16: {  	s3 =	sld [smem:$0x3FDB];
	s0 =	simm.s32 @p2 $0x1  }
0x17: {  	s4 =	simm.s32 $0x1BF5;
	[smem:$0x3FB1] =	sst s0  }
0x18: {  	s0 =	sld [smem:$0x3F94];
	_ =	swait.ge [sflag:s4], $0x0  }
0x19: {  	s7 =	sld [smem:$0x3F95]  }
0x1a: {  	s8 =	sadd.s32 $0xFFFFE003, lr  }
0x1b: {  	s9 =	sadd.s32 $0xFFFFFEF7, lr;
	s5 =	simm.s32 $0xFFFFFFFF;
	p2 =	slt.u32 s8, $0xFFFFF086  }
0x1c: {  	p1 =	slt.u32 s9, $0xF7A;
	s5 =	simm.s32 @!p2 $0x0  }
0x1d: {  	s5 =	simm.s32 @p1 $0x1;
	p0 =	seq.s32 s7, s2  }
0x1e: {  	s7 =	smul.u32 @!p0 $0xF7A, s2;
	p2 =	seq.s32 @!p0 s5, $0x0  }
0x1f: {  	s9 =	smul.u32 $0xF7A, s1;
	s8 =	simm.s32 @!p0 $0x1BF5;
	p2 =	por !p2, p0  }
0x20: {  	[sflag:s8] =	ssyncset.s32 @!p0 $0xFFFFF086;
	s6 =	sadd.s32 @!p0 s3, s7;
	s7 =	simm.s32 @!p0 $0x108  }
0x21: {  	s3 =	sadd.s32 s3, s9;
	s6 =	sadd.s32 @!p0 $0x88, s6;
	s7 =	simm.s32 @p2 $0x1082  }
0x22: {  	[simem:s7], [sflag:s8] =	dma.local @!p0 [hbm:s6], $0xF7A  }
0x23: {  	s9 =	sor.u32 $0xD0000000, s2;
	s6 =	simm.s32 $0x108;
	_ =	swait.ge @!p0 [sflag:s8], $0x0  }
0x24: {  	s3 =	sadd.s32 $0x88, s3;
	s6 =	simm.s32 @!p1 $0x1082;
	[sflag:s4] =	ssyncset.s32 $0xFFFFF086  }
0x25: {  	[simem:s6], [sflag:s4] =	dma.local [hbm:s3], $0xF7A  }
0x26: {  	[smem:$0x3F95] =	sst s1;
	(tag) =	ssettag s2;
	_ =	strace s9  }
0x27: {  	s1 =	sld [smem:$0x3FA5]  }
0x28: {  	s2 =	sld [smem:$0x3FA6]  }
0x29: {  	s4 =	sld [smem:$0x3FA8]  }
0x2a: {  	p0 =	seq.s32 s5, $0x0;
	s5 =	sld [smem:$0x3FA9]  }
0x2b: {  	s6 =	sld [smem:$0x3FAA]  }
0x2c: {  	s7 =	sld [smem:$0x3FAB]  }
0x2d: {  	s3 =	simm.s32 $0x108;
	s8 =	sld [smem:$0x3FAC]  }
0x2e: {  	s3 =	simm.s32 @!p0 $0x1082;
	s9 =	sld [smem:$0x3FAD]  }
0x2f: {  	lr =	sadd.s32 s0, s3;
	s0 =	sld [smem:$0x3FA4]  }
0x30: {  	s3 =	sld [smem:$0x3FA7]  }
0x31: {  	[smem:$0x3FB0] =	sst s10  }
0x32: {  	s10 =	sld [smem:$0x3FAE];
	_ =	sdelay $0x3  }
0x33: {  	p0 =	seq.s32 s10, $0x1;
	s10 =	sld [smem:$0x3FB0];
	_ =	sdelay $0x3  }
0x34: {  	[smem:$0x3FB0] =	sst s10  }
0x35: {  	s10 =	sld [smem:$0x3FAF];
	_ =	sdelay $0x3  }
0x36: {  	p1 =	seq.s32 s10, $0x1;
	s10 =	sld [smem:$0x3FB0];
	_ =	sdelay $0x3  }
0x37: {  	[smem:$0x3FB0] =	sst s10  }
0x38: {  	s10 =	sld [smem:$0x3FB1]  }
0x39: {  	_ = 	snop;
	(pc) =	sbr.ind lr, $3  }
0x3a: {  	_ = 	snop  }
0x3b: {  	_ = 	snop  }
0x3c: {  	p2 =	seq.s32 s10, $0x1;
	s10 =	sld [smem:$0x3FB0]  }
0x3d: {  	_ =	shalt  }
0x3e: {  	_ =	shalt  }
0x3f: {  	_ =	shalt  }
0x40: {  	_ =	shalt  }
0x41: {  	_ =	shalt  }
0x42: {  	_ =	shalt  }
0x43: {  	_ =	shalt  }
0x44: {  	_ =	shalt  }
0x45: {  	_ =	shalt  }
0x46: {  	_ =	shalt  }
0x47: {  	_ =	shalt  }
0x48: {  	_ =	shalt  }
0x49: {  	_ =	shalt  }
0x4a: {  	_ =	shalt  }
0x4b: {  	_ =	shalt  }
0x4c: {  	_ =	shalt  }
0x4d: {  	_ =	shalt  }
0x4e: {  	_ =	shalt  }
0x4f: {  	_ =	shalt  }
0x50: {  	_ =	shalt  }
0x51: {  	_ =	shalt  }
0x52: {  	_ =	shalt  }
0x53: {  	_ =	shalt  }
0x54: {  	_ =	shalt  }
0x55: {  	_ =	shalt  }
0x56: {  	_ =	shalt  }
0x57: {  	_ =	shalt  }
0x58: {  	_ =	shalt  }
0x59: {  	_ =	shalt  }
0x5a: {  	_ =	shalt  }
0x5b: {  	_ =	shalt  }
0x5c: {  	_ =	shalt  }
0x5d: {  	_ =	shalt  }
0x5e: {  	_ =	shalt  }
0x5f: {  	_ =	shalt  }
0x60: {  	_ =	shalt  }
0x61: {  	_ =	shalt  }
0x62: {  	_ =	shalt  }
0x63: {  	_ =	shalt  }
0x64: {  	_ =	shalt  }
0x65: {  	_ =	shalt  }
0x66: {  	_ =	shalt  }
0x67: {  	_ =	shalt  }
0x68: {  	_ =	shalt  }
0x69: {  	_ =	shalt  }
0x6a: {  	_ =	shalt  }
0x6b: {  	_ =	shalt  }
0x6c: {  	_ =	shalt  }
0x6d: {  	_ =	shalt  }
0x6e: {  	_ =	shalt  }
0x6f: {  	_ =	shalt  }
0x70: {  	_ =	shalt  }
0x71: {  	_ =	shalt  }
0x72: {  	_ =	shalt  }
0x73: {  	_ =	shalt  }
0x74: {  	_ =	shalt  }
0x75: {  	_ =	shalt  }
0x76: {  	_ =	shalt  }
0x77: {  	_ =	shalt  }
0x78: {  	_ =	shalt  }
0x79: {  	_ =	shalt  }
0x7a: {  	_ =	shalt  }
0x7b: {  	_ =	shalt  }
0x7c: {  	_ =	shalt  }
0x7d: {  	_ =	shalt  }
0x7e: {  	_ =	shalt  }
0x7f: {  	_ =	shalt  }
0x80: {  	_ =	shalt  }
0x81: {  	_ =	shalt  }
0x82: {  	_ =	shalt  }
0x83: {  	_ =	shalt  }
0x84: {  	_ =	shalt  }
0x85: {  	_ =	shalt  }
0x86: {  	_ =	shalt  }
0x87: {  	_ =	shalt  }
.Lfunc_end0:
.L_simem_size_0:
called_computation.1_lowered:
.L_overlay_start_0:
0x88: {  	s2 =	sld [smem:$0x3FD9]  }
0x89: {  	s3 =	sld [smem:$0x3FFE];
	_ =	sdelay $0x1  }
0x8a: {  	s1 =	srdreg.scid  }
0x8b: {  	s0 =	sand.u32 $0x1, s1  }
0x8c: {  	s16 =	sshll.u32 s0, $0xA;
	s2 =	sadd.s32 s3, s2  }
0x8d: {  	s2 =	sadd.s32 s2, s16  }
0x8e: {  	[smem:$0x3FBC] =	sst s2  }
0x8f: {  	_ = 	snop  }
0x90: {  	(tm) =	ssettm $0x1  }
0x91: {  	s17 =	sld [smem:$0x3FFB];
	_ =	sdelay $0x3  }
0x92: {  	_ =	strace s17  }
0x93: {  	s2 =	sld [smem:$0x3FFC];
	_ =	sdelay $0x3  }
0x94: {  	_ =	strace s2  }
0x95: {  	s2 =	sld [smem:$0x3FFD];
	_ =	sdelay $0x3  }
0x96: {  	_ =	strace s2  }
0x97: {  	_ =	strace $0x8FFFFFFF  }
0x98: {  	s18 =	sld [smem:$0x3FDB];
	_ =	sdelay $0x1  }
0x99: {  	s19 =	simm.s32 $_scs_section_size  }
0x9a: {  	s4 =	simm.s32 $_size__tile_overlayer_lowered;
	s5 =	simm.s32 $_tile_overlayer_lowered  }
0x9b: {  	s22 =	simm.s32 $0x1BFF;
	s21 =	sshll.u32 s5, $0x1;
	s2 =	sadd.s32 s19, s18  }
0x9c: {  	s6 =	simm.s32 $0x0;
	s20 =	sshll.u32 s4, $0x1;
	s4 =	sadd.s32 s21, s2  }
0x9d: {  	[timem:s6], [sflag:s22] =	dma.local [hbm:s4], s20  }
0x9e: {  	_ =	swait.ge [sflag:s22], s20  }
0x9f: {  	s3 =	ssub.s32 $0x0, s20;
	[sflag:s22] =	ssyncset.done $0x0  }
0xa0: {  	[sflag:s22] =	ssyncadd.s32 s3;
	_ =	sdelay $0x1  }
0xa1: {  	s23 =	simm.s32 $0x1B8B  }
0xa2: {  	_ =	swait.ge [sflag:s23], $0x1  }
0xa3: {  	[sflag:s23] =	ssyncset.done $0x0  }
0xa4: {  	s25 =	simm.s32 $0x1B8E;
	s24 =	sld [smem:$0x3FFE];
	[sflag:s23] =	ssyncadd.s32 $0xFFFFFFFF  }
0xa5: {  	s26 =	simm.s32 $execute0_lowered;
	[smem:$0x3FD2] =	sst s25  }
0xa6: {  	s4 =	sshll.u32 s26, $0x1;
	_ =	strace $0x80000049;
	[dreg:$0x1] =	wrdreg $0xFFFFFFFF  }
0xa7: {  	s28 =	simm.s32 $_size_execute0_lowered;
	s2 =	sadd.s32 s2, s4;
	[dreg:$0x0] =	wrdreg $0x0  }
0xa8: {  	s4 =	sshll.u32 s28, $0x1;
	[dreg:$0x2] =	wrdreg s2  }
0xa9: {  	[dreg:$0x3] =	wrdreg s4  }
0xaa: {  	[dreg:$0x4] =	wrdreg $0xC0  }
0xab: {  	_ =	task [dreg:s6], $0x5FFFF  }
0xac: {  	[dreg:$0x1] =	wrdreg $0xFFFFFFFF  }
0xad: {  	[dreg:$0x0] =	wrdreg $0x60  }
0xae: {  	[dreg:$0x2] =	wrdreg s24  }
0xaf: {  	[dreg:$0x3] =	wrdreg $0x29000  }
0xb0: {  	[dreg:$0x4] =	wrdreg $0x9  }
0xb1: {  	_ =	task.clear_ibuf [dreg:s6], $0x5FFFF;
	_ =	strace $0x90000049  }
0xb2: {  	s29 =	simm.s32 $0x9;
	_ =	strace $0x8000004B  }
0xb3: {  	_ =	swait.ge [sflag:s29], $0x1  }
0xb4: {  	[sflag:s29] =	ssyncadd.s32 $0xFFFFFFFF  }
0xb5: {  	_ =	strace $0x9000004B  }
0xb6: {  	_ =	sfence  }
0xb7: {  	s30 =	sld [smem:$0x0];
	_ =	sdelay $0x2  }
0xb8: {  	s31 =	sshll.u32 s1, $0xD;
	s1 =	sshrl.u32 s1, $0x2  }
0xb9: {  	s3 =	sand.u32 $0x4000, s31;
	s1 =	sadd.s32 s1, s30  }
0xba: {  	s0 =	sor.u32 s3, s0;
	s1 =	sshll.u32 s1, $0x11  }
0xbb: {  	s0 =	sor.u32 s1, s0  }
0xbc: {  	s0 =	sadd.s32 $0x8F2B, s0  }
0xbd: {  	[sflag:s0] =	ssyncadd.remote.s32 $0x1  }
0xbe: {  	_ =	sfence.sel $0xFFFF  }
0xbf: {  	[dreg:$0x0] =	wrdreg $0xFFFFFFFF;
	(pc) =	sbr.abs _section_cstart, $3  }
0xc0: {  	[dreg:$0x1] =	wrdreg $0xFFFFFFFF  }
0xc1: {  	_ =	task.clear_ibuf [dreg:s6], $0x2FFFF;
	_ =	strace $0x9FFFFFFF  }
0xc2: {  	(tm) =	ssettm $0x7FFFFFFF  }
0xc3: {  	_ =	shalt  }
tec
execute0_lowered:
.L_overlay_start_1:
0x0: {  	(tag) =	ssettag $0x1  }
0x1: {  	s6 =	rddreg [dreg:$0x0]  }
0x2: {  	s2 =	rddreg [dreg:$0x1];
	s1 =	stileid.u32  }
0x3: {  	s0 =	rddreg [dreg:$0x2];
	s5 =	smul.u32 $0x1388, s1  }
0x4: {  	s3 =	simm.s32 $0x0;
	s22 =	srdreg.scid;
	s7 =	smul.u32 $0x2800, s1  }
0x5: {  	[smem:$0x7FF] =	sst s3;
	s23 =	smul.u32 $0x50000, s1  }
0x6: {  	s4 =	sadd.s32 $0xEBE00, s6;
	s14 =	sadd.s32 $0x9DC00, s6;
	s11 =	smul.u32 $0x9C40, s1  }
0x7: {  	s8 =	sand.u32 $0x1, s22;
	s9 =	sadd.s32 $0x188200, s6;
	s24 =	smul.u32 $0x280, s1  }
0x8: {  	s18 =	sadd.s32 $0x12C000, s2;
	p0 =	seq.s32 s1, $0xF;
	s15 =	smul.u32 $0x4E20, s8  }
0x9: {  	s22 =	simm.s32 $0x1;
	_ =	strace $0x8000004A;
	s16 =	smul.u32 $0x271000, s8  }
0xa: {  	s10 =	ssub.s32 $0x2, s8;
	s25 =	sshllo.u32 s8, $0x1;
	s21 =	smul.u32 $0x138800, s8  }
0xb: {  	s12 =	sadd.s32 s5, s6;
	s7 =	sadd.s32 s7, s6;
	s13 =	sshrl.u32 s10, $0x1  }
0xc: {  	s5 =	sshrl.u32 s23, $0x2;
	s19 =	smul.u32 $0x2710, s25;
	s6 =	sadd.s32 $0x3A600, s6  }
0xd: {  	s20 =	smul.u32 $0x138800, s25;
	s23 =	simm.s32 $0x0;
	s13 =	ssub.s32 s10, s13  }
0xe: {  	s17 =	sadd.s32 s5, s2;
	s5 =	sadd.s32 $0x14E00, s7;
	s15 =	sadd.s32 s24, s15  }
0xf: {  	s26 =	sshrl.u32 s16, $0x3;
	s29 =	sadd.s32 s11, s21;
	s12 =	sadd.s32 $0x8A200, s12  }
0x10: {  	s16 =	sshll.u32 @!p0 s1, $0x6;
	s21 =	simm.s32 $0x100;
	s15 =	sshll.u32 s15, $0x4  }
0x11: {  	s8 =	sadd.s32 s9, s26;
	s10 =	sadd.s32 s24, s19;
	s28 =	sshrl.u32 s20, $0x3  }
0x12: {  	s11 =	smax.u32 s13, $0x1;
	s30 =	sadd.s32 $0x9C400, s29;
	s16 =	sor.u32 @!p0 $0x1C02, s16  }
0x13: {  	s17 =	sshrl.u32 @!p0 s17, $0x3;
	s19 =	simm.s32 $0x80;
	s20 =	simm.s32 $0x50  }
0x14: {  	s7 =	sadd.s32 s9, s15;
	s10 =	sshll.u32 s10, $0x4;
	s15 =	sadd.s32 s9, s28  }
0x15: {  	s9 =	sadd.s32 s9, s10;
	s10 =	sadd.s32 $0x25800, s15;
	s15 =	sshrl.u32 s29, $0x3  }
0x16: {  	s8 =	sadd.s32 $0x25800, s8;
	s31 =	sshrl.u32 s30, $0x3;
	s13 =	sadd.s32 s15, s14  }
0x17: {  	s14 =	sadd.s32 s31, s14;
	s15 =	sshrl.u32 @p0 s18, $0x3;
	s18 =	simm.s32 $0x2  }
.LBB2_1:
0x18: {  	s24 =	simm.s32 @p0 $0x1FC2  }
0x19: {  	[spmem:s15], [sflag:s24] =	dma.local @p0 [hbm:s6], $0x1900  }
0x1a: {  	s24 =	simm.s32 @p0 $0x2  }
0x1b: {  	_ =	swait.ge @p0 [sflag:s24], $0x1900  }
0x1c: {  	[sflag:s24] =	ssyncset.done @p0 $0x0  }
0x1d: {  	[sflag:s24] =	ssyncadd.s32 @p0 $0xFFFFE700;
	s24 =	simm.s32 @!p0 $0x2  }
0x1e: {  	[spmem:s17], [sflag:s16] =	dma.local @!p0 [hbm:s5], $0x2800  }
0x1f: {  	_ =	swait.ge @!p0 [sflag:s24], $0x2800  }
0x20: {  	[sflag:s24] =	ssyncset.done @!p0 $0x0  }
0x21: {  	[sflag:s24] =	ssyncadd.s32 @!p0 $0xFFFFD800  }
0x22: {  	s30 =	sadd.s32 $0x0, s13;
	[bflag:$0x0] =	sbarrier.arrive $0xFFFF  }
0x23: {  	[tilespmem:s3], [sflag:$0x2] =	stream.linear.gather [hbm4b:s30+s3], $0x50, $0x38;
	[tilespmem:$0x16180] =	vst v63  }
0x24: {  	_ =	swait.ge [sflag:s18], $0x50  }
0x25: {  	[sflag:s18] =	ssyncset.done $0x0  }
0x26: {  	s31 =	sadd.s32 $0x0, s12;
	[sflag:s18] =	ssyncadd.s32 $0xFFFFFFB0  }
0x27: {  	[tilespmem:s19], [sflag:$0x2] =	stream.linear.gather [hbm4b:s31+s3], $0x50, $0x38;
	[tilespmem:$0x16180] =	vst v63  }
0x28: {  	_ =	swait.ge [sflag:s18], $0x50  }
0x29: {  	[sflag:s18] =	ssyncset.done $0x0  }
0x2a: {  	[sflag:s18] =	ssyncadd.s32 $0xFFFFFFB0  }
0x2b: {  	[tilespmem:s21], [sflag:$0x1] =	stream.indirect.gather [hbm4b:s4+s20], $0x80, s3, s20, $0xb8;
	[tilespmem:$0x16180] =	vst v63  }
0x2c: {  	_ =	swait.ge [sflag:s22], $0x2800  }
0x2d: {  	[sflag:s22] =	ssyncset.done $0x0  }
0x2e: {  	[sflag:s22] =	ssyncadd.s32 $0xFFFFD800  }
0x2f: {  	[spmem:s2] =	stream.indirect.scatter.add.f32 [tilespmem:s21], [sflag:$0x2], $0x80, s19, s20, $0xb8;
	[tilespmem:$0x16180] =	vst v63  }
0x30: {  	_ =	swait.ge [sflag:s18], $0x2800  }
0x31: {  	s25 =	simm.s32 $0x14;
	s24 =	simm.s32 $0xA;
	[sflag:s18] =	ssyncset.done $0x0  }
.LBB2_2:
0x32: {  	s26 =	sadd.s32 s24, s13  }
0x33: {  	[sflag:s18] =	ssyncadd.s32 $0xFFFFD800;
	s28 =	smov.u32 s25;
	s29 =	sadd.s32 $0xA, s25  }
0x34: {  	[tilespmem:s3], [sflag:$0x2] =	stream.linear.gather [hbm4b:s26+s3], $0x50, $0x38;
	[tilespmem:$0x16180] =	vst v63  }
0x35: {  	p1 =	sne.s32 s25, $0x137E;
	_ =	swait.ge [sflag:s18], $0x50  }
0x36: {  	[sflag:s18] =	ssyncset.done $0x0  }
0x37: {  	s25 =	sadd.s32 s24, s12;
	s24 =	smov.u32 s28;
	[sflag:s18] =	ssyncadd.s32 $0xFFFFFFB0  }
0x38: {  	[tilespmem:s19], [sflag:$0x2] =	stream.linear.gather [hbm4b:s25+s3], $0x50, $0x38;
	[tilespmem:$0x16180] =	vst v63  }
0x39: {  	_ =	swait.ge [sflag:s18], $0x50  }
0x3a: {  	[sflag:s18] =	ssyncset.done $0x0  }
0x3b: {  	[sflag:s18] =	ssyncadd.s32 $0xFFFFFFB0  }
0x3c: {  	[tilespmem:s21], [sflag:$0x1] =	stream.indirect.gather [hbm4b:s4+s20], $0x80, s3, s20, $0xb8;
	[tilespmem:$0x16180] =	vst v63  }
0x3d: {  	_ =	swait.ge [sflag:s22], $0x2800  }
.Ltmp0:
0x3e: {  	[sflag:s22] =	ssyncset.done $0x0;
	(pc) =	sbr.rel @p1 .LBB2_2-.Ltmp0, $4  }
0x3f: {  	[sflag:s22] =	ssyncadd.s32 $0xFFFFD800  }
0x40: {  	[spmem:s2] =	stream.indirect.scatter.add.f32 [tilespmem:s21], [sflag:$0x2], $0x80, s19, s20, $0xb8;
	[tilespmem:$0x16180] =	vst v63  }
0x41: {  	_ =	swait.ge [sflag:s18], $0x2800  }
0x42: {  	s25 =	smov.u32 s29;
	[sflag:s18] =	ssyncset.done $0x0  }
0x43: {  	s25 =	sadd.s32 s24, s13;
	[sflag:s18] =	ssyncadd.s32 $0xFFFFD800  }
0x44: {  	[tilespmem:s3], [sflag:$0x2] =	stream.linear.gather [hbm4b:s25+s3], $0x50, $0x38;
	[tilespmem:$0x16180] =	vst v63  }
0x45: {  	_ =	swait.ge [sflag:s18], $0x50  }
0x46: {  	[sflag:s18] =	ssyncset.done $0x0  }
0x47: {  	s29 =	sadd.s32 s24, s12;
	[sflag:s18] =	ssyncadd.s32 $0xFFFFFFB0  }
0x48: {  	[tilespmem:s19], [sflag:$0x2] =	stream.linear.gather [hbm4b:s29+s3], $0x50, $0x38;
	[tilespmem:$0x16180] =	vst v63  }
0x49: {  	_ =	swait.ge [sflag:s18], $0x50  }
0x4a: {  	[sflag:s18] =	ssyncset.done $0x0  }
0x4b: {  	[sflag:s18] =	ssyncadd.s32 $0xFFFFFFB0  }
0x4c: {  	[tilespmem:s21], [sflag:$0x1] =	stream.indirect.gather [hbm4b:s4+s20], $0x80, s3, s20, $0xb8;
	[tilespmem:$0x16180] =	vst v63  }
0x4d: {  	_ =	swait.ge [sflag:s22], $0x2800  }
0x4e: {  	[sflag:s22] =	ssyncset.done $0x0  }
0x4f: {  	[sflag:s22] =	ssyncadd.s32 $0xFFFFD800  }
0x50: {  	[spmem:s2] =	stream.indirect.scatter.add.f32 [tilespmem:s21], [sflag:$0x2], $0x80, s19, s20, $0xb8;
	[tilespmem:$0x16180] =	vst v63  }
0x51: {  	_ =	swait.ge [sflag:s18], $0x2800  }
0x52: {  	[sflag:s18] =	ssyncset.done $0x0  }
0x53: {  	[sflag:s18] =	ssyncadd.s32 $0xFFFFD800  }
0x54: {  	s24 =	simm.s32 @p0 $0x1FC2;
	s25 =	simm.s32 @p0 $0x2;
	[bflag:$0x0] =	sbarrier.arrive $0xFFFF  }
0x55: {  	[hbm:s8], [sflag:s24] =	dma.local @p0 [spmem:s15], $0x1900  }
0x56: {  	_ =	swait.ge @p0 [sflag:s25], $0x1900  }
0x57: {  	[sflag:s25] =	ssyncset.done @p0 $0x0  }
0x58: {  	[sflag:s25] =	ssyncadd.s32 @p0 $0xFFFFE700  }
0x59: {  	[spmem:s15], [sflag:s24] =	dma.local @p0 [hbm:s6], $0x1900  }
0x5a: {  	_ =	swait.ge @p0 [sflag:s25], $0x1900  }
0x5b: {  	[sflag:s25] =	ssyncset.done @p0 $0x0  }
0x5c: {  	s24 =	simm.s32 @!p0 $0x2;
	[sflag:s25] =	ssyncadd.s32 @p0 $0xFFFFE700  }
0x5d: {  	[hbm:s7], [sflag:s16] =	dma.local @!p0 [spmem:s17], $0x2800  }
0x5e: {  	_ =	swait.ge @!p0 [sflag:s24], $0x2800  }
0x5f: {  	[sflag:s24] =	ssyncset.done @!p0 $0x0  }
0x60: {  	[sflag:s24] =	ssyncadd.s32 @!p0 $0xFFFFD800  }
0x61: {  	[spmem:s17], [sflag:s16] =	dma.local @!p0 [hbm:s5], $0x2800  }
0x62: {  	_ =	swait.ge @!p0 [sflag:s24], $0x2800  }
0x63: {  	[sflag:s24] =	ssyncset.done @!p0 $0x0  }
0x64: {  	[sflag:s24] =	ssyncadd.s32 @!p0 $0xFFFFD800  }
0x65: {  	s30 =	sadd.s32 $0x0, s14;
	[bflag:$0x0] =	sbarrier.arrive $0xFFFF  }
0x66: {  	[tilespmem:s3], [sflag:$0x2] =	stream.linear.gather [hbm4b:s30+s3], $0x50, $0x38;
	[tilespmem:$0x16180] =	vst v63  }
0x67: {  	_ =	swait.ge [sflag:s18], $0x50  }
0x68: {  	[sflag:s18] =	ssyncset.done $0x0  }
0x69: {  	s31 =	sadd.s32 $0x0, s12;
	[sflag:s18] =	ssyncadd.s32 $0xFFFFFFB0  }
0x6a: {  	[tilespmem:s19], [sflag:$0x2] =	stream.linear.gather [hbm4b:s31+s3], $0x50, $0x38;
	[tilespmem:$0x16180] =	vst v63  }
0x6b: {  	_ =	swait.ge [sflag:s18], $0x50  }
0x6c: {  	[sflag:s18] =	ssyncset.done $0x0  }
0x6d: {  	[sflag:s18] =	ssyncadd.s32 $0xFFFFFFB0  }
0x6e: {  	[tilespmem:s21], [sflag:$0x1] =	stream.indirect.gather [hbm4b:s4+s20], $0x80, s3, s20, $0xb8;
	[tilespmem:$0x16180] =	vst v63  }
0x6f: {  	_ =	swait.ge [sflag:s22], $0x2800  }
0x70: {  	[sflag:s22] =	ssyncset.done $0x0  }
0x71: {  	[sflag:s22] =	ssyncadd.s32 $0xFFFFD800  }
0x72: {  	[spmem:s2] =	stream.indirect.scatter.add.f32 [tilespmem:s21], [sflag:$0x2], $0x80, s19, s20, $0xb8;
	[tilespmem:$0x16180] =	vst v63  }
0x73: {  	_ =	swait.ge [sflag:s18], $0x2800  }
0x74: {  	s25 =	simm.s32 $0x14;
	s24 =	simm.s32 $0xA;
	[sflag:s18] =	ssyncset.done $0x0  }
.LBB2_4:
0x75: {  	s26 =	sadd.s32 s24, s14  }
0x76: {  	[sflag:s18] =	ssyncadd.s32 $0xFFFFD800;
	s28 =	smov.u32 s25;
	s29 =	sadd.s32 $0xA, s25  }
0x77: {  	[tilespmem:s3], [sflag:$0x2] =	stream.linear.gather [hbm4b:s26+s3], $0x50, $0x38;
	[tilespmem:$0x16180] =	vst v63  }
0x78: {  	p1 =	sne.s32 s25, $0x137E;
	_ =	swait.ge [sflag:s18], $0x50  }
0x79: {  	[sflag:s18] =	ssyncset.done $0x0  }
0x7a: {  	s25 =	sadd.s32 s24, s12;
	s24 =	smov.u32 s28;
	[sflag:s18] =	ssyncadd.s32 $0xFFFFFFB0  }
0x7b: {  	[tilespmem:s19], [sflag:$0x2] =	stream.linear.gather [hbm4b:s25+s3], $0x50, $0x38;
	[tilespmem:$0x16180] =	vst v63  }
0x7c: {  	_ =	swait.ge [sflag:s18], $0x50  }
0x7d: {  	[sflag:s18] =	ssyncset.done $0x0  }
0x7e: {  	[sflag:s18] =	ssyncadd.s32 $0xFFFFFFB0  }
0x7f: {  	[tilespmem:s21], [sflag:$0x1] =	stream.indirect.gather [hbm4b:s4+s20], $0x80, s3, s20, $0xb8;
	[tilespmem:$0x16180] =	vst v63  }
0x80: {  	_ =	swait.ge [sflag:s22], $0x2800  }
.Ltmp1:
0x81: {  	[sflag:s22] =	ssyncset.done $0x0;
	(pc) =	sbr.rel @p1 .LBB2_4-.Ltmp1, $4  }
0x82: {  	[sflag:s22] =	ssyncadd.s32 $0xFFFFD800  }
0x83: {  	[spmem:s2] =	stream.indirect.scatter.add.f32 [tilespmem:s21], [sflag:$0x2], $0x80, s19, s20, $0xb8;
	[tilespmem:$0x16180] =	vst v63  }
0x84: {  	_ =	swait.ge [sflag:s18], $0x2800  }
0x85: {  	s25 =	smov.u32 s29;
	[sflag:s18] =	ssyncset.done $0x0  }
0x86: {  	s25 =	sadd.s32 s24, s14;
	[sflag:s18] =	ssyncadd.s32 $0xFFFFD800  }
0x87: {  	[tilespmem:s3], [sflag:$0x2] =	stream.linear.gather [hbm4b:s25+s3], $0x50, $0x38;
	[tilespmem:$0x16180] =	vst v63  }
0x88: {  	_ =	swait.ge [sflag:s18], $0x50  }
0x89: {  	[sflag:s18] =	ssyncset.done $0x0  }
0x8a: {  	s31 =	sadd.s32 s24, s12;
	[sflag:s18] =	ssyncadd.s32 $0xFFFFFFB0  }
0x8b: {  	[tilespmem:s19], [sflag:$0x2] =	stream.linear.gather [hbm4b:s31+s3], $0x50, $0x38;
	[tilespmem:$0x16180] =	vst v63  }
0x8c: {  	_ =	swait.ge [sflag:s18], $0x50  }
0x8d: {  	[sflag:s18] =	ssyncset.done $0x0  }
0x8e: {  	[sflag:s18] =	ssyncadd.s32 $0xFFFFFFB0  }
0x8f: {  	[tilespmem:s21], [sflag:$0x1] =	stream.indirect.gather [hbm4b:s4+s20], $0x80, s3, s20, $0xb8;
	[tilespmem:$0x16180] =	vst v63  }
0x90: {  	_ =	swait.ge [sflag:s22], $0x2800  }
0x91: {  	[sflag:s22] =	ssyncset.done $0x0  }
0x92: {  	[sflag:s22] =	ssyncadd.s32 $0xFFFFD800  }
0x93: {  	[spmem:s2] =	stream.indirect.scatter.add.f32 [tilespmem:s21], [sflag:$0x2], $0x80, s19, s20, $0xb8;
	[tilespmem:$0x16180] =	vst v63  }
0x94: {  	_ =	swait.ge [sflag:s18], $0x2800  }
0x95: {  	[sflag:s18] =	ssyncset.done $0x0  }
0x96: {  	[sflag:s18] =	ssyncadd.s32 $0xFFFFD800  }
0x97: {  	s24 =	simm.s32 @p0 $0x1FC2;
	[bflag:$0x0] =	sbarrier.arrive $0xFFFF  }
0x98: {  	[hbm:s10], [sflag:s24] =	dma.local @p0 [spmem:s15], $0x1900  }
0x99: {  	s24 =	simm.s32 @p0 $0x2  }
0x9a: {  	s23 =	sadd.s32 $0x1, s23;
	_ =	swait.ge @p0 [sflag:s24], $0x1900  }
0x9b: {  	p1 =	sne.s32 s23, s11;
	[sflag:s24] =	ssyncset.done @p0 $0x0  }
.Ltmp2:
0x9c: {  	[sflag:s24] =	ssyncadd.s32 @p0 $0xFFFFE700;
	s24 =	simm.s32 @!p0 $0x2;
	(pc) =	sbr.rel @p1 .LBB2_1-.Ltmp2, $4  }
0x9d: {  	[hbm:s9], [sflag:s16] =	dma.local @!p0 [spmem:s17], $0x2800  }
0x9e: {  	_ =	swait.ge @!p0 [sflag:s24], $0x2800  }
0x9f: {  	[sflag:s24] =	ssyncset.done @!p0 $0x0  }
0xa0: {  	[sflag:s24] =	ssyncadd.s32 @!p0 $0xFFFFD800  }
0xa1: {  	_ =	sfence.sel $0x180000  }
0xa2: {  	[bflag:$0x0] =	sbarrier.arrive $0xFFFF  }
0xa3: {  	p0 =	sne.s32 s1, $0x0;
	_ =	strace $0x9000004A  }
0xa4: {  	s0 =	sadd.s32 @!p0 $0x100000, s0;
	[bflag:$0x2] =	sbarrier.arrive $0xFFFF  }
0xa5: {  	[sflag:s0] =	ssyncadd.tile.s32 @!p0 $0x1;
	_ =	shalt  }
.Lfunc_end2:
_tile_overlayer_lowered:
.L_overlay_start_2:
0xa6: {  	(tag) =	ssettag $0x2  }
0xa7: {  	s0 =	rddreg [dreg:$0x0];
	s2 =	stileid.u32  }
0xa8: {  	s1 =	rddreg [dreg:$0x1];
	p0 =	sne.s32 s2, $0x0  }
0xa9: {  	s3 =	rddreg [dreg:$0x2];
	[bflag:$0x3] =	sbarrier.arrive $0xFFFF;
	s2 =	simm.s32 @!p0 $0x1C02  }
0xaa: {  	[timem:s3], [sflag:s2] =	dma.local @!p0 [hbm:s0], s1  }
0xab: {  	s0 =	simm.s32 @!p0 $0x2  }
0xac: {  	_ =	swait.ge @!p0 [sflag:s0], s1  }
0xad: {  	s1 =	ssub.s32 @!p0 $0x0, s1;
	[sflag:s0] =	ssyncset.done @!p0 $0x0  }
0xae: {  	[sflag:s0] =	ssyncadd.s32 @!p0 s1  }
0xaf: {  	[bflag:$0x3] =	sbarrier.arrive $0xFFFF  }
0xb0: {  	_ =	shalt  }

// kernel: kernel.16.cloned.1.call-start
scs
__scs_entry_jumppad:
0x0: {  	(pc) =	sbr.rel $0x88, $3  }
0x1: {  	(tag) =	ssettag $0x0;
	lr =	simm.s32 $0x1  }
0x2: {  	[smem:$0x3F95] =	sst lr;
	_ =	strace $0xD0000000  }
0x3: {  	_ = 	snop  }
0x4: {  	_ = 	snop  }
0x5: {  	_ = 	snop  }
0x6: {  	_ = 	snop  }
0x7: {  	_ = 	snop  }
__scs_overlays_trampoline_lowered:
0x8: {  	[smem:$0x3FA4] =	sst s0  }
0x9: {  	[smem:$0x3FA5] =	sst s1  }
0xa: {  	[smem:$0x3FA6] =	sst s2  }
0xb: {  	[smem:$0x3FA7] =	sst s3  }
0xc: {  	[smem:$0x3FA8] =	sst s4  }
0xd: {  	[smem:$0x3FA9] =	sst s5  }
0xe: {  	[smem:$0x3FAA] =	sst s6  }
0xf: {  	[smem:$0x3FAB] =	sst s7  }
0x10: {  	[smem:$0x3FAC] =	sst s8  }
0x11: {  	[smem:$0x3FAD] =	sst s9;
	s0 =	simm.s32 @!p0 $0x0  }
0x12: {  	s1 =	sld [smem:$0x3F93];
	s0 =	simm.s32 @p0 $0x1  }
0x13: {  	[smem:$0x3FAE] =	sst s0;
	s0 =	simm.s32 @!p1 $0x0  }
0x14: {  	s2 =	sld [smem:$0x3F92];
	s0 =	simm.s32 @p1 $0x1  }
0x15: {  	[smem:$0x3FAF] =	sst s0;
	s0 =	simm.s32 @!p2 $0x0  }
0x16: {  	s3 =	sld [smem:$0x3FDB];
	s0 =	simm.s32 @p2 $0x1  }
0x17: {  	s4 =	simm.s32 $0x1BF5;
	[smem:$0x3FB1] =	sst s0  }
0x18: {  	s0 =	sld [smem:$0x3F94];
	_ =	swait.ge [sflag:s4], $0x0  }
0x19: {  	s7 =	sld [smem:$0x3F95]  }
0x1a: {  	s8 =	sadd.s32 $0xFFFFE003, lr  }
0x1b: {  	s9 =	sadd.s32 $0xFFFFFEF7, lr;
	s5 =	simm.s32 $0xFFFFFFFF;
	p2 =	slt.u32 s8, $0xFFFFF086  }
0x1c: {  	p1 =	slt.u32 s9, $0xF7A;
	s5 =	simm.s32 @!p2 $0x0  }
0x1d: {  	s5 =	simm.s32 @p1 $0x1;
	p0 =	seq.s32 s7, s2  }
0x1e: {  	s7 =	smul.u32 @!p0 $0xF7A, s2;
	p2 =	seq.s32 @!p0 s5, $0x0  }
0x1f: {  	s9 =	smul.u32 $0xF7A, s1;
	s8 =	simm.s32 @!p0 $0x1BF5;
	p2 =	por !p2, p0  }
0x20: {  	[sflag:s8] =	ssyncset.s32 @!p0 $0xFFFFF086;
	s6 =	sadd.s32 @!p0 s3, s7;
	s7 =	simm.s32 @!p0 $0x108  }
0x21: {  	s3 =	sadd.s32 s3, s9;
	s6 =	sadd.s32 @!p0 $0x88, s6;
	s7 =	simm.s32 @p2 $0x1082  }
0x22: {  	[simem:s7], [sflag:s8] =	dma.local @!p0 [hbm:s6], $0xF7A  }
0x23: {  	s9 =	sor.u32 $0xD0000000, s2;
	s6 =	simm.s32 $0x108;
	_ =	swait.ge @!p0 [sflag:s8], $0x0  }
0x24: {  	s3 =	sadd.s32 $0x88, s3;
	s6 =	simm.s32 @!p1 $0x1082;
	[sflag:s4] =	ssyncset.s32 $0xFFFFF086  }
0x25: {  	[simem:s6], [sflag:s4] =	dma.local [hbm:s3], $0xF7A  }
0x26: {  	[smem:$0x3F95] =	sst s1;
	(tag) =	ssettag s2;
	_ =	strace s9  }
0x27: {  	s1 =	sld [smem:$0x3FA5]  }
0x28: {  	s2 =	sld [smem:$0x3FA6]  }
0x29: {  	s4 =	sld [smem:$0x3FA8]  }
0x2a: {  	p0 =	seq.s32 s5, $0x0;
	s5 =	sld [smem:$0x3FA9]  }
0x2b: {  	s6 =	sld [smem:$0x3FAA]  }
0x2c: {  	s7 =	sld [smem:$0x3FAB]  }
0x2d: {  	s3 =	simm.s32 $0x108;
	s8 =	sld [smem:$0x3FAC]  }
0x2e: {  	s3 =	simm.s32 @!p0 $0x1082;
	s9 =	sld [smem:$0x3FAD]  }
0x2f: {  	lr =	sadd.s32 s0, s3;
	s0 =	sld [smem:$0x3FA4]  }
0x30: {  	s3 =	sld [smem:$0x3FA7]  }
0x31: {  	[smem:$0x3FB0] =	sst s10  }
0x32: {  	s10 =	sld [smem:$0x3FAE];
	_ =	sdelay $0x3  }
0x33: {  	p0 =	seq.s32 s10, $0x1;
	s10 =	sld [smem:$0x3FB0];
	_ =	sdelay $0x3  }
0x34: {  	[smem:$0x3FB0] =	sst s10  }
0x35: {  	s10 =	sld [smem:$0x3FAF];
	_ =	sdelay $0x3  }
0x36: {  	p1 =	seq.s32 s10, $0x1;
	s10 =	sld [smem:$0x3FB0];
	_ =	sdelay $0x3  }
0x37: {  	[smem:$0x3FB0] =	sst s10  }
0x38: {  	s10 =	sld [smem:$0x3FB1]  }
0x39: {  	_ = 	snop;
	(pc) =	sbr.ind lr, $3  }
0x3a: {  	_ = 	snop  }
0x3b: {  	_ = 	snop  }
0x3c: {  	p2 =	seq.s32 s10, $0x1;
	s10 =	sld [smem:$0x3FB0]  }
0x3d: {  	_ =	shalt  }
0x3e: {  	_ =	shalt  }
0x3f: {  	_ =	shalt  }
0x40: {  	_ =	shalt  }
0x41: {  	_ =	shalt  }
0x42: {  	_ =	shalt  }
0x43: {  	_ =	shalt  }
0x44: {  	_ =	shalt  }
0x45: {  	_ =	shalt  }
0x46: {  	_ =	shalt  }
0x47: {  	_ =	shalt  }
0x48: {  	_ =	shalt  }
0x49: {  	_ =	shalt  }
0x4a: {  	_ =	shalt  }
0x4b: {  	_ =	shalt  }
0x4c: {  	_ =	shalt  }
0x4d: {  	_ =	shalt  }
0x4e: {  	_ =	shalt  }
0x4f: {  	_ =	shalt  }
0x50: {  	_ =	shalt  }
0x51: {  	_ =	shalt  }
0x52: {  	_ =	shalt  }
0x53: {  	_ =	shalt  }
0x54: {  	_ =	shalt  }
0x55: {  	_ =	shalt  }
0x56: {  	_ =	shalt  }
0x57: {  	_ =	shalt  }
0x58: {  	_ =	shalt  }
0x59: {  	_ =	shalt  }
0x5a: {  	_ =	shalt  }
0x5b: {  	_ =	shalt  }
0x5c: {  	_ =	shalt  }
0x5d: {  	_ =	shalt  }
0x5e: {  	_ =	shalt  }
0x5f: {  	_ =	shalt  }
0x60: {  	_ =	shalt  }
0x61: {  	_ =	shalt  }
0x62: {  	_ =	shalt  }
0x63: {  	_ =	shalt  }
0x64: {  	_ =	shalt  }
0x65: {  	_ =	shalt  }
0x66: {  	_ =	shalt  }
0x67: {  	_ =	shalt  }
0x68: {  	_ =	shalt  }
0x69: {  	_ =	shalt  }
0x6a: {  	_ =	shalt  }
0x6b: {  	_ =	shalt  }
0x6c: {  	_ =	shalt  }
0x6d: {  	_ =	shalt  }
0x6e: {  	_ =	shalt  }
0x6f: {  	_ =	shalt  }
0x70: {  	_ =	shalt  }
0x71: {  	_ =	shalt  }
0x72: {  	_ =	shalt  }
0x73: {  	_ =	shalt  }
0x74: {  	_ =	shalt  }
0x75: {  	_ =	shalt  }
0x76: {  	_ =	shalt  }
0x77: {  	_ =	shalt  }
0x78: {  	_ =	shalt  }
0x79: {  	_ =	shalt  }
0x7a: {  	_ =	shalt  }
0x7b: {  	_ =	shalt  }
0x7c: {  	_ =	shalt  }
0x7d: {  	_ =	shalt  }
0x7e: {  	_ =	shalt  }
0x7f: {  	_ =	shalt  }
0x80: {  	_ =	shalt  }
0x81: {  	_ =	shalt  }
0x82: {  	_ =	shalt  }
0x83: {  	_ =	shalt  }
0x84: {  	_ =	shalt  }
0x85: {  	_ =	shalt  }
0x86: {  	_ =	shalt  }
0x87: {  	_ =	shalt  }
.Lfunc_end0:
.L_simem_size_0:
called_computation.2_lowered:
.L_overlay_start_0:
0x88: {  	s2 =	sld [smem:$0x3FD9]  }
0x89: {  	s3 =	sld [smem:$0x3FFE];
	_ =	sdelay $0x1  }
0x8a: {  	s1 =	srdreg.scid  }
0x8b: {  	s0 =	sand.u32 $0x1, s1  }
0x8c: {  	s16 =	sshll.u32 s0, $0xA;
	s2 =	sadd.s32 s3, s2  }
0x8d: {  	s2 =	sadd.s32 s2, s16  }
0x8e: {  	[smem:$0x3FBC] =	sst s2  }
0x8f: {  	_ = 	snop  }
0x90: {  	(tm) =	ssettm $0x1  }
0x91: {  	s17 =	sld [smem:$0x3FFB];
	_ =	sdelay $0x3  }
0x92: {  	_ =	strace s17  }
0x93: {  	s2 =	sld [smem:$0x3FFC];
	_ =	sdelay $0x3  }
0x94: {  	_ =	strace s2  }
0x95: {  	s2 =	sld [smem:$0x3FFD];
	_ =	sdelay $0x3  }
0x96: {  	_ =	strace s2  }
0x97: {  	_ =	strace $0x8FFFFFFF  }
0x98: {  	s18 =	sld [smem:$0x3FDB];
	_ =	sdelay $0x1  }
0x99: {  	s19 =	simm.s32 $_scs_section_size  }
0x9a: {  	s4 =	simm.s32 $_size__tile_overlayer_lowered;
	s5 =	simm.s32 $_tile_overlayer_lowered  }
0x9b: {  	s22 =	simm.s32 $0x1BFF;
	s21 =	sshll.u32 s5, $0x1;
	s2 =	sadd.s32 s19, s18  }
0x9c: {  	s6 =	simm.s32 $0x0;
	s20 =	sshll.u32 s4, $0x1;
	s4 =	sadd.s32 s21, s2  }
0x9d: {  	[timem:s6], [sflag:s22] =	dma.local [hbm:s4], s20  }
0x9e: {  	_ =	swait.ge [sflag:s22], s20  }
0x9f: {  	s3 =	ssub.s32 $0x0, s20;
	[sflag:s22] =	ssyncset.done $0x0  }
0xa0: {  	[sflag:s22] =	ssyncadd.s32 s3;
	_ =	sdelay $0x1  }
0xa1: {  	s23 =	simm.s32 $0x1B8B  }
0xa2: {  	_ =	swait.ge [sflag:s23], $0x1  }
0xa3: {  	[sflag:s23] =	ssyncset.done $0x0  }
0xa4: {  	s25 =	simm.s32 $0x1B8E;
	s24 =	sld [smem:$0x3FFE];
	[sflag:s23] =	ssyncadd.s32 $0xFFFFFFFF  }
0xa5: {  	s26 =	simm.s32 $execute0_lowered;
	[smem:$0x3FD2] =	sst s25  }
0xa6: {  	s4 =	sshll.u32 s26, $0x1;
	_ =	strace $0x8000004C;
	[dreg:$0x1] =	wrdreg $0xFFFFFFFF  }
0xa7: {  	s28 =	simm.s32 $_size_execute0_lowered;
	s2 =	sadd.s32 s2, s4;
	[dreg:$0x0] =	wrdreg $0x0  }
0xa8: {  	s4 =	sshll.u32 s28, $0x1;
	[dreg:$0x2] =	wrdreg s2  }
0xa9: {  	[dreg:$0x3] =	wrdreg s4  }
0xaa: {  	[dreg:$0x4] =	wrdreg $0xC0  }
0xab: {  	_ =	task [dreg:s6], $0x5FFFF  }
0xac: {  	[dreg:$0x1] =	wrdreg $0xFFFFFFFF  }
0xad: {  	[dreg:$0x0] =	wrdreg $0x60  }
0xae: {  	[dreg:$0x2] =	wrdreg s24  }
0xaf: {  	[dreg:$0x3] =	wrdreg $0x29000  }
0xb0: {  	[dreg:$0x4] =	wrdreg $0x9  }
0xb1: {  	_ =	task.clear_ibuf [dreg:s6], $0x5FFFF;
	_ =	strace $0x9000004C  }
0xb2: {  	s29 =	simm.s32 $0x9;
	_ =	strace $0x8000004E  }
0xb3: {  	_ =	swait.ge [sflag:s29], $0x1  }
0xb4: {  	[sflag:s29] =	ssyncadd.s32 $0xFFFFFFFF  }
0xb5: {  	_ =	strace $0x9000004E  }
0xb6: {  	_ =	sfence  }
0xb7: {  	s30 =	sld [smem:$0x0];
	_ =	sdelay $0x2  }
0xb8: {  	s31 =	sshll.u32 s1, $0xD;
	s1 =	sshrl.u32 s1, $0x2  }
0xb9: {  	s3 =	sand.u32 $0x4000, s31;
	s1 =	sadd.s32 s1, s30  }
0xba: {  	s0 =	sor.u32 s3, s0;
	s1 =	sshll.u32 s1, $0x11  }
0xbb: {  	s0 =	sor.u32 s1, s0  }
0xbc: {  	s0 =	sadd.s32 $0x8F2B, s0  }
0xbd: {  	[sflag:s0] =	ssyncadd.remote.s32 $0x1  }
0xbe: {  	_ =	sfence.sel $0xFFFF  }
0xbf: {  	[dreg:$0x0] =	wrdreg $0xFFFFFFFF;
	(pc) =	sbr.abs _section_cstart, $3  }
0xc0: {  	[dreg:$0x1] =	wrdreg $0xFFFFFFFF  }
0xc1: {  	_ =	task.clear_ibuf [dreg:s6], $0x2FFFF;
	_ =	strace $0x9FFFFFFF  }
0xc2: {  	(tm) =	ssettm $0x7FFFFFFF  }
0xc3: {  	_ =	shalt  }
tec
execute0_lowered:
.L_overlay_start_1:
0x0: {  	(tag) =	ssettag $0x1  }
0x1: {  	s6 =	rddreg [dreg:$0x0]  }
0x2: {  	s2 =	rddreg [dreg:$0x1];
	s1 =	stileid.u32  }
0x3: {  	s0 =	rddreg [dreg:$0x2];
	s5 =	smul.u32 $0x1388, s1  }
0x4: {  	s3 =	simm.s32 $0x0;
	s22 =	srdreg.scid;
	s7 =	smul.u32 $0x2800, s1  }
0x5: {  	[smem:$0x7FF] =	sst s3;
	s23 =	smul.u32 $0x50000, s1  }
0x6: {  	s4 =	sadd.s32 $0x224600, s6;
	s14 =	sadd.s32 $0x9DC00, s6;
	s11 =	smul.u32 $0x9C40, s1  }
0x7: {  	s8 =	sand.u32 $0x1, s22;
	s9 =	sadd.s32 $0xEBE00, s6;
	s24 =	smul.u32 $0x280, s1  }
0x8: {  	s18 =	sadd.s32 $0x12C000, s2;
	p0 =	seq.s32 s1, $0xF;
	s15 =	smul.u32 $0x4E20, s8  }
0x9: {  	s22 =	simm.s32 $0x1;
	_ =	strace $0x8000004D;
	s16 =	smul.u32 $0x271000, s8  }
0xa: {  	s10 =	ssub.s32 $0x2, s8;
	s25 =	sshllo.u32 s8, $0x1;
	s21 =	smul.u32 $0x138800, s8  }
0xb: {  	s12 =	sadd.s32 s5, s6;
	s7 =	sadd.s32 s7, s6;
	s13 =	sshrl.u32 s10, $0x1  }
0xc: {  	s5 =	sshrl.u32 s23, $0x2;
	s19 =	smul.u32 $0x2710, s25;
	s6 =	sadd.s32 $0x3A600, s6  }
0xd: {  	s20 =	smul.u32 $0x138800, s25;
	s23 =	simm.s32 $0x0;
	s13 =	ssub.s32 s10, s13  }
0xe: {  	s17 =	sadd.s32 s5, s2;
	s5 =	sadd.s32 $0x14E00, s7;
	s15 =	sadd.s32 s24, s15  }
0xf: {  	s26 =	sshrl.u32 s16, $0x3;
	s29 =	sadd.s32 s11, s21;
	s12 =	sadd.s32 $0x8A200, s12  }
0x10: {  	s16 =	sshll.u32 @!p0 s1, $0x6;
	s21 =	simm.s32 $0x100;
	s15 =	sshll.u32 s15, $0x4  }
0x11: {  	s8 =	sadd.s32 s9, s26;
	s10 =	sadd.s32 s24, s19;
	s28 =	sshrl.u32 s20, $0x3  }
0x12: {  	s11 =	smax.u32 s13, $0x1;
	s30 =	sadd.s32 $0x9C400, s29;
	s16 =	sor.u32 @!p0 $0x1C02, s16  }
0x13: {  	s17 =	sshrl.u32 @!p0 s17, $0x3;
	s19 =	simm.s32 $0x80;
	s20 =	simm.s32 $0x50  }
0x14: {  	s7 =	sadd.s32 s9, s15;
	s10 =	sshll.u32 s10, $0x4;
	s15 =	sadd.s32 s9, s28  }
0x15: {  	s9 =	sadd.s32 s9, s10;
	s10 =	sadd.s32 $0x25800, s15;
	s15 =	sshrl.u32 s29, $0x3  }
0x16: {  	s8 =	sadd.s32 $0x25800, s8;
	s31 =	sshrl.u32 s30, $0x3;
	s13 =	sadd.s32 s15, s14  }
0x17: {  	s14 =	sadd.s32 s31, s14;
	s15 =	sshrl.u32 @p0 s18, $0x3;
	s18 =	simm.s32 $0x2  }
.LBB2_1:
0x18: {  	s24 =	simm.s32 @p0 $0x1FC2  }
0x19: {  	[spmem:s15], [sflag:s24] =	dma.local @p0 [hbm:s6], $0x1900  }
0x1a: {  	s24 =	simm.s32 @p0 $0x2  }
0x1b: {  	_ =	swait.ge @p0 [sflag:s24], $0x1900  }
0x1c: {  	[sflag:s24] =	ssyncset.done @p0 $0x0  }
0x1d: {  	[sflag:s24] =	ssyncadd.s32 @p0 $0xFFFFE700;
	s24 =	simm.s32 @!p0 $0x2  }
0x1e: {  	[spmem:s17], [sflag:s16] =	dma.local @!p0 [hbm:s5], $0x2800  }
0x1f: {  	_ =	swait.ge @!p0 [sflag:s24], $0x2800  }
0x20: {  	[sflag:s24] =	ssyncset.done @!p0 $0x0  }
0x21: {  	[sflag:s24] =	ssyncadd.s32 @!p0 $0xFFFFD800  }
0x22: {  	s30 =	sadd.s32 $0x0, s13;
	[bflag:$0x0] =	sbarrier.arrive $0xFFFF  }
0x23: {  	[tilespmem:s3], [sflag:$0x2] =	stream.linear.gather [hbm4b:s30+s3], $0x50, $0x38;
	[tilespmem:$0x16180] =	vst v63  }
0x24: {  	_ =	swait.ge [sflag:s18], $0x50  }
0x25: {  	[sflag:s18] =	ssyncset.done $0x0  }
0x26: {  	s31 =	sadd.s32 $0x0, s12;
	[sflag:s18] =	ssyncadd.s32 $0xFFFFFFB0  }
0x27: {  	[tilespmem:s19], [sflag:$0x2] =	stream.linear.gather [hbm4b:s31+s3], $0x50, $0x38;
	[tilespmem:$0x16180] =	vst v63  }
0x28: {  	_ =	swait.ge [sflag:s18], $0x50  }
0x29: {  	[sflag:s18] =	ssyncset.done $0x0  }
0x2a: {  	[sflag:s18] =	ssyncadd.s32 $0xFFFFFFB0  }
0x2b: {  	[tilespmem:s21], [sflag:$0x1] =	stream.indirect.gather [hbm4b:s4+s20], $0x80, s3, s20, $0xb8;
	[tilespmem:$0x16180] =	vst v63  }
0x2c: {  	_ =	swait.ge [sflag:s22], $0x2800  }
0x2d: {  	[sflag:s22] =	ssyncset.done $0x0  }
0x2e: {  	[sflag:s22] =	ssyncadd.s32 $0xFFFFD800  }
0x2f: {  	[spmem:s2] =	stream.indirect.scatter.add.f32 [tilespmem:s21], [sflag:$0x2], $0x80, s19, s20, $0xb8;
	[tilespmem:$0x16180] =	vst v63  }
0x30: {  	_ =	swait.ge [sflag:s18], $0x2800  }
0x31: {  	s25 =	simm.s32 $0x14;
	s24 =	simm.s32 $0xA;
	[sflag:s18] =	ssyncset.done $0x0  }
.LBB2_2:
0x32: {  	s26 =	sadd.s32 s24, s13  }
0x33: {  	[sflag:s18] =	ssyncadd.s32 $0xFFFFD800;
	s28 =	smov.u32 s25;
	s29 =	sadd.s32 $0xA, s25  }
0x34: {  	[tilespmem:s3], [sflag:$0x2] =	stream.linear.gather [hbm4b:s26+s3], $0x50, $0x38;
	[tilespmem:$0x16180] =	vst v63  }
0x35: {  	p1 =	sne.s32 s25, $0x137E;
	_ =	swait.ge [sflag:s18], $0x50  }
0x36: {  	[sflag:s18] =	ssyncset.done $0x0  }
0x37: {  	s25 =	sadd.s32 s24, s12;
	s24 =	smov.u32 s28;
	[sflag:s18] =	ssyncadd.s32 $0xFFFFFFB0  }
0x38: {  	[tilespmem:s19], [sflag:$0x2] =	stream.linear.gather [hbm4b:s25+s3], $0x50, $0x38;
	[tilespmem:$0x16180] =	vst v63  }
0x39: {  	_ =	swait.ge [sflag:s18], $0x50  }
0x3a: {  	[sflag:s18] =	ssyncset.done $0x0  }
0x3b: {  	[sflag:s18] =	ssyncadd.s32 $0xFFFFFFB0  }
0x3c: {  	[tilespmem:s21], [sflag:$0x1] =	stream.indirect.gather [hbm4b:s4+s20], $0x80, s3, s20, $0xb8;
	[tilespmem:$0x16180] =	vst v63  }
0x3d: {  	_ =	swait.ge [sflag:s22], $0x2800  }
.Ltmp0:
0x3e: {  	[sflag:s22] =	ssyncset.done $0x0;
	(pc) =	sbr.rel @p1 .LBB2_2-.Ltmp0, $4  }
0x3f: {  	[sflag:s22] =	ssyncadd.s32 $0xFFFFD800  }
0x40: {  	[spmem:s2] =	stream.indirect.scatter.add.f32 [tilespmem:s21], [sflag:$0x2], $0x80, s19, s20, $0xb8;
	[tilespmem:$0x16180] =	vst v63  }
0x41: {  	_ =	swait.ge [sflag:s18], $0x2800  }
0x42: {  	s25 =	smov.u32 s29;
	[sflag:s18] =	ssyncset.done $0x0  }
0x43: {  	s25 =	sadd.s32 s24, s13;
	[sflag:s18] =	ssyncadd.s32 $0xFFFFD800  }
0x44: {  	[tilespmem:s3], [sflag:$0x2] =	stream.linear.gather [hbm4b:s25+s3], $0x50, $0x38;
	[tilespmem:$0x16180] =	vst v63  }
0x45: {  	_ =	swait.ge [sflag:s18], $0x50  }
0x46: {  	[sflag:s18] =	ssyncset.done $0x0  }
0x47: {  	s29 =	sadd.s32 s24, s12;
	[sflag:s18] =	ssyncadd.s32 $0xFFFFFFB0  }
0x48: {  	[tilespmem:s19], [sflag:$0x2] =	stream.linear.gather [hbm4b:s29+s3], $0x50, $0x38;
	[tilespmem:$0x16180] =	vst v63  }
0x49: {  	_ =	swait.ge [sflag:s18], $0x50  }
0x4a: {  	[sflag:s18] =	ssyncset.done $0x0  }
0x4b: {  	[sflag:s18] =	ssyncadd.s32 $0xFFFFFFB0  }
0x4c: {  	[tilespmem:s21], [sflag:$0x1] =	stream.indirect.gather [hbm4b:s4+s20], $0x80, s3, s20, $0xb8;
	[tilespmem:$0x16180] =	vst v63  }
0x4d: {  	_ =	swait.ge [sflag:s22], $0x2800  }
0x4e: {  	[sflag:s22] =	ssyncset.done $0x0  }
0x4f: {  	[sflag:s22] =	ssyncadd.s32 $0xFFFFD800  }
0x50: {  	[spmem:s2] =	stream.indirect.scatter.add.f32 [tilespmem:s21], [sflag:$0x2], $0x80, s19, s20, $0xb8;
	[tilespmem:$0x16180] =	vst v63  }
0x51: {  	_ =	swait.ge [sflag:s18], $0x2800  }
0x52: {  	[sflag:s18] =	ssyncset.done $0x0  }
0x53: {  	[sflag:s18] =	ssyncadd.s32 $0xFFFFD800  }
0x54: {  	s24 =	simm.s32 @p0 $0x1FC2;
	s25 =	simm.s32 @p0 $0x2;
	[bflag:$0x0] =	sbarrier.arrive $0xFFFF  }
0x55: {  	[hbm:s8], [sflag:s24] =	dma.local @p0 [spmem:s15], $0x1900  }
0x56: {  	_ =	swait.ge @p0 [sflag:s25], $0x1900  }
0x57: {  	[sflag:s25] =	ssyncset.done @p0 $0x0  }
0x58: {  	[sflag:s25] =	ssyncadd.s32 @p0 $0xFFFFE700  }
0x59: {  	[spmem:s15], [sflag:s24] =	dma.local @p0 [hbm:s6], $0x1900  }
0x5a: {  	_ =	swait.ge @p0 [sflag:s25], $0x1900  }
0x5b: {  	[sflag:s25] =	ssyncset.done @p0 $0x0  }
0x5c: {  	s24 =	simm.s32 @!p0 $0x2;
	[sflag:s25] =	ssyncadd.s32 @p0 $0xFFFFE700  }
0x5d: {  	[hbm:s7], [sflag:s16] =	dma.local @!p0 [spmem:s17], $0x2800  }
0x5e: {  	_ =	swait.ge @!p0 [sflag:s24], $0x2800  }
0x5f: {  	[sflag:s24] =	ssyncset.done @!p0 $0x0  }
0x60: {  	[sflag:s24] =	ssyncadd.s32 @!p0 $0xFFFFD800  }
0x61: {  	[spmem:s17], [sflag:s16] =	dma.local @!p0 [hbm:s5], $0x2800  }
0x62: {  	_ =	swait.ge @!p0 [sflag:s24], $0x2800  }
0x63: {  	[sflag:s24] =	ssyncset.done @!p0 $0x0  }
0x64: {  	[sflag:s24] =	ssyncadd.s32 @!p0 $0xFFFFD800  }
0x65: {  	s30 =	sadd.s32 $0x0, s14;
	[bflag:$0x0] =	sbarrier.arrive $0xFFFF  }
0x66: {  	[tilespmem:s3], [sflag:$0x2] =	stream.linear.gather [hbm4b:s30+s3], $0x50, $0x38;
	[tilespmem:$0x16180] =	vst v63  }
0x67: {  	_ =	swait.ge [sflag:s18], $0x50  }
0x68: {  	[sflag:s18] =	ssyncset.done $0x0  }
0x69: {  	s31 =	sadd.s32 $0x0, s12;
	[sflag:s18] =	ssyncadd.s32 $0xFFFFFFB0  }
0x6a: {  	[tilespmem:s19], [sflag:$0x2] =	stream.linear.gather [hbm4b:s31+s3], $0x50, $0x38;
	[tilespmem:$0x16180] =	vst v63  }
0x6b: {  	_ =	swait.ge [sflag:s18], $0x50  }
0x6c: {  	[sflag:s18] =	ssyncset.done $0x0  }
0x6d: {  	[sflag:s18] =	ssyncadd.s32 $0xFFFFFFB0  }
0x6e: {  	[tilespmem:s21], [sflag:$0x1] =	stream.indirect.gather [hbm4b:s4+s20], $0x80, s3, s20, $0xb8;
	[tilespmem:$0x16180] =	vst v63  }
0x6f: {  	_ =	swait.ge [sflag:s22], $0x2800  }
0x70: {  	[sflag:s22] =	ssyncset.done $0x0  }
0x71: {  	[sflag:s22] =	ssyncadd.s32 $0xFFFFD800  }
0x72: {  	[spmem:s2] =	stream.indirect.scatter.add.f32 [tilespmem:s21], [sflag:$0x2], $0x80, s19, s20, $0xb8;
	[tilespmem:$0x16180] =	vst v63  }
0x73: {  	_ =	swait.ge [sflag:s18], $0x2800  }
0x74: {  	s25 =	simm.s32 $0x14;
	s24 =	simm.s32 $0xA;
	[sflag:s18] =	ssyncset.done $0x0  }
.LBB2_4:
0x75: {  	s26 =	sadd.s32 s24, s14  }
0x76: {  	[sflag:s18] =	ssyncadd.s32 $0xFFFFD800;
	s28 =	smov.u32 s25;
	s29 =	sadd.s32 $0xA, s25  }
0x77: {  	[tilespmem:s3], [sflag:$0x2] =	stream.linear.gather [hbm4b:s26+s3], $0x50, $0x38;
	[tilespmem:$0x16180] =	vst v63  }
0x78: {  	p1 =	sne.s32 s25, $0x137E;
	_ =	swait.ge [sflag:s18], $0x50  }
0x79: {  	[sflag:s18] =	ssyncset.done $0x0  }
0x7a: {  	s25 =	sadd.s32 s24, s12;
	s24 =	smov.u32 s28;
	[sflag:s18] =	ssyncadd.s32 $0xFFFFFFB0  }
0x7b: {  	[tilespmem:s19], [sflag:$0x2] =	stream.linear.gather [hbm4b:s25+s3], $0x50, $0x38;
	[tilespmem:$0x16180] =	vst v63  }
0x7c: {  	_ =	swait.ge [sflag:s18], $0x50  }
0x7d: {  	[sflag:s18] =	ssyncset.done $0x0  }
0x7e: {  	[sflag:s18] =	ssyncadd.s32 $0xFFFFFFB0  }
0x7f: {  	[tilespmem:s21], [sflag:$0x1] =	stream.indirect.gather [hbm4b:s4+s20], $0x80, s3, s20, $0xb8;
	[tilespmem:$0x16180] =	vst v63  }
0x80: {  	_ =	swait.ge [sflag:s22], $0x2800  }
.Ltmp1:
0x81: {  	[sflag:s22] =	ssyncset.done $0x0;
	(pc) =	sbr.rel @p1 .LBB2_4-.Ltmp1, $4  }
0x82: {  	[sflag:s22] =	ssyncadd.s32 $0xFFFFD800  }
0x83: {  	[spmem:s2] =	stream.indirect.scatter.add.f32 [tilespmem:s21], [sflag:$0x2], $0x80, s19, s20, $0xb8;
	[tilespmem:$0x16180] =	vst v63  }
0x84: {  	_ =	swait.ge [sflag:s18], $0x2800  }
0x85: {  	s25 =	smov.u32 s29;
	[sflag:s18] =	ssyncset.done $0x0  }
0x86: {  	s25 =	sadd.s32 s24, s14;
	[sflag:s18] =	ssyncadd.s32 $0xFFFFD800  }
0x87: {  	[tilespmem:s3], [sflag:$0x2] =	stream.linear.gather [hbm4b:s25+s3], $0x50, $0x38;
	[tilespmem:$0x16180] =	vst v63  }
0x88: {  	_ =	swait.ge [sflag:s18], $0x50  }
0x89: {  	[sflag:s18] =	ssyncset.done $0x0  }
0x8a: {  	s31 =	sadd.s32 s24, s12;
	[sflag:s18] =	ssyncadd.s32 $0xFFFFFFB0  }
0x8b: {  	[tilespmem:s19], [sflag:$0x2] =	stream.linear.gather [hbm4b:s31+s3], $0x50, $0x38;
	[tilespmem:$0x16180] =	vst v63  }
0x8c: {  	_ =	swait.ge [sflag:s18], $0x50  }
0x8d: {  	[sflag:s18] =	ssyncset.done $0x0  }
0x8e: {  	[sflag:s18] =	ssyncadd.s32 $0xFFFFFFB0  }
0x8f: {  	[tilespmem:s21], [sflag:$0x1] =	stream.indirect.gather [hbm4b:s4+s20], $0x80, s3, s20, $0xb8;
	[tilespmem:$0x16180] =	vst v63  }
0x90: {  	_ =	swait.ge [sflag:s22], $0x2800  }
0x91: {  	[sflag:s22] =	ssyncset.done $0x0  }
0x92: {  	[sflag:s22] =	ssyncadd.s32 $0xFFFFD800  }
0x93: {  	[spmem:s2] =	stream.indirect.scatter.add.f32 [tilespmem:s21], [sflag:$0x2], $0x80, s19, s20, $0xb8;
	[tilespmem:$0x16180] =	vst v63  }
0x94: {  	_ =	swait.ge [sflag:s18], $0x2800  }
0x95: {  	[sflag:s18] =	ssyncset.done $0x0  }
0x96: {  	[sflag:s18] =	ssyncadd.s32 $0xFFFFD800  }
0x97: {  	s24 =	simm.s32 @p0 $0x1FC2;
	[bflag:$0x0] =	sbarrier.arrive $0xFFFF  }
0x98: {  	[hbm:s10], [sflag:s24] =	dma.local @p0 [spmem:s15], $0x1900  }
0x99: {  	s24 =	simm.s32 @p0 $0x2  }
0x9a: {  	s23 =	sadd.s32 $0x1, s23;
	_ =	swait.ge @p0 [sflag:s24], $0x1900  }
0x9b: {  	p1 =	sne.s32 s23, s11;
	[sflag:s24] =	ssyncset.done @p0 $0x0  }
.Ltmp2:
0x9c: {  	[sflag:s24] =	ssyncadd.s32 @p0 $0xFFFFE700;
	s24 =	simm.s32 @!p0 $0x2;
	(pc) =	sbr.rel @p1 .LBB2_1-.Ltmp2, $4  }
0x9d: {  	[hbm:s9], [sflag:s16] =	dma.local @!p0 [spmem:s17], $0x2800  }
0x9e: {  	_ =	swait.ge @!p0 [sflag:s24], $0x2800  }
0x9f: {  	[sflag:s24] =	ssyncset.done @!p0 $0x0  }
0xa0: {  	[sflag:s24] =	ssyncadd.s32 @!p0 $0xFFFFD800  }
0xa1: {  	_ =	sfence.sel $0x180000  }
0xa2: {  	[bflag:$0x0] =	sbarrier.arrive $0xFFFF  }
0xa3: {  	p0 =	sne.s32 s1, $0x0;
	_ =	strace $0x9000004D  }
0xa4: {  	s0 =	sadd.s32 @!p0 $0x100000, s0;
	[bflag:$0x2] =	sbarrier.arrive $0xFFFF  }
0xa5: {  	[sflag:s0] =	ssyncadd.tile.s32 @!p0 $0x1;
	_ =	shalt  }
.Lfunc_end2:
_tile_overlayer_lowered:
.L_overlay_start_2:
0xa6: {  	(tag) =	ssettag $0x2  }
0xa7: {  	s0 =	rddreg [dreg:$0x0];
	s2 =	stileid.u32  }
0xa8: {  	s1 =	rddreg [dreg:$0x1];
	p0 =	sne.s32 s2, $0x0  }
0xa9: {  	s3 =	rddreg [dreg:$0x2];
	[bflag:$0x3] =	sbarrier.arrive $0xFFFF;
	s2 =	simm.s32 @!p0 $0x1C02  }
0xaa: {  	[timem:s3], [sflag:s2] =	dma.local @!p0 [hbm:s0], s1  }
0xab: {  	s0 =	simm.s32 @!p0 $0x2  }
0xac: {  	_ =	swait.ge @!p0 [sflag:s0], s1  }
0xad: {  	s1 =	ssub.s32 @!p0 $0x0, s1;
	[sflag:s0] =	ssyncset.done @!p0 $0x0  }
0xae: {  	[sflag:s0] =	ssyncadd.s32 @!p0 s1  }
0xaf: {  	[bflag:$0x3] =	sbarrier.arrive $0xFFFF  }
0xb0: {  	_ =	shalt  }

// kernel: kernel.19.cloned.1.call-start
scs
__scs_entry_jumppad:
0x0: {  	(pc) =	sbr.rel $0x88, $3  }
0x1: {  	(tag) =	ssettag $0x0;
	lr =	simm.s32 $0x1  }
0x2: {  	[smem:$0x3F95] =	sst lr;
	_ =	strace $0xD0000000  }
0x3: {  	_ = 	snop  }
0x4: {  	_ = 	snop  }
0x5: {  	_ = 	snop  }
0x6: {  	_ = 	snop  }
0x7: {  	_ = 	snop  }
__scs_overlays_trampoline_lowered:
0x8: {  	[smem:$0x3FA4] =	sst s0  }
0x9: {  	[smem:$0x3FA5] =	sst s1  }
0xa: {  	[smem:$0x3FA6] =	sst s2  }
0xb: {  	[smem:$0x3FA7] =	sst s3  }
0xc: {  	[smem:$0x3FA8] =	sst s4  }
0xd: {  	[smem:$0x3FA9] =	sst s5  }
0xe: {  	[smem:$0x3FAA] =	sst s6  }
0xf: {  	[smem:$0x3FAB] =	sst s7  }
0x10: {  	[smem:$0x3FAC] =	sst s8  }
0x11: {  	[smem:$0x3FAD] =	sst s9;
	s0 =	simm.s32 @!p0 $0x0  }
0x12: {  	s1 =	sld [smem:$0x3F93];
	s0 =	simm.s32 @p0 $0x1  }
0x13: {  	[smem:$0x3FAE] =	sst s0;
	s0 =	simm.s32 @!p1 $0x0  }
0x14: {  	s2 =	sld [smem:$0x3F92];
	s0 =	simm.s32 @p1 $0x1  }
0x15: {  	[smem:$0x3FAF] =	sst s0;
	s0 =	simm.s32 @!p2 $0x0  }
0x16: {  	s3 =	sld [smem:$0x3FDB];
	s0 =	simm.s32 @p2 $0x1  }
0x17: {  	s4 =	simm.s32 $0x1BF5;
	[smem:$0x3FB1] =	sst s0  }
0x18: {  	s0 =	sld [smem:$0x3F94];
	_ =	swait.ge [sflag:s4], $0x0  }
0x19: {  	s7 =	sld [smem:$0x3F95]  }
0x1a: {  	s8 =	sadd.s32 $0xFFFFE003, lr  }
0x1b: {  	s9 =	sadd.s32 $0xFFFFFEF7, lr;
	s5 =	simm.s32 $0xFFFFFFFF;
	p2 =	slt.u32 s8, $0xFFFFF086  }
0x1c: {  	p1 =	slt.u32 s9, $0xF7A;
	s5 =	simm.s32 @!p2 $0x0  }
0x1d: {  	s5 =	simm.s32 @p1 $0x1;
	p0 =	seq.s32 s7, s2  }
0x1e: {  	s7 =	smul.u32 @!p0 $0xF7A, s2;
	p2 =	seq.s32 @!p0 s5, $0x0  }
0x1f: {  	s9 =	smul.u32 $0xF7A, s1;
	s8 =	simm.s32 @!p0 $0x1BF5;
	p2 =	por !p2, p0  }
0x20: {  	[sflag:s8] =	ssyncset.s32 @!p0 $0xFFFFF086;
	s6 =	sadd.s32 @!p0 s3, s7;
	s7 =	simm.s32 @!p0 $0x108  }
0x21: {  	s3 =	sadd.s32 s3, s9;
	s6 =	sadd.s32 @!p0 $0x88, s6;
	s7 =	simm.s32 @p2 $0x1082  }
0x22: {  	[simem:s7], [sflag:s8] =	dma.local @!p0 [hbm:s6], $0xF7A  }
0x23: {  	s9 =	sor.u32 $0xD0000000, s2;
	s6 =	simm.s32 $0x108;
	_ =	swait.ge @!p0 [sflag:s8], $0x0  }
0x24: {  	s3 =	sadd.s32 $0x88, s3;
	s6 =	simm.s32 @!p1 $0x1082;
	[sflag:s4] =	ssyncset.s32 $0xFFFFF086  }
0x25: {  	[simem:s6], [sflag:s4] =	dma.local [hbm:s3], $0xF7A  }
0x26: {  	[smem:$0x3F95] =	sst s1;
	(tag) =	ssettag s2;
	_ =	strace s9  }
0x27: {  	s1 =	sld [smem:$0x3FA5]  }
0x28: {  	s2 =	sld [smem:$0x3FA6]  }
0x29: {  	s4 =	sld [smem:$0x3FA8]  }
0x2a: {  	p0 =	seq.s32 s5, $0x0;
	s5 =	sld [smem:$0x3FA9]  }
0x2b: {  	s6 =	sld [smem:$0x3FAA]  }
0x2c: {  	s7 =	sld [smem:$0x3FAB]  }
0x2d: {  	s3 =	simm.s32 $0x108;
	s8 =	sld [smem:$0x3FAC]  }
0x2e: {  	s3 =	simm.s32 @!p0 $0x1082;
	s9 =	sld [smem:$0x3FAD]  }
0x2f: {  	lr =	sadd.s32 s0, s3;
	s0 =	sld [smem:$0x3FA4]  }
0x30: {  	s3 =	sld [smem:$0x3FA7]  }
0x31: {  	[smem:$0x3FB0] =	sst s10  }
0x32: {  	s10 =	sld [smem:$0x3FAE];
	_ =	sdelay $0x3  }
0x33: {  	p0 =	seq.s32 s10, $0x1;
	s10 =	sld [smem:$0x3FB0];
	_ =	sdelay $0x3  }
0x34: {  	[smem:$0x3FB0] =	sst s10  }
0x35: {  	s10 =	sld [smem:$0x3FAF];
	_ =	sdelay $0x3  }
0x36: {  	p1 =	seq.s32 s10, $0x1;
	s10 =	sld [smem:$0x3FB0];
	_ =	sdelay $0x3  }
0x37: {  	[smem:$0x3FB0] =	sst s10  }
0x38: {  	s10 =	sld [smem:$0x3FB1]  }
0x39: {  	_ = 	snop;
	(pc) =	sbr.ind lr, $3  }
0x3a: {  	_ = 	snop  }
0x3b: {  	_ = 	snop  }
0x3c: {  	p2 =	seq.s32 s10, $0x1;
	s10 =	sld [smem:$0x3FB0]  }
0x3d: {  	_ =	shalt  }
0x3e: {  	_ =	shalt  }
0x3f: {  	_ =	shalt  }
0x40: {  	_ =	shalt  }
0x41: {  	_ =	shalt  }
0x42: {  	_ =	shalt  }
0x43: {  	_ =	shalt  }
0x44: {  	_ =	shalt  }
0x45: {  	_ =	shalt  }
0x46: {  	_ =	shalt  }
0x47: {  	_ =	shalt  }
0x48: {  	_ =	shalt  }
0x49: {  	_ =	shalt  }
0x4a: {  	_ =	shalt  }
0x4b: {  	_ =	shalt  }
0x4c: {  	_ =	shalt  }
0x4d: {  	_ =	shalt  }
0x4e: {  	_ =	shalt  }
0x4f: {  	_ =	shalt  }
0x50: {  	_ =	shalt  }
0x51: {  	_ =	shalt  }
0x52: {  	_ =	shalt  }
0x53: {  	_ =	shalt  }
0x54: {  	_ =	shalt  }
0x55: {  	_ =	shalt  }
0x56: {  	_ =	shalt  }
0x57: {  	_ =	shalt  }
0x58: {  	_ =	shalt  }
0x59: {  	_ =	shalt  }
0x5a: {  	_ =	shalt  }
0x5b: {  	_ =	shalt  }
0x5c: {  	_ =	shalt  }
0x5d: {  	_ =	shalt  }
0x5e: {  	_ =	shalt  }
0x5f: {  	_ =	shalt  }
0x60: {  	_ =	shalt  }
0x61: {  	_ =	shalt  }
0x62: {  	_ =	shalt  }
0x63: {  	_ =	shalt  }
0x64: {  	_ =	shalt  }
0x65: {  	_ =	shalt  }
0x66: {  	_ =	shalt  }
0x67: {  	_ =	shalt  }
0x68: {  	_ =	shalt  }
0x69: {  	_ =	shalt  }
0x6a: {  	_ =	shalt  }
0x6b: {  	_ =	shalt  }
0x6c: {  	_ =	shalt  }
0x6d: {  	_ =	shalt  }
0x6e: {  	_ =	shalt  }
0x6f: {  	_ =	shalt  }
0x70: {  	_ =	shalt  }
0x71: {  	_ =	shalt  }
0x72: {  	_ =	shalt  }
0x73: {  	_ =	shalt  }
0x74: {  	_ =	shalt  }
0x75: {  	_ =	shalt  }
0x76: {  	_ =	shalt  }
0x77: {  	_ =	shalt  }
0x78: {  	_ =	shalt  }
0x79: {  	_ =	shalt  }
0x7a: {  	_ =	shalt  }
0x7b: {  	_ =	shalt  }
0x7c: {  	_ =	shalt  }
0x7d: {  	_ =	shalt  }
0x7e: {  	_ =	shalt  }
0x7f: {  	_ =	shalt  }
0x80: {  	_ =	shalt  }
0x81: {  	_ =	shalt  }
0x82: {  	_ =	shalt  }
0x83: {  	_ =	shalt  }
0x84: {  	_ =	shalt  }
0x85: {  	_ =	shalt  }
0x86: {  	_ =	shalt  }
0x87: {  	_ =	shalt  }
.Lfunc_end0:
.L_simem_size_0:
called_computation.3_lowered:
.L_overlay_start_0:
0x88: {  	s2 =	sld [smem:$0x3FD9]  }
0x89: {  	s3 =	sld [smem:$0x3FFE];
	_ =	sdelay $0x1  }
0x8a: {  	s1 =	srdreg.scid  }
0x8b: {  	s0 =	sand.u32 $0x1, s1  }
0x8c: {  	s16 =	sshll.u32 s0, $0xA;
	s2 =	sadd.s32 s3, s2  }
0x8d: {  	s2 =	sadd.s32 s2, s16  }
0x8e: {  	[smem:$0x3FBC] =	sst s2  }
0x8f: {  	_ = 	snop  }
0x90: {  	(tm) =	ssettm $0x1  }
0x91: {  	s17 =	sld [smem:$0x3FFB];
	_ =	sdelay $0x3  }
0x92: {  	_ =	strace s17  }
0x93: {  	s2 =	sld [smem:$0x3FFC];
	_ =	sdelay $0x3  }
0x94: {  	_ =	strace s2  }
0x95: {  	s2 =	sld [smem:$0x3FFD];
	_ =	sdelay $0x3  }
0x96: {  	_ =	strace s2  }
0x97: {  	_ =	strace $0x8FFFFFFF  }
0x98: {  	s18 =	sld [smem:$0x3FDB];
	_ =	sdelay $0x1  }
0x99: {  	s19 =	simm.s32 $_scs_section_size  }
0x9a: {  	s4 =	simm.s32 $_size__tile_overlayer_lowered;
	s5 =	simm.s32 $_tile_overlayer_lowered  }
0x9b: {  	s22 =	simm.s32 $0x1BFF;
	s21 =	sshll.u32 s5, $0x1;
	s2 =	sadd.s32 s19, s18  }
0x9c: {  	s6 =	simm.s32 $0x0;
	s20 =	sshll.u32 s4, $0x1;
	s4 =	sadd.s32 s21, s2  }
0x9d: {  	[timem:s6], [sflag:s22] =	dma.local [hbm:s4], s20  }
0x9e: {  	_ =	swait.ge [sflag:s22], s20  }
0x9f: {  	s3 =	ssub.s32 $0x0, s20;
	[sflag:s22] =	ssyncset.done $0x0  }
0xa0: {  	[sflag:s22] =	ssyncadd.s32 s3;
	_ =	sdelay $0x1  }
0xa1: {  	s23 =	simm.s32 $0x1B8B  }
0xa2: {  	_ =	swait.ge [sflag:s23], $0x1  }
0xa3: {  	[sflag:s23] =	ssyncset.done $0x0  }
0xa4: {  	s25 =	simm.s32 $0x1B8E;
	s24 =	sld [smem:$0x3FFE];
	[sflag:s23] =	ssyncadd.s32 $0xFFFFFFFF  }
0xa5: {  	s26 =	simm.s32 $execute0_lowered;
	[smem:$0x3FD2] =	sst s25  }
0xa6: {  	s4 =	sshll.u32 s26, $0x1;
	_ =	strace $0x8000004F;
	[dreg:$0x1] =	wrdreg $0xFFFFFFFF  }
0xa7: {  	s28 =	simm.s32 $_size_execute0_lowered;
	s2 =	sadd.s32 s2, s4;
	[dreg:$0x0] =	wrdreg $0x0  }
0xa8: {  	s4 =	sshll.u32 s28, $0x1;
	[dreg:$0x2] =	wrdreg s2  }
0xa9: {  	[dreg:$0x3] =	wrdreg s4  }
0xaa: {  	[dreg:$0x4] =	wrdreg $0xC0  }
0xab: {  	_ =	task [dreg:s6], $0x5FFFF  }
0xac: {  	[dreg:$0x1] =	wrdreg $0xFFFFFFFF  }
0xad: {  	[dreg:$0x0] =	wrdreg $0x60  }
0xae: {  	[dreg:$0x2] =	wrdreg s24  }
0xaf: {  	[dreg:$0x3] =	wrdreg $0x29000  }
0xb0: {  	[dreg:$0x4] =	wrdreg $0x9  }
0xb1: {  	_ =	task.clear_ibuf [dreg:s6], $0x5FFFF;
	_ =	strace $0x9000004F  }
0xb2: {  	s29 =	simm.s32 $0x9;
	_ =	strace $0x80000051  }
0xb3: {  	_ =	swait.ge [sflag:s29], $0x1  }
0xb4: {  	[sflag:s29] =	ssyncadd.s32 $0xFFFFFFFF  }
0xb5: {  	_ =	strace $0x90000051  }
0xb6: {  	_ =	sfence  }
0xb7: {  	s30 =	sld [smem:$0x0];
	_ =	sdelay $0x2  }
0xb8: {  	s31 =	sshll.u32 s1, $0xD;
	s1 =	sshrl.u32 s1, $0x2  }
0xb9: {  	s3 =	sand.u32 $0x4000, s31;
	s1 =	sadd.s32 s1, s30  }
0xba: {  	s0 =	sor.u32 s3, s0;
	s1 =	sshll.u32 s1, $0x11  }
0xbb: {  	s0 =	sor.u32 s1, s0  }
0xbc: {  	s0 =	sadd.s32 $0x8F2B, s0  }
0xbd: {  	[sflag:s0] =	ssyncadd.remote.s32 $0x1  }
0xbe: {  	_ =	sfence.sel $0xFFFF  }
0xbf: {  	[dreg:$0x0] =	wrdreg $0xFFFFFFFF;
	(pc) =	sbr.abs _section_cstart, $3  }
0xc0: {  	[dreg:$0x1] =	wrdreg $0xFFFFFFFF  }
0xc1: {  	_ =	task.clear_ibuf [dreg:s6], $0x2FFFF;
	_ =	strace $0x9FFFFFFF  }
0xc2: {  	(tm) =	ssettm $0x7FFFFFFF  }
0xc3: {  	_ =	shalt  }
tec
execute0_lowered:
.L_overlay_start_1:
0x0: {  	(tag) =	ssettag $0x1  }
0x1: {  	s6 =	rddreg [dreg:$0x0]  }
0x2: {  	s2 =	rddreg [dreg:$0x1];
	s1 =	stileid.u32  }
0x3: {  	s0 =	rddreg [dreg:$0x2];
	s5 =	smul.u32 $0x1388, s1  }
0x4: {  	s3 =	simm.s32 $0x0;
	s22 =	srdreg.scid;
	s7 =	smul.u32 $0x2800, s1  }
0x5: {  	[smem:$0x7FF] =	sst s3;
	s23 =	smul.u32 $0x50000, s1  }
0x6: {  	s4 =	sadd.s32 $0x188200, s6;
	s14 =	sadd.s32 $0x9DC00, s6;
	s11 =	smul.u32 $0x9C40, s1  }
0x7: {  	s8 =	sand.u32 $0x1, s22;
	s9 =	sadd.s32 $0xEBE00, s6;
	s24 =	smul.u32 $0x280, s1  }
0x8: {  	s18 =	sadd.s32 $0x12C000, s2;
	p0 =	seq.s32 s1, $0xF;
	s15 =	smul.u32 $0x4E20, s8  }
0x9: {  	s22 =	simm.s32 $0x1;
	_ =	strace $0x80000050;
	s16 =	smul.u32 $0x271000, s8  }
0xa: {  	s10 =	ssub.s32 $0x2, s8;
	s25 =	sshllo.u32 s8, $0x1;
	s21 =	smul.u32 $0x138800, s8  }
0xb: {  	s12 =	sadd.s32 s5, s6;
	s7 =	sadd.s32 s7, s6;
	s13 =	sshrl.u32 s10, $0x1  }
0xc: {  	s5 =	sshrl.u32 s23, $0x2;
	s19 =	smul.u32 $0x2710, s25;
	s6 =	sadd.s32 $0x3A600, s6  }
0xd: {  	s20 =	smul.u32 $0x138800, s25;
	s23 =	simm.s32 $0x0;
	s13 =	ssub.s32 s10, s13  }
0xe: {  	s17 =	sadd.s32 s5, s2;
	s5 =	sadd.s32 $0x14E00, s7;
	s15 =	sadd.s32 s24, s15  }
0xf: {  	s26 =	sshrl.u32 s16, $0x3;
	s29 =	sadd.s32 s11, s21;
	s12 =	sadd.s32 $0x8A200, s12  }
0x10: {  	s16 =	sshll.u32 @!p0 s1, $0x6;
	s21 =	simm.s32 $0x100;
	s15 =	sshll.u32 s15, $0x4  }
0x11: {  	s8 =	sadd.s32 s9, s26;
	s10 =	sadd.s32 s24, s19;
	s28 =	sshrl.u32 s20, $0x3  }
0x12: {  	s11 =	smax.u32 s13, $0x1;
	s30 =	sadd.s32 $0x9C400, s29;
	s16 =	sor.u32 @!p0 $0x1C02, s16  }
0x13: {  	s17 =	sshrl.u32 @!p0 s17, $0x3;
	s19 =	simm.s32 $0x80;
	s20 =	simm.s32 $0x50  }
0x14: {  	s7 =	sadd.s32 s9, s15;
	s10 =	sshll.u32 s10, $0x4;
	s15 =	sadd.s32 s9, s28  }
0x15: {  	s9 =	sadd.s32 s9, s10;
	s10 =	sadd.s32 $0x25800, s15;
	s15 =	sshrl.u32 s29, $0x3  }
0x16: {  	s8 =	sadd.s32 $0x25800, s8;
	s31 =	sshrl.u32 s30, $0x3;
	s13 =	sadd.s32 s15, s14  }
0x17: {  	s14 =	sadd.s32 s31, s14;
	s15 =	sshrl.u32 @p0 s18, $0x3;
	s18 =	simm.s32 $0x2  }
.LBB2_1:
0x18: {  	s24 =	simm.s32 @p0 $0x1FC2  }
0x19: {  	[spmem:s15], [sflag:s24] =	dma.local @p0 [hbm:s6], $0x1900  }
0x1a: {  	s24 =	simm.s32 @p0 $0x2  }
0x1b: {  	_ =	swait.ge @p0 [sflag:s24], $0x1900  }
0x1c: {  	[sflag:s24] =	ssyncset.done @p0 $0x0  }
0x1d: {  	[sflag:s24] =	ssyncadd.s32 @p0 $0xFFFFE700;
	s24 =	simm.s32 @!p0 $0x2  }
0x1e: {  	[spmem:s17], [sflag:s16] =	dma.local @!p0 [hbm:s5], $0x2800  }
0x1f: {  	_ =	swait.ge @!p0 [sflag:s24], $0x2800  }
0x20: {  	[sflag:s24] =	ssyncset.done @!p0 $0x0  }
0x21: {  	[sflag:s24] =	ssyncadd.s32 @!p0 $0xFFFFD800  }
0x22: {  	s30 =	sadd.s32 $0x0, s13;
	[bflag:$0x0] =	sbarrier.arrive $0xFFFF  }
0x23: {  	[tilespmem:s3], [sflag:$0x2] =	stream.linear.gather [hbm4b:s30+s3], $0x50, $0x38;
	[tilespmem:$0x16180] =	vst v63  }
0x24: {  	_ =	swait.ge [sflag:s18], $0x50  }
0x25: {  	[sflag:s18] =	ssyncset.done $0x0  }
0x26: {  	s31 =	sadd.s32 $0x0, s12;
	[sflag:s18] =	ssyncadd.s32 $0xFFFFFFB0  }
0x27: {  	[tilespmem:s19], [sflag:$0x2] =	stream.linear.gather [hbm4b:s31+s3], $0x50, $0x38;
	[tilespmem:$0x16180] =	vst v63  }
0x28: {  	_ =	swait.ge [sflag:s18], $0x50  }
0x29: {  	[sflag:s18] =	ssyncset.done $0x0  }
0x2a: {  	[sflag:s18] =	ssyncadd.s32 $0xFFFFFFB0  }
0x2b: {  	[tilespmem:s21], [sflag:$0x1] =	stream.indirect.gather [hbm4b:s4+s20], $0x80, s3, s20, $0xb8;
	[tilespmem:$0x16180] =	vst v63  }
0x2c: {  	_ =	swait.ge [sflag:s22], $0x2800  }
0x2d: {  	[sflag:s22] =	ssyncset.done $0x0  }
0x2e: {  	[sflag:s22] =	ssyncadd.s32 $0xFFFFD800  }
0x2f: {  	[spmem:s2] =	stream.indirect.scatter.add.f32 [tilespmem:s21], [sflag:$0x2], $0x80, s19, s20, $0xb8;
	[tilespmem:$0x16180] =	vst v63  }
0x30: {  	_ =	swait.ge [sflag:s18], $0x2800  }
0x31: {  	s25 =	simm.s32 $0x14;
	s24 =	simm.s32 $0xA;
	[sflag:s18] =	ssyncset.done $0x0  }
.LBB2_2:
0x32: {  	s26 =	sadd.s32 s24, s13  }
0x33: {  	[sflag:s18] =	ssyncadd.s32 $0xFFFFD800;
	s28 =	smov.u32 s25;
	s29 =	sadd.s32 $0xA, s25  }
0x34: {  	[tilespmem:s3], [sflag:$0x2] =	stream.linear.gather [hbm4b:s26+s3], $0x50, $0x38;
	[tilespmem:$0x16180] =	vst v63  }
0x35: {  	p1 =	sne.s32 s25, $0x137E;
	_ =	swait.ge [sflag:s18], $0x50  }
0x36: {  	[sflag:s18] =	ssyncset.done $0x0  }
0x37: {  	s25 =	sadd.s32 s24, s12;
	s24 =	smov.u32 s28;
	[sflag:s18] =	ssyncadd.s32 $0xFFFFFFB0  }
0x38: {  	[tilespmem:s19], [sflag:$0x2] =	stream.linear.gather [hbm4b:s25+s3], $0x50, $0x38;
	[tilespmem:$0x16180] =	vst v63  }
0x39: {  	_ =	swait.ge [sflag:s18], $0x50  }
0x3a: {  	[sflag:s18] =	ssyncset.done $0x0  }
0x3b: {  	[sflag:s18] =	ssyncadd.s32 $0xFFFFFFB0  }
0x3c: {  	[tilespmem:s21], [sflag:$0x1] =	stream.indirect.gather [hbm4b:s4+s20], $0x80, s3, s20, $0xb8;
	[tilespmem:$0x16180] =	vst v63  }
0x3d: {  	_ =	swait.ge [sflag:s22], $0x2800  }
.Ltmp0:
0x3e: {  	[sflag:s22] =	ssyncset.done $0x0;
	(pc) =	sbr.rel @p1 .LBB2_2-.Ltmp0, $4  }
0x3f: {  	[sflag:s22] =	ssyncadd.s32 $0xFFFFD800  }
0x40: {  	[spmem:s2] =	stream.indirect.scatter.add.f32 [tilespmem:s21], [sflag:$0x2], $0x80, s19, s20, $0xb8;
	[tilespmem:$0x16180] =	vst v63  }
0x41: {  	_ =	swait.ge [sflag:s18], $0x2800  }
0x42: {  	s25 =	smov.u32 s29;
	[sflag:s18] =	ssyncset.done $0x0  }
0x43: {  	s25 =	sadd.s32 s24, s13;
	[sflag:s18] =	ssyncadd.s32 $0xFFFFD800  }
0x44: {  	[tilespmem:s3], [sflag:$0x2] =	stream.linear.gather [hbm4b:s25+s3], $0x50, $0x38;
	[tilespmem:$0x16180] =	vst v63  }
0x45: {  	_ =	swait.ge [sflag:s18], $0x50  }
0x46: {  	[sflag:s18] =	ssyncset.done $0x0  }
0x47: {  	s29 =	sadd.s32 s24, s12;
	[sflag:s18] =	ssyncadd.s32 $0xFFFFFFB0  }
0x48: {  	[tilespmem:s19], [sflag:$0x2] =	stream.linear.gather [hbm4b:s29+s3], $0x50, $0x38;
	[tilespmem:$0x16180] =	vst v63  }
0x49: {  	_ =	swait.ge [sflag:s18], $0x50  }
0x4a: {  	[sflag:s18] =	ssyncset.done $0x0  }
0x4b: {  	[sflag:s18] =	ssyncadd.s32 $0xFFFFFFB0  }
0x4c: {  	[tilespmem:s21], [sflag:$0x1] =	stream.indirect.gather [hbm4b:s4+s20], $0x80, s3, s20, $0xb8;
	[tilespmem:$0x16180] =	vst v63  }
0x4d: {  	_ =	swait.ge [sflag:s22], $0x2800  }
0x4e: {  	[sflag:s22] =	ssyncset.done $0x0  }
0x4f: {  	[sflag:s22] =	ssyncadd.s32 $0xFFFFD800  }
0x50: {  	[spmem:s2] =	stream.indirect.scatter.add.f32 [tilespmem:s21], [sflag:$0x2], $0x80, s19, s20, $0xb8;
	[tilespmem:$0x16180] =	vst v63  }
0x51: {  	_ =	swait.ge [sflag:s18], $0x2800  }
0x52: {  	[sflag:s18] =	ssyncset.done $0x0  }
0x53: {  	[sflag:s18] =	ssyncadd.s32 $0xFFFFD800  }
0x54: {  	s24 =	simm.s32 @p0 $0x1FC2;
	s25 =	simm.s32 @p0 $0x2;
	[bflag:$0x0] =	sbarrier.arrive $0xFFFF  }
0x55: {  	[hbm:s8], [sflag:s24] =	dma.local @p0 [spmem:s15], $0x1900  }
0x56: {  	_ =	swait.ge @p0 [sflag:s25], $0x1900  }
0x57: {  	[sflag:s25] =	ssyncset.done @p0 $0x0  }
0x58: {  	[sflag:s25] =	ssyncadd.s32 @p0 $0xFFFFE700  }
0x59: {  	[spmem:s15], [sflag:s24] =	dma.local @p0 [hbm:s6], $0x1900  }
0x5a: {  	_ =	swait.ge @p0 [sflag:s25], $0x1900  }
0x5b: {  	[sflag:s25] =	ssyncset.done @p0 $0x0  }
0x5c: {  	s24 =	simm.s32 @!p0 $0x2;
	[sflag:s25] =	ssyncadd.s32 @p0 $0xFFFFE700  }
0x5d: {  	[hbm:s7], [sflag:s16] =	dma.local @!p0 [spmem:s17], $0x2800  }
0x5e: {  	_ =	swait.ge @!p0 [sflag:s24], $0x2800  }
0x5f: {  	[sflag:s24] =	ssyncset.done @!p0 $0x0  }
0x60: {  	[sflag:s24] =	ssyncadd.s32 @!p0 $0xFFFFD800  }
0x61: {  	[spmem:s17], [sflag:s16] =	dma.local @!p0 [hbm:s5], $0x2800  }
0x62: {  	_ =	swait.ge @!p0 [sflag:s24], $0x2800  }
0x63: {  	[sflag:s24] =	ssyncset.done @!p0 $0x0  }
0x64: {  	[sflag:s24] =	ssyncadd.s32 @!p0 $0xFFFFD800  }
0x65: {  	s30 =	sadd.s32 $0x0, s14;
	[bflag:$0x0] =	sbarrier.arrive $0xFFFF  }
0x66: {  	[tilespmem:s3], [sflag:$0x2] =	stream.linear.gather [hbm4b:s30+s3], $0x50, $0x38;
	[tilespmem:$0x16180] =	vst v63  }
0x67: {  	_ =	swait.ge [sflag:s18], $0x50  }
0x68: {  	[sflag:s18] =	ssyncset.done $0x0  }
0x69: {  	s31 =	sadd.s32 $0x0, s12;
	[sflag:s18] =	ssyncadd.s32 $0xFFFFFFB0  }
0x6a: {  	[tilespmem:s19], [sflag:$0x2] =	stream.linear.gather [hbm4b:s31+s3], $0x50, $0x38;
	[tilespmem:$0x16180] =	vst v63  }
0x6b: {  	_ =	swait.ge [sflag:s18], $0x50  }
0x6c: {  	[sflag:s18] =	ssyncset.done $0x0  }
0x6d: {  	[sflag:s18] =	ssyncadd.s32 $0xFFFFFFB0  }
0x6e: {  	[tilespmem:s21], [sflag:$0x1] =	stream.indirect.gather [hbm4b:s4+s20], $0x80, s3, s20, $0xb8;
	[tilespmem:$0x16180] =	vst v63  }
0x6f: {  	_ =	swait.ge [sflag:s22], $0x2800  }
0x70: {  	[sflag:s22] =	ssyncset.done $0x0  }
0x71: {  	[sflag:s22] =	ssyncadd.s32 $0xFFFFD800  }
0x72: {  	[spmem:s2] =	stream.indirect.scatter.add.f32 [tilespmem:s21], [sflag:$0x2], $0x80, s19, s20, $0xb8;
	[tilespmem:$0x16180] =	vst v63  }
0x73: {  	_ =	swait.ge [sflag:s18], $0x2800  }
0x74: {  	s25 =	simm.s32 $0x14;
	s24 =	simm.s32 $0xA;
	[sflag:s18] =	ssyncset.done $0x0  }
.LBB2_4:
0x75: {  	s26 =	sadd.s32 s24, s14  }
0x76: {  	[sflag:s18] =	ssyncadd.s32 $0xFFFFD800;
	s28 =	smov.u32 s25;
	s29 =	sadd.s32 $0xA, s25  }
0x77: {  	[tilespmem:s3], [sflag:$0x2] =	stream.linear.gather [hbm4b:s26+s3], $0x50, $0x38;
	[tilespmem:$0x16180] =	vst v63  }
0x78: {  	p1 =	sne.s32 s25, $0x137E;
	_ =	swait.ge [sflag:s18], $0x50  }
0x79: {  	[sflag:s18] =	ssyncset.done $0x0  }
0x7a: {  	s25 =	sadd.s32 s24, s12;
	s24 =	smov.u32 s28;
	[sflag:s18] =	ssyncadd.s32 $0xFFFFFFB0  }
0x7b: {  	[tilespmem:s19], [sflag:$0x2] =	stream.linear.gather [hbm4b:s25+s3], $0x50, $0x38;
	[tilespmem:$0x16180] =	vst v63  }
0x7c: {  	_ =	swait.ge [sflag:s18], $0x50  }
0x7d: {  	[sflag:s18] =	ssyncset.done $0x0  }
0x7e: {  	[sflag:s18] =	ssyncadd.s32 $0xFFFFFFB0  }
0x7f: {  	[tilespmem:s21], [sflag:$0x1] =	stream.indirect.gather [hbm4b:s4+s20], $0x80, s3, s20, $0xb8;
	[tilespmem:$0x16180] =	vst v63  }
0x80: {  	_ =	swait.ge [sflag:s22], $0x2800  }
.Ltmp1:
0x81: {  	[sflag:s22] =	ssyncset.done $0x0;
	(pc) =	sbr.rel @p1 .LBB2_4-.Ltmp1, $4  }
0x82: {  	[sflag:s22] =	ssyncadd.s32 $0xFFFFD800  }
0x83: {  	[spmem:s2] =	stream.indirect.scatter.add.f32 [tilespmem:s21], [sflag:$0x2], $0x80, s19, s20, $0xb8;
	[tilespmem:$0x16180] =	vst v63  }
0x84: {  	_ =	swait.ge [sflag:s18], $0x2800  }
0x85: {  	s25 =	smov.u32 s29;
	[sflag:s18] =	ssyncset.done $0x0  }
0x86: {  	s25 =	sadd.s32 s24, s14;
	[sflag:s18] =	ssyncadd.s32 $0xFFFFD800  }
0x87: {  	[tilespmem:s3], [sflag:$0x2] =	stream.linear.gather [hbm4b:s25+s3], $0x50, $0x38;
	[tilespmem:$0x16180] =	vst v63  }
0x88: {  	_ =	swait.ge [sflag:s18], $0x50  }
0x89: {  	[sflag:s18] =	ssyncset.done $0x0  }
0x8a: {  	s31 =	sadd.s32 s24, s12;
	[sflag:s18] =	ssyncadd.s32 $0xFFFFFFB0  }
0x8b: {  	[tilespmem:s19], [sflag:$0x2] =	stream.linear.gather [hbm4b:s31+s3], $0x50, $0x38;
	[tilespmem:$0x16180] =	vst v63  }
0x8c: {  	_ =	swait.ge [sflag:s18], $0x50  }
0x8d: {  	[sflag:s18] =	ssyncset.done $0x0  }
0x8e: {  	[sflag:s18] =	ssyncadd.s32 $0xFFFFFFB0  }
0x8f: {  	[tilespmem:s21], [sflag:$0x1] =	stream.indirect.gather [hbm4b:s4+s20], $0x80, s3, s20, $0xb8;
	[tilespmem:$0x16180] =	vst v63  }
0x90: {  	_ =	swait.ge [sflag:s22], $0x2800  }
0x91: {  	[sflag:s22] =	ssyncset.done $0x0  }
0x92: {  	[sflag:s22] =	ssyncadd.s32 $0xFFFFD800  }
0x93: {  	[spmem:s2] =	stream.indirect.scatter.add.f32 [tilespmem:s21], [sflag:$0x2], $0x80, s19, s20, $0xb8;
	[tilespmem:$0x16180] =	vst v63  }
0x94: {  	_ =	swait.ge [sflag:s18], $0x2800  }
0x95: {  	[sflag:s18] =	ssyncset.done $0x0  }
0x96: {  	[sflag:s18] =	ssyncadd.s32 $0xFFFFD800  }
0x97: {  	s24 =	simm.s32 @p0 $0x1FC2;
	[bflag:$0x0] =	sbarrier.arrive $0xFFFF  }
0x98: {  	[hbm:s10], [sflag:s24] =	dma.local @p0 [spmem:s15], $0x1900  }
0x99: {  	s24 =	simm.s32 @p0 $0x2  }
0x9a: {  	s23 =	sadd.s32 $0x1, s23;
	_ =	swait.ge @p0 [sflag:s24], $0x1900  }
0x9b: {  	p1 =	sne.s32 s23, s11;
	[sflag:s24] =	ssyncset.done @p0 $0x0  }
.Ltmp2:
0x9c: {  	[sflag:s24] =	ssyncadd.s32 @p0 $0xFFFFE700;
	s24 =	simm.s32 @!p0 $0x2;
	(pc) =	sbr.rel @p1 .LBB2_1-.Ltmp2, $4  }
0x9d: {  	[hbm:s9], [sflag:s16] =	dma.local @!p0 [spmem:s17], $0x2800  }
0x9e: {  	_ =	swait.ge @!p0 [sflag:s24], $0x2800  }
0x9f: {  	[sflag:s24] =	ssyncset.done @!p0 $0x0  }
0xa0: {  	[sflag:s24] =	ssyncadd.s32 @!p0 $0xFFFFD800  }
0xa1: {  	_ =	sfence.sel $0x180000  }
0xa2: {  	[bflag:$0x0] =	sbarrier.arrive $0xFFFF  }
0xa3: {  	p0 =	sne.s32 s1, $0x0;
	_ =	strace $0x90000050  }
0xa4: {  	s0 =	sadd.s32 @!p0 $0x100000, s0;
	[bflag:$0x2] =	sbarrier.arrive $0xFFFF  }
0xa5: {  	[sflag:s0] =	ssyncadd.tile.s32 @!p0 $0x1;
	_ =	shalt  }
.Lfunc_end2:
_tile_overlayer_lowered:
.L_overlay_start_2:
0xa6: {  	(tag) =	ssettag $0x2  }
0xa7: {  	s0 =	rddreg [dreg:$0x0];
	s2 =	stileid.u32  }
0xa8: {  	s1 =	rddreg [dreg:$0x1];
	p0 =	sne.s32 s2, $0x0  }
0xa9: {  	s3 =	rddreg [dreg:$0x2];
	[bflag:$0x3] =	sbarrier.arrive $0xFFFF;
	s2 =	simm.s32 @!p0 $0x1C02  }
0xaa: {  	[timem:s3], [sflag:s2] =	dma.local @!p0 [hbm:s0], s1  }
0xab: {  	s0 =	simm.s32 @!p0 $0x2  }
0xac: {  	_ =	swait.ge @!p0 [sflag:s0], s1  }
0xad: {  	s1 =	ssub.s32 @!p0 $0x0, s1;
	[sflag:s0] =	ssyncset.done @!p0 $0x0  }
0xae: {  	[sflag:s0] =	ssyncadd.s32 @!p0 s1  }
0xaf: {  	[bflag:$0x3] =	sbarrier.arrive $0xFFFF  }
0xb0: {  	_ =	shalt  }

</sc_bundles>
